<compile_context>
chip_gen: v7x
topology: tpu7x:2x2x1
jax: 0.10.2.dev20260603
libtpu: 0.0.44.dev20260713+nightly
codegen_flags: <defaults>
</compile_context>

<pallas_src>
import functools

import jax
import jax.numpy as jnp
from jax import lax
from jax.experimental import pallas as pl
from jax.experimental.pallas import tpu as pltpu
from jax.experimental.pallas import tpu_sc as plsc

VOCAB = 1000000
EMBED_DIM = 64
BATCH = 16384
NUM_CLASS = 40

_NC = 2
_NS = 16
_NW = _NC * _NS
_B_PER_W = BATCH // _NW

_TAIL_START = (VOCAB // 128) * 128
_TAIL = VOCAB - _TAIL_START
_VT_MAX = _TAIL_START - 128


def _gather_sc(indexes, tableT):
    mesh = plsc.VectorSubcoreMesh(core_axis_name="c", subcore_axis_name="s")

    @functools.partial(
        pl.kernel,
        mesh=mesh,
        out_type=jax.ShapeDtypeStruct((BATCH, EMBED_DIM), jnp.float32),
        compiler_params=pltpu.CompilerParams(needs_layout_passes=False),
        scratch_types=[
            pltpu.VMEM((_B_PER_W,), jnp.int32),
            pltpu.VMEM((8, EMBED_DIM, 128), jnp.float32),
            pltpu.VMEM((EMBED_DIM, _TAIL), jnp.float32),
            pltpu.VMEM((_B_PER_W // 2, EMBED_DIM), jnp.float32),
            pltpu.SemaphoreType.DMA,
            pltpu.SemaphoreType.DMA,
            pltpu.SemaphoreType.DMA,
            pltpu.SemaphoreType.DMA,
            pltpu.SemaphoreType.DMA,
            pltpu.SemaphoreType.DMA,
            pltpu.SemaphoreType.DMA,
            pltpu.SemaphoreType.DMA,
        ],
    )
    def k(idx_hbm, tableT_hbm, out_hbm, idx_v, tiles_v, tail_v, rows_v,
          s0, s1, s2, s3, s4, s5, s6, s7):
        sems = [s0, s1, s2, s3, s4, s5, s6, s7]
        wid = lax.axis_index("s") * _NC + lax.axis_index("c")
        base = wid * _B_PER_W
        pltpu.sync_copy(idx_hbm.at[pl.ds(base, _B_PER_W)], idx_v)
        pltpu.sync_copy(tableT_hbm.at[:, pl.ds(_TAIL_START, _TAIL)], tail_v)
        d4 = [lax.iota(jnp.int32, 16) + 16 * kk for kk in range(4)]

        def _fetch(off, slot):
            pltpu.async_copy(
                tableT_hbm.at[:, pl.ds(off, 128)], tiles_v.at[slot],
                sems[slot],
            )

        def _slot_wait(slot):
            pltpu.make_async_copy(
                tableT_hbm.at[:, pl.ds(0, 128)], tiles_v.at[slot], sems[slot]
            ).wait()

        iv0 = idx_v[pl.ds(0, 16)]
        vt0 = jnp.minimum(iv0 & ~127, _VT_MAX)
        for u in range(8):
            _fetch(pl.multiple_of(vt0[u], 128), u)

        half_t = _B_PER_W // 32

        def body(t, carry):
            @pl.when(t == half_t)
            def _():
                pltpu.sync_copy(
                    rows_v, out_hbm.at[pl.ds(base, _B_PER_W // 2)]
                )

            iv = idx_v[pl.ds(t * 16, 16)]
            vt = jnp.minimum(iv & ~127, _VT_MAX)
            vin = iv & 127
            tail = (iv >= _TAIL_START).astype(jnp.int32)
            tn = jnp.minimum(t + 1, _B_PER_W // 16 - 1)
            ivn = idx_v[pl.ds(tn * 16, 16)]
            vtn = jnp.minimum(ivn & ~127, _VT_MAX)
            for lane in range(16):
                slot = lane % 8
                _slot_wait(slot)
                jj = t * 16 + lane
                c16 = jnp.full((16,), vin[lane], jnp.int32)
                mf16 = jnp.full((16,), tail[lane], jnp.int32).astype(
                    jnp.float32
                )
                j16 = jnp.full((16,), jj & (_B_PER_W // 2 - 1), jnp.int32)
                for kk in range(4):
                    v_main = plsc.load_gather(tiles_v.at[slot], [d4[kk], c16])
                    v_tail = plsc.load_gather(tail_v, [d4[kk], c16])
                    val = v_main * (1.0 - mf16) + v_tail * mf16
                    plsc.store_scatter(rows_v, [j16, d4[kk]], val)
                if lane < 8:
                    off = pl.multiple_of(vt[lane + 8], 128)
                else:
                    off = pl.multiple_of(vtn[lane - 8], 128)
                _fetch(off, slot)
            return carry

        lax.fori_loop(0, _B_PER_W // 16, body, 0)
        for u in range(8):
            _slot_wait(u)
        pltpu.sync_copy(
            rows_v, out_hbm.at[pl.ds(base + _B_PER_W // 2, _B_PER_W // 2)]
        )

    return k(indexes, tableT)


def _mm_body(x_ref, wt_ref, b_ref, o_ref):
    o_ref[...] = (
        jnp.dot(x_ref[...], wt_ref[...], preferred_element_type=jnp.float32)
        + b_ref[...]
    )


def _classify_tc(x, W, b):
    blk = 4096
    wt = W.T
    b2 = b.reshape(1, NUM_CLASS)
    return pl.pallas_call(
        _mm_body,
        grid=(BATCH // blk,),
        in_specs=[
            pl.BlockSpec((blk, EMBED_DIM), lambda i: (i, 0)),
            pl.BlockSpec((EMBED_DIM, NUM_CLASS), lambda i: (0, 0)),
            pl.BlockSpec((1, NUM_CLASS), lambda i: (0, 0)),
        ],
        out_specs=pl.BlockSpec((blk, NUM_CLASS), lambda i: (i, 0)),
        out_shape=jax.ShapeDtypeStruct((BATCH, NUM_CLASS), jnp.float32),
    )(x, wt, b2)


def kernel(indexes, table, W, b):
    x = _gather_sc(indexes, table.T)
    return _classify_tc(x, W, b)

# --- scband reference (transcript-rebuilt; emitter-appended) ---
"""Pipeline reference for scband-node-classifier-46256797778565 (READ-ONLY COPY).

The authoritative reference and input builder live on the scoring server;
editing this copy changes nothing except your own understanding.
"""

import jax, jax.numpy as jnp
import numpy as np

VOCAB = 1000000
EMBED_DIM = 64
BATCH = 16384
NUM_CLASS = 40


def setup_inputs(seed: int = 0) -> dict:
    key = jax.random.key(seed)
    k1, k2, k3 = jax.random.split(key, 3)
    indexes = jax.random.randint(k1, (BATCH,), 0, VOCAB, dtype=jnp.int32)
    # pretrained (frozen) embedding table, normalization=False so used as-is
    table = jax.random.normal(k2, (VOCAB, EMBED_DIM), dtype=jnp.float32) * 0.02
    # nn.Linear(EMBED_DIM, NUM_CLASS): weight [out, in], bias [out]
    W = jax.random.normal(k3, (NUM_CLASS, EMBED_DIM), dtype=jnp.float32) * (1.0 / np.sqrt(EMBED_DIM))
    b = jnp.zeros((NUM_CLASS,), dtype=jnp.float32)
    return {"indexes": indexes, "table": table, "W": W, "b": b}


def reference(indexes, table, W, b):
    # embedding lookup (gather) -> SparseCore-friendly
    x = jnp.take(table, indexes, axis=0)          # [BATCH, EMBED_DIM]
    # linear layer: x @ W^T + b
    out = x @ W.T + b                             # [BATCH, NUM_CLASS]
    return out

if __name__ == "__main__":
    import jax
    _d = setup_inputs()
    print(jax.jit(kernel)(*tuple(_d.values())))

</pallas_src>

<mosaic_0001>
#map = affine_map<(d0, d1) -> (0)>
#map1 = affine_map<(d0, d1) -> (0, 0)>
module attributes {stable_mosaic.version = 14 : i64} {
  func.func @k(%arg0: i32, %arg1: i32, %arg2: memref<16384xi32, #tpu.memory_space<hbm>>, %arg3: memref<64x1000000xf32, #tpu.memory_space<hbm>>, %arg4: memref<16384x64xf32, #tpu.memory_space<hbm>>, %arg5: memref<512xi32, #tpu.memory_space<vmem>>, %arg6: memref<8x64x128xf32, #tpu.memory_space<vmem>>, %arg7: memref<64x64xf32, #tpu.memory_space<vmem>>, %arg8: memref<256x64xf32, #tpu.memory_space<vmem>>, %arg9: memref<!tpu.dma_semaphore, #tpu.memory_space<semaphore_mem>>, %arg10: memref<!tpu.dma_semaphore, #tpu.memory_space<semaphore_mem>>, %arg11: memref<!tpu.dma_semaphore, #tpu.memory_space<semaphore_mem>>, %arg12: memref<!tpu.dma_semaphore, #tpu.memory_space<semaphore_mem>>, %arg13: memref<!tpu.dma_semaphore, #tpu.memory_space<semaphore_mem>>, %arg14: memref<!tpu.dma_semaphore, #tpu.memory_space<semaphore_mem>>, %arg15: memref<!tpu.dma_semaphore, #tpu.memory_space<semaphore_mem>>, %arg16: memref<!tpu.dma_semaphore, #tpu.memory_space<semaphore_mem>>) attributes {dimension_semantics = [#tpu.dimension_semantics<core_parallel>, #tpu.dimension_semantics<subcore_parallel>], iteration_bounds = array<i64: 2, 16>, scalar_prefetch = 0 : i64, scratch_operands = 12 : i64, tpu.core_type = #tpu.core_type<sc_vector_subcore>, window_params = [{transform_indices = #map}, {transform_indices = #map1}, {transform_indices = #map1}]} {
    %mul3A = arith.constant 2 : i32
    %mul3A_0 = arith.muli %arg1, %mul3A : i32
    %add3A = arith.addi %mul3A_0, %arg0 : i32
    %mul3A_1 = arith.constant 512 : i32
    %mul3A_2 = arith.muli %add3A, %mul3A_1 : i32
    "tpu.region"() ({
      %run_scoped3A = tpu.sem_alloc : memref<!tpu.dma_semaphore, #tpu.memory_space<semaphore_mem>>
      %dma_start3A_273 = tpu.memref_slice %arg2[%mul3A_2] : memref<16384xi32, #tpu.memory_space<hbm>> -> memref<512xi32, #tpu.memory_space<hbm>>
      %dma_start3A_274 = tpu.memref_slice %arg2[%mul3A_2] : memref<16384xi32, #tpu.memory_space<hbm>> -> memref<512xi32, #tpu.memory_space<hbm>>
      tpu.enqueue_dma source(%dma_start3A_274 : memref<512xi32, #tpu.memory_space<hbm>>) target(%arg5 : memref<512xi32, #tpu.memory_space<vmem>>) target_semaphore(%run_scoped3A : memref<!tpu.dma_semaphore, #tpu.memory_space<semaphore_mem>>)
      %dma_wait3A_275 = tpu.memref_slice %arg2[%mul3A_2] : memref<16384xi32, #tpu.memory_space<hbm>> -> memref<512xi32, #tpu.memory_space<hbm>>
      %dma_wait3A_276 = tpu.memref_slice %arg2[%mul3A_2] : memref<16384xi32, #tpu.memory_space<hbm>> -> memref<512xi32, #tpu.memory_space<hbm>>
      tpu.wait_dma2 semaphore(%run_scoped3A : memref<!tpu.dma_semaphore, #tpu.memory_space<semaphore_mem>>) src(%dma_wait3A_276 : memref<512xi32, #tpu.memory_space<hbm>>) dst(%arg5 : memref<512xi32, #tpu.memory_space<vmem>>)
      tpu.yield
    }) : () -> ()
    "tpu.region"() ({
      %run_scoped3A = tpu.sem_alloc : memref<!tpu.dma_semaphore, #tpu.memory_space<semaphore_mem>>
      %dma_start3A_273 = arith.constant 0 : i32
      %dma_start3A_274 = arith.constant 999936 : i32
      %dma_start3A_275 = tpu.memref_slice %arg3[%dma_start3A_273, %dma_start3A_274] : memref<64x1000000xf32, #tpu.memory_space<hbm>> -> memref<64x64xf32, #tpu.memory_space<hbm>>
      %dma_start3A_276 = arith.constant 0 : i32
      %dma_start3A_277 = arith.constant 999936 : i32
      %dma_start3A_278 = tpu.memref_slice %arg3[%dma_start3A_276, %dma_start3A_277] : memref<64x1000000xf32, #tpu.memory_space<hbm>> -> memref<64x64xf32, #tpu.memory_space<hbm>>
      tpu.enqueue_dma source(%dma_start3A_278 : memref<64x64xf32, #tpu.memory_space<hbm>>) target(%arg7 : memref<64x64xf32, #tpu.memory_space<vmem>>) target_semaphore(%run_scoped3A : memref<!tpu.dma_semaphore, #tpu.memory_space<semaphore_mem>>)
      %dma_wait3A_279 = arith.constant 0 : i32
      %dma_wait3A_280 = arith.constant 999936 : i32
      %dma_wait3A_281 = tpu.memref_slice %arg3[%dma_wait3A_279, %dma_wait3A_280] : memref<64x1000000xf32, #tpu.memory_space<hbm>> -> memref<64x64xf32, #tpu.memory_space<hbm>>
      %dma_wait3A_282 = arith.constant 0 : i32
      %dma_wait3A_283 = arith.constant 999936 : i32
      %dma_wait3A_284 = tpu.memref_slice %arg3[%dma_wait3A_282, %dma_wait3A_283] : memref<64x1000000xf32, #tpu.memory_space<hbm>> -> memref<64x64xf32, #tpu.memory_space<hbm>>
      tpu.wait_dma2 semaphore(%run_scoped3A : memref<!tpu.dma_semaphore, #tpu.memory_space<semaphore_mem>>) src(%dma_wait3A_284 : memref<64x64xf32, #tpu.memory_space<hbm>>) dst(%arg7 : memref<64x64xf32, #tpu.memory_space<vmem>>)
      tpu.yield
    }) : () -> ()
    %iota3A = tpu.iota {dimensions = array<i32: 0>} : vector<16xi32>
    %add3A_3 = arith.constant 0 : i32
    %add3A_4 = vector.broadcast %add3A_3 : i32 to vector<16xi32>
    %add3A_5 = arith.addi %iota3A, %add3A_4 : vector<16xi32>
    %iota3A_6 = tpu.iota {dimensions = array<i32: 0>} : vector<16xi32>
    %add3A_7 = arith.constant 16 : i32
    %add3A_8 = vector.broadcast %add3A_7 : i32 to vector<16xi32>
    %add3A_9 = arith.addi %iota3A_6, %add3A_8 : vector<16xi32>
    %iota3A_10 = tpu.iota {dimensions = array<i32: 0>} : vector<16xi32>
    %add3A_11 = arith.constant 32 : i32
    %add3A_12 = vector.broadcast %add3A_11 : i32 to vector<16xi32>
    %add3A_13 = arith.addi %iota3A_10, %add3A_12 : vector<16xi32>
    %iota3A_14 = tpu.iota {dimensions = array<i32: 0>} : vector<16xi32>
    %add3A_15 = arith.constant 48 : i32
    %add3A_16 = vector.broadcast %add3A_15 : i32 to vector<16xi32>
    %add3A_17 = arith.addi %iota3A_14, %add3A_16 : vector<16xi32>
    %get3A = arith.constant 0 : index
    %get3A_18 = tpu.vector_load %arg5[%get3A] {strides = array<i32>} : memref<512xi32, #tpu.memory_space<vmem>>, vector<16xi32>,
    %and3A = arith.constant -128 : i32
    %and3A_19 = vector.broadcast %and3A : i32 to vector<16xi32>
    %and3A_20 = arith.andi %get3A_18, %and3A_19 : vector<16xi32>
    %min3A = arith.constant 999808 : i32
    %min3A_21 = vector.broadcast %min3A : i32 to vector<16xi32>
    %min3A_22 = arith.minsi %and3A_20, %min3A_21 : vector<16xi32>
    %slice3A = vector.extract_strided_slice %min3A_22 {offsets = [0], sizes = [1], strides = [1]} : vector<16xi32> to vector<1xi32>
    %squeeze3A = vector.extract %slice3A[0] : i32 from vector<1xi32>
    %multiple_of3A = tpu.assume_multiple %squeeze3A, 128 : i32
    %dma_start3A = arith.constant 0 : i32
    %dma_start3A_23 = arith.constant 0 : i32
    %dma_start3A_24 = arith.constant 0 : i32
    %dma_start3A_25 = tpu.memref_slice %arg6[%dma_start3A, %dma_start3A_23, %dma_start3A_24] : memref<8x64x128xf32, #tpu.memory_space<vmem>> -> memref<1x64x128xf32, #tpu.memory_space<vmem>>
    %dma_start3A_26 = tpu.memref_squeeze %dma_start3A_25 : memref<1x64x128xf32, #tpu.memory_space<vmem>> -> memref<64x128xf32, #tpu.memory_space<vmem>>
    %dma_start3A_27 = arith.constant 0 : i32
    %dma_start3A_28 = tpu.memref_slice %arg3[%dma_start3A_27, %multiple_of3A] : memref<64x1000000xf32, #tpu.memory_space<hbm>> -> memref<64x128xf32, #tpu.memory_space<hbm>>
    %dma_start3A_29 = arith.constant 0 : i32
    %dma_start3A_30 = arith.constant 0 : i32
    %dma_start3A_31 = tpu.memref_slice %arg6[%dma_start3A, %dma_start3A_29, %dma_start3A_30] : memref<8x64x128xf32, #tpu.memory_space<vmem>> -> memref<1x64x128xf32, #tpu.memory_space<vmem>>
    %dma_start3A_32 = tpu.memref_squeeze %dma_start3A_31 : memref<1x64x128xf32, #tpu.memory_space<vmem>> -> memref<64x128xf32, #tpu.memory_space<vmem>>
    %dma_start3A_33 = arith.constant 0 : i32
    %dma_start3A_34 = tpu.memref_slice %arg3[%dma_start3A_33, %multiple_of3A] : memref<64x1000000xf32, #tpu.memory_space<hbm>> -> memref<64x128xf32, #tpu.memory_space<hbm>>
    tpu.enqueue_dma source(%dma_start3A_34 : memref<64x128xf32, #tpu.memory_space<hbm>>) target(%dma_start3A_32 : memref<64x128xf32, #tpu.memory_space<vmem>>) target_semaphore(%arg9 : memref<!tpu.dma_semaphore, #tpu.memory_space<semaphore_mem>>)
    %slice3A_35 = vector.extract_strided_slice %min3A_22 {offsets = [1], sizes = [1], strides = [1]} : vector<16xi32> to vector<1xi32>
    %squeeze3A_36 = vector.extract %slice3A_35[0] : i32 from vector<1xi32>
    %multiple_of3A_37 = tpu.assume_multiple %squeeze3A_36, 128 : i32
    %dma_start3A_38 = arith.constant 1 : i32
    %dma_start3A_39 = arith.constant 0 : i32
    %dma_start3A_40 = arith.constant 0 : i32
    %dma_start3A_41 = tpu.memref_slice %arg6[%dma_start3A_38, %dma_start3A_39, %dma_start3A_40] : memref<8x64x128xf32, #tpu.memory_space<vmem>> -> memref<1x64x128xf32, #tpu.memory_space<vmem>>
    %dma_start3A_42 = tpu.memref_squeeze %dma_start3A_41 : memref<1x64x128xf32, #tpu.memory_space<vmem>> -> memref<64x128xf32, #tpu.memory_space<vmem>>
    %dma_start3A_43 = arith.constant 0 : i32
    %dma_start3A_44 = tpu.memref_slice %arg3[%dma_start3A_43, %multiple_of3A_37] : memref<64x1000000xf32, #tpu.memory_space<hbm>> -> memref<64x128xf32, #tpu.memory_space<hbm>>
    %dma_start3A_45 = arith.constant 0 : i32
    %dma_start3A_46 = arith.constant 0 : i32
    %dma_start3A_47 = tpu.memref_slice %arg6[%dma_start3A_38, %dma_start3A_45, %dma_start3A_46] : memref<8x64x128xf32, #tpu.memory_space<vmem>> -> memref<1x64x128xf32, #tpu.memory_space<vmem>>
    %dma_start3A_48 = tpu.memref_squeeze %dma_start3A_47 : memref<1x64x128xf32, #tpu.memory_space<vmem>> -> memref<64x128xf32, #tpu.memory_space<vmem>>
    %dma_start3A_49 = arith.constant 0 : i32
    %dma_start3A_50 = tpu.memref_slice %arg3[%dma_start3A_49, %multiple_of3A_37] : memref<64x1000000xf32, #tpu.memory_space<hbm>> -> memref<64x128xf32, #tpu.memory_space<hbm>>
    tpu.enqueue_dma source(%dma_start3A_50 : memref<64x128xf32, #tpu.memory_space<hbm>>) target(%dma_start3A_48 : memref<64x128xf32, #tpu.memory_space<vmem>>) target_semaphore(%arg10 : memref<!tpu.dma_semaphore, #tpu.memory_space<semaphore_mem>>)
    %slice3A_51 = vector.extract_strided_slice %min3A_22 {offsets = [2], sizes = [1], strides = [1]} : vector<16xi32> to vector<1xi32>
    %squeeze3A_52 = vector.extract %slice3A_51[0] : i32 from vector<1xi32>
    %multiple_of3A_53 = tpu.assume_multiple %squeeze3A_52, 128 : i32
    %dma_start3A_54 = arith.constant 2 : i32
    %dma_start3A_55 = arith.constant 0 : i32
    %dma_start3A_56 = arith.constant 0 : i32
    %dma_start3A_57 = tpu.memref_slice %arg6[%dma_start3A_54, %dma_start3A_55, %dma_start3A_56] : memref<8x64x128xf32, #tpu.memory_space<vmem>> -> memref<1x64x128xf32, #tpu.memory_space<vmem>>
    %dma_start3A_58 = tpu.memref_squeeze %dma_start3A_57 : memref<1x64x128xf32, #tpu.memory_space<vmem>> -> memref<64x128xf32, #tpu.memory_space<vmem>>
    %dma_start3A_59 = arith.constant 0 : i32
    %dma_start3A_60 = tpu.memref_slice %arg3[%dma_start3A_59, %multiple_of3A_53] : memref<64x1000000xf32, #tpu.memory_space<hbm>> -> memref<64x128xf32, #tpu.memory_space<hbm>>
    %dma_start3A_61 = arith.constant 0 : i32
    %dma_start3A_62 = arith.constant 0 : i32
    %dma_start3A_63 = tpu.memref_slice %arg6[%dma_start3A_54, %dma_start3A_61, %dma_start3A_62] : memref<8x64x128xf32, #tpu.memory_space<vmem>> -> memref<1x64x128xf32, #tpu.memory_space<vmem>>
    %dma_start3A_64 = tpu.memref_squeeze %dma_start3A_63 : memref<1x64x128xf32, #tpu.memory_space<vmem>> -> memref<64x128xf32, #tpu.memory_space<vmem>>
    %dma_start3A_65 = arith.constant 0 : i32
    %dma_start3A_66 = tpu.memref_slice %arg3[%dma_start3A_65, %multiple_of3A_53] : memref<64x1000000xf32, #tpu.memory_space<hbm>> -> memref<64x128xf32, #tpu.memory_space<hbm>>
    tpu.enqueue_dma source(%dma_start3A_66 : memref<64x128xf32, #tpu.memory_space<hbm>>) target(%dma_start3A_64 : memref<64x128xf32, #tpu.memory_space<vmem>>) target_semaphore(%arg11 : memref<!tpu.dma_semaphore, #tpu.memory_space<semaphore_mem>>)
    %slice3A_67 = vector.extract_strided_slice %min3A_22 {offsets = [3], sizes = [1], strides = [1]} : vector<16xi32> to vector<1xi32>
    %squeeze3A_68 = vector.extract %slice3A_67[0] : i32 from vector<1xi32>
    %multiple_of3A_69 = tpu.assume_multiple %squeeze3A_68, 128 : i32
    %dma_start3A_70 = arith.constant 3 : i32
    %dma_start3A_71 = arith.constant 0 : i32
    %dma_start3A_72 = arith.constant 0 : i32
    %dma_start3A_73 = tpu.memref_slice %arg6[%dma_start3A_70, %dma_start3A_71, %dma_start3A_72] : memref<8x64x128xf32, #tpu.memory_space<vmem>> -> memref<1x64x128xf32, #tpu.memory_space<vmem>>
    %dma_start3A_74 = tpu.memref_squeeze %dma_start3A_73 : memref<1x64x128xf32, #tpu.memory_space<vmem>> -> memref<64x128xf32, #tpu.memory_space<vmem>>
    %dma_start3A_75 = arith.constant 0 : i32
    %dma_start3A_76 = tpu.memref_slice %arg3[%dma_start3A_75, %multiple_of3A_69] : memref<64x1000000xf32, #tpu.memory_space<hbm>> -> memref<64x128xf32, #tpu.memory_space<hbm>>
    %dma_start3A_77 = arith.constant 0 : i32
    %dma_start3A_78 = arith.constant 0 : i32
    %dma_start3A_79 = tpu.memref_slice %arg6[%dma_start3A_70, %dma_start3A_77, %dma_start3A_78] : memref<8x64x128xf32, #tpu.memory_space<vmem>> -> memref<1x64x128xf32, #tpu.memory_space<vmem>>
    %dma_start3A_80 = tpu.memref_squeeze %dma_start3A_79 : memref<1x64x128xf32, #tpu.memory_space<vmem>> -> memref<64x128xf32, #tpu.memory_space<vmem>>
    %dma_start3A_81 = arith.constant 0 : i32
    %dma_start3A_82 = tpu.memref_slice %arg3[%dma_start3A_81, %multiple_of3A_69] : memref<64x1000000xf32, #tpu.memory_space<hbm>> -> memref<64x128xf32, #tpu.memory_space<hbm>>
    tpu.enqueue_dma source(%dma_start3A_82 : memref<64x128xf32, #tpu.memory_space<hbm>>) target(%dma_start3A_80 : memref<64x128xf32, #tpu.memory_space<vmem>>) target_semaphore(%arg12 : memref<!tpu.dma_semaphore, #tpu.memory_space<semaphore_mem>>)
    %slice3A_83 = vector.extract_strided_slice %min3A_22 {offsets = [4], sizes = [1], strides = [1]} : vector<16xi32> to vector<1xi32>
    %squeeze3A_84 = vector.extract %slice3A_83[0] : i32 from vector<1xi32>
    %multiple_of3A_85 = tpu.assume_multiple %squeeze3A_84, 128 : i32
    %dma_start3A_86 = arith.constant 4 : i32
    %dma_start3A_87 = arith.constant 0 : i32
    %dma_start3A_88 = arith.constant 0 : i32
    %dma_start3A_89 = tpu.memref_slice %arg6[%dma_start3A_86, %dma_start3A_87, %dma_start3A_88] : memref<8x64x128xf32, #tpu.memory_space<vmem>> -> memref<1x64x128xf32, #tpu.memory_space<vmem>>
    %dma_start3A_90 = tpu.memref_squeeze %dma_start3A_89 : memref<1x64x128xf32, #tpu.memory_space<vmem>> -> memref<64x128xf32, #tpu.memory_space<vmem>>
    %dma_start3A_91 = arith.constant 0 : i32
    %dma_start3A_92 = tpu.memref_slice %arg3[%dma_start3A_91, %multiple_of3A_85] : memref<64x1000000xf32, #tpu.memory_space<hbm>> -> memref<64x128xf32, #tpu.memory_space<hbm>>
    %dma_start3A_93 = arith.constant 0 : i32
    %dma_start3A_94 = arith.constant 0 : i32
    %dma_start3A_95 = tpu.memref_slice %arg6[%dma_start3A_86, %dma_start3A_93, %dma_start3A_94] : memref<8x64x128xf32, #tpu.memory_space<vmem>> -> memref<1x64x128xf32, #tpu.memory_space<vmem>>
    %dma_start3A_96 = tpu.memref_squeeze %dma_start3A_95 : memref<1x64x128xf32, #tpu.memory_space<vmem>> -> memref<64x128xf32, #tpu.memory_space<vmem>>
    %dma_start3A_97 = arith.constant 0 : i32
    %dma_start3A_98 = tpu.memref_slice %arg3[%dma_start3A_97, %multiple_of3A_85] : memref<64x1000000xf32, #tpu.memory_space<hbm>> -> memref<64x128xf32, #tpu.memory_space<hbm>>
    tpu.enqueue_dma source(%dma_start3A_98 : memref<64x128xf32, #tpu.memory_space<hbm>>) target(%dma_start3A_96 : memref<64x128xf32, #tpu.memory_space<vmem>>) target_semaphore(%arg13 : memref<!tpu.dma_semaphore, #tpu.memory_space<semaphore_mem>>)
    %slice3A_99 = vector.extract_strided_slice %min3A_22 {offsets = [5], sizes = [1], strides = [1]} : vector<16xi32> to vector<1xi32>
    %squeeze3A_100 = vector.extract %slice3A_99[0] : i32 from vector<1xi32>
    %multiple_of3A_101 = tpu.assume_multiple %squeeze3A_100, 128 : i32
    %dma_start3A_102 = arith.constant 5 : i32
    %dma_start3A_103 = arith.constant 0 : i32
    %dma_start3A_104 = arith.constant 0 : i32
    %dma_start3A_105 = tpu.memref_slice %arg6[%dma_start3A_102, %dma_start3A_103, %dma_start3A_104] : memref<8x64x128xf32, #tpu.memory_space<vmem>> -> memref<1x64x128xf32, #tpu.memory_space<vmem>>
    %dma_start3A_106 = tpu.memref_squeeze %dma_start3A_105 : memref<1x64x128xf32, #tpu.memory_space<vmem>> -> memref<64x128xf32, #tpu.memory_space<vmem>>
    %dma_start3A_107 = arith.constant 0 : i32
    %dma_start3A_108 = tpu.memref_slice %arg3[%dma_start3A_107, %multiple_of3A_101] : memref<64x1000000xf32, #tpu.memory_space<hbm>> -> memref<64x128xf32, #tpu.memory_space<hbm>>
    %dma_start3A_109 = arith.constant 0 : i32
    %dma_start3A_110 = arith.constant 0 : i32
    %dma_start3A_111 = tpu.memref_slice %arg6[%dma_start3A_102, %dma_start3A_109, %dma_start3A_110] : memref<8x64x128xf32, #tpu.memory_space<vmem>> -> memref<1x64x128xf32, #tpu.memory_space<vmem>>
    %dma_start3A_112 = tpu.memref_squeeze %dma_start3A_111 : memref<1x64x128xf32, #tpu.memory_space<vmem>> -> memref<64x128xf32, #tpu.memory_space<vmem>>
    %dma_start3A_113 = arith.constant 0 : i32
    %dma_start3A_114 = tpu.memref_slice %arg3[%dma_start3A_113, %multiple_of3A_101] : memref<64x1000000xf32, #tpu.memory_space<hbm>> -> memref<64x128xf32, #tpu.memory_space<hbm>>
    tpu.enqueue_dma source(%dma_start3A_114 : memref<64x128xf32, #tpu.memory_space<hbm>>) target(%dma_start3A_112 : memref<64x128xf32, #tpu.memory_space<vmem>>) target_semaphore(%arg14 : memref<!tpu.dma_semaphore, #tpu.memory_space<semaphore_mem>>)
    %slice3A_115 = vector.extract_strided_slice %min3A_22 {offsets = [6], sizes = [1], strides = [1]} : vector<16xi32> to vector<1xi32>
    %squeeze3A_116 = vector.extract %slice3A_115[0] : i32 from vector<1xi32>
    %multiple_of3A_117 = tpu.assume_multiple %squeeze3A_116, 128 : i32
    %dma_start3A_118 = arith.constant 6 : i32
    %dma_start3A_119 = arith.constant 0 : i32
    %dma_start3A_120 = arith.constant 0 : i32
    %dma_start3A_121 = tpu.memref_slice %arg6[%dma_start3A_118, %dma_start3A_119, %dma_start3A_120] : memref<8x64x128xf32, #tpu.memory_space<vmem>> -> memref<1x64x128xf32, #tpu.memory_space<vmem>>
    %dma_start3A_122 = tpu.memref_squeeze %dma_start3A_121 : memref<1x64x128xf32, #tpu.memory_space<vmem>> -> memref<64x128xf32, #tpu.memory_space<vmem>>
    %dma_start3A_123 = arith.constant 0 : i32
    %dma_start3A_124 = tpu.memref_slice %arg3[%dma_start3A_123, %multiple_of3A_117] : memref<64x1000000xf32, #tpu.memory_space<hbm>> -> memref<64x128xf32, #tpu.memory_space<hbm>>
    %dma_start3A_125 = arith.constant 0 : i32
    %dma_start3A_126 = arith.constant 0 : i32
    %dma_start3A_127 = tpu.memref_slice %arg6[%dma_start3A_118, %dma_start3A_125, %dma_start3A_126] : memref<8x64x128xf32, #tpu.memory_space<vmem>> -> memref<1x64x128xf32, #tpu.memory_space<vmem>>
    %dma_start3A_128 = tpu.memref_squeeze %dma_start3A_127 : memref<1x64x128xf32, #tpu.memory_space<vmem>> -> memref<64x128xf32, #tpu.memory_space<vmem>>
    %dma_start3A_129 = arith.constant 0 : i32
    %dma_start3A_130 = tpu.memref_slice %arg3[%dma_start3A_129, %multiple_of3A_117] : memref<64x1000000xf32, #tpu.memory_space<hbm>> -> memref<64x128xf32, #tpu.memory_space<hbm>>
    tpu.enqueue_dma source(%dma_start3A_130 : memref<64x128xf32, #tpu.memory_space<hbm>>) target(%dma_start3A_128 : memref<64x128xf32, #tpu.memory_space<vmem>>) target_semaphore(%arg15 : memref<!tpu.dma_semaphore, #tpu.memory_space<semaphore_mem>>)
    %slice3A_131 = vector.extract_strided_slice %min3A_22 {offsets = [7], sizes = [1], strides = [1]} : vector<16xi32> to vector<1xi32>
    %squeeze3A_132 = vector.extract %slice3A_131[0] : i32 from vector<1xi32>
    %multiple_of3A_133 = tpu.assume_multiple %squeeze3A_132, 128 : i32
    %dma_start3A_134 = arith.constant 7 : i32
    %dma_start3A_135 = arith.constant 0 : i32
    %dma_start3A_136 = arith.constant 0 : i32
    %dma_start3A_137 = tpu.memref_slice %arg6[%dma_start3A_134, %dma_start3A_135, %dma_start3A_136] : memref<8x64x128xf32, #tpu.memory_space<vmem>> -> memref<1x64x128xf32, #tpu.memory_space<vmem>>
    %dma_start3A_138 = tpu.memref_squeeze %dma_start3A_137 : memref<1x64x128xf32, #tpu.memory_space<vmem>> -> memref<64x128xf32, #tpu.memory_space<vmem>>
    %dma_start3A_139 = arith.constant 0 : i32
    %dma_start3A_140 = tpu.memref_slice %arg3[%dma_start3A_139, %multiple_of3A_133] : memref<64x1000000xf32, #tpu.memory_space<hbm>> -> memref<64x128xf32, #tpu.memory_space<hbm>>
    %dma_start3A_141 = arith.constant 0 : i32
    %dma_start3A_142 = arith.constant 0 : i32
    %dma_start3A_143 = tpu.memref_slice %arg6[%dma_start3A_134, %dma_start3A_141, %dma_start3A_142] : memref<8x64x128xf32, #tpu.memory_space<vmem>> -> memref<1x64x128xf32, #tpu.memory_space<vmem>>
    %dma_start3A_144 = tpu.memref_squeeze %dma_start3A_143 : memref<1x64x128xf32, #tpu.memory_space<vmem>> -> memref<64x128xf32, #tpu.memory_space<vmem>>
    %dma_start3A_145 = arith.constant 0 : i32
    %dma_start3A_146 = tpu.memref_slice %arg3[%dma_start3A_145, %multiple_of3A_133] : memref<64x1000000xf32, #tpu.memory_space<hbm>> -> memref<64x128xf32, #tpu.memory_space<hbm>>
    tpu.enqueue_dma source(%dma_start3A_146 : memref<64x128xf32, #tpu.memory_space<hbm>>) target(%dma_start3A_144 : memref<64x128xf32, #tpu.memory_space<vmem>>) target_semaphore(%arg16 : memref<!tpu.dma_semaphore, #tpu.memory_space<semaphore_mem>>)
    %scan3A = arith.constant 0 : i32
    %scan3A_147 = arith.constant 0 : i32
    %scan3A_148 = arith.constant 32 : i32
    %scan3A_149 = arith.addi %scan3A_147, %scan3A_148 : i32
    %scan3A_150 = arith.constant 1 : i32
    scf.for %scan3A_273 = %scan3A_147 to %scan3A_149 step %scan3A_150  : i32 {
      %eq3A = arith.constant 16 : i32
      %eq3A_274 = arith.cmpi eq, %scan3A_273, %eq3A : i32
      %convert_element_type3A = arith.extui %eq3A_274 : i1 to i32
      %cond3A = arith.constant 0 : i32
      %cond3A_275 = arith.cmpi ne, %convert_element_type3A, %cond3A : i32
      scf.if %cond3A_275 {
        "tpu.region"() ({
          %run_scoped3A = tpu.sem_alloc : memref<!tpu.dma_semaphore, #tpu.memory_space<semaphore_mem>>
          %dma_start3A_1855 = arith.constant 0 : i32
          %dma_start3A_1856 = tpu.memref_slice %arg4[%mul3A_2, %dma_start3A_1855] : memref<16384x64xf32, #tpu.memory_space<hbm>> -> memref<256x64xf32, #tpu.memory_space<hbm>>
          %dma_start3A_1857 = arith.constant 0 : i32
          %dma_start3A_1858 = tpu.memref_slice %arg4[%mul3A_2, %dma_start3A_1857] : memref<16384x64xf32, #tpu.memory_space<hbm>> -> memref<256x64xf32, #tpu.memory_space<hbm>>
          tpu.enqueue_dma source(%arg8 : memref<256x64xf32, #tpu.memory_space<vmem>>) target(%dma_start3A_1858 : memref<256x64xf32, #tpu.memory_space<hbm>>) target_semaphore(%run_scoped3A : memref<!tpu.dma_semaphore, #tpu.memory_space<semaphore_mem>>)
          %dma_wait3A_1859 = arith.constant 0 : i32
          %dma_wait3A_1860 = tpu.memref_slice %arg4[%mul3A_2, %dma_wait3A_1859] : memref<16384x64xf32, #tpu.memory_space<hbm>> -> memref<256x64xf32, #tpu.memory_space<hbm>>
          %dma_wait3A_1861 = arith.constant 0 : i32
          %dma_wait3A_1862 = tpu.memref_slice %arg4[%mul3A_2, %dma_wait3A_1861] : memref<16384x64xf32, #tpu.memory_space<hbm>> -> memref<256x64xf32, #tpu.memory_space<hbm>>
          tpu.wait_dma2 semaphore(%run_scoped3A : memref<!tpu.dma_semaphore, #tpu.memory_space<semaphore_mem>>) src(%arg8 : memref<256x64xf32, #tpu.memory_space<vmem>>) dst(%dma_wait3A_1862 : memref<256x64xf32, #tpu.memory_space<hbm>>)
          tpu.yield
        }) : () -> ()
      } else {
      }
      %mul3A_276 = arith.constant 16 : i32
      %mul3A_277 = arith.muli %scan3A_273, %mul3A_276 : i32
      %get3A_278 = arith.index_cast %mul3A_277 : i32 to index
      %get3A_279 = tpu.vector_load %arg5[%get3A_278] {strides = array<i32>} : memref<512xi32, #tpu.memory_space<vmem>>, vector<16xi32>,
      %and3A_280 = arith.constant -128 : i32
      %and3A_281 = vector.broadcast %and3A_280 : i32 to vector<16xi32>
      %and3A_282 = arith.andi %get3A_279, %and3A_281 : vector<16xi32>
      %min3A_283 = arith.constant 999808 : i32
      %min3A_284 = vector.broadcast %min3A_283 : i32 to vector<16xi32>
      %min3A_285 = arith.minsi %and3A_282, %min3A_284 : vector<16xi32>
      %and3A_286 = arith.constant 127 : i32
      %and3A_287 = vector.broadcast %and3A_286 : i32 to vector<16xi32>
      %and3A_288 = arith.andi %get3A_279, %and3A_287 : vector<16xi32>
      %ge3A = arith.constant 999936 : i32
      %ge3A_289 = vector.broadcast %ge3A : i32 to vector<16xi32>
      %ge3A_290 = arith.cmpi sge, %get3A_279, %ge3A_289 : vector<16xi32>
      %convert_element_type3A_291 = arith.extui %ge3A_290 : vector<16xi1> to vector<16xi32>
      %add3A_292 = arith.constant 1 : i32
      %add3A_293 = arith.addi %scan3A_273, %add3A_292 : i32
      %min3A_294 = arith.constant 31 : i32
      %min3A_295 = arith.minsi %add3A_293, %min3A_294 : i32
      %mul3A_296 = arith.constant 16 : i32
      %mul3A_297 = arith.muli %min3A_295, %mul3A_296 : i32
      %get3A_298 = arith.index_cast %mul3A_297 : i32 to index
      %get3A_299 = tpu.vector_load %arg5[%get3A_298] {strides = array<i32>} : memref<512xi32, #tpu.memory_space<vmem>>, vector<16xi32>,
      %and3A_300 = arith.constant -128 : i32
      %and3A_301 = vector.broadcast %and3A_300 : i32 to vector<16xi32>
      %and3A_302 = arith.andi %get3A_299, %and3A_301 : vector<16xi32>
      %min3A_303 = arith.constant 999808 : i32
      %min3A_304 = vector.broadcast %min3A_303 : i32 to vector<16xi32>
      %min3A_305 = arith.minsi %and3A_302, %min3A_304 : vector<16xi32>
      %dma_wait3A_306 = arith.constant 0 : i32
      %dma_wait3A_307 = arith.constant 0 : i32
      %dma_wait3A_308 = arith.constant 0 : i32
      %dma_wait3A_309 = tpu.memref_slice %arg6[%dma_wait3A_306, %dma_wait3A_307, %dma_wait3A_308] : memref<8x64x128xf32, #tpu.memory_space<vmem>> -> memref<1x64x128xf32, #tpu.memory_space<vmem>>
      %dma_wait3A_310 = tpu.memref_squeeze %dma_wait3A_309 : memref<1x64x128xf32, #tpu.memory_space<vmem>> -> memref<64x128xf32, #tpu.memory_space<vmem>>
      %dma_wait3A_311 = arith.constant 0 : i32
      %dma_wait3A_312 = arith.constant 0 : i32
      %dma_wait3A_313 = tpu.memref_slice %arg3[%dma_wait3A_311, %dma_wait3A_312] : memref<64x1000000xf32, #tpu.memory_space<hbm>> -> memref<64x128xf32, #tpu.memory_space<hbm>>
      %dma_wait3A_314 = arith.constant 0 : i32
      %dma_wait3A_315 = arith.constant 0 : i32
      %dma_wait3A_316 = tpu.memref_slice %arg6[%dma_wait3A_306, %dma_wait3A_314, %dma_wait3A_315] : memref<8x64x128xf32, #tpu.memory_space<vmem>> -> memref<1x64x128xf32, #tpu.memory_space<vmem>>
      %dma_wait3A_317 = tpu.memref_squeeze %dma_wait3A_316 : memref<1x64x128xf32, #tpu.memory_space<vmem>> -> memref<64x128xf32, #tpu.memory_space<vmem>>
      %dma_wait3A_318 = arith.constant 0 : i32
      %dma_wait3A_319 = arith.constant 0 : i32
      %dma_wait3A_320 = tpu.memref_slice %arg3[%dma_wait3A_318, %dma_wait3A_319] : memref<64x1000000xf32, #tpu.memory_space<hbm>> -> memref<64x128xf32, #tpu.memory_space<hbm>>
      tpu.wait_dma2 semaphore(%arg9 : memref<!tpu.dma_semaphore, #tpu.memory_space<semaphore_mem>>) src(%dma_wait3A_320 : memref<64x128xf32, #tpu.memory_space<hbm>>) dst(%dma_wait3A_317 : memref<64x128xf32, #tpu.memory_space<vmem>>)
      %mul3A_321 = arith.constant 16 : i32
      %mul3A_322 = arith.muli %scan3A_273, %mul3A_321 : i32
      %add3A_323 = arith.constant 0 : i32
      %add3A_324 = arith.addi %mul3A_322, %add3A_323 : i32
      %slice3A_325 = vector.extract_strided_slice %and3A_288 {offsets = [0], sizes = [1], strides = [1]} : vector<16xi32> to vector<1xi32>
      %squeeze3A_326 = vector.extract %slice3A_325[0] : i32 from vector<1xi32>
      %broadcast_in_dim3A = vector.broadcast %squeeze3A_326 : i32 to vector<16xi32>
      %slice3A_327 = vector.extract_strided_slice %convert_element_type3A_291 {offsets = [0], sizes = [1], strides = [1]} : vector<16xi32> to vector<1xi32>
      %squeeze3A_328 = vector.extract %slice3A_327[0] : i32 from vector<1xi32>
      %broadcast_in_dim3A_329 = vector.broadcast %squeeze3A_328 : i32 to vector<16xi32>
      %convert_element_type3A_330 = arith.sitofp %broadcast_in_dim3A_329 : vector<16xi32> to vector<16xf32>
      %and3A_331 = arith.constant 255 : i32
      %and3A_332 = arith.andi %add3A_324, %and3A_331 : i32
      %broadcast_in_dim3A_333 = vector.broadcast %and3A_332 : i32 to vector<16xi32>
      %gather3A = arith.constant 0 : i32
      %gather3A_334 = arith.constant 0 : i32
      %gather3A_335 = arith.constant 0 : i32
      %gather3A_336 = tpu.memref_slice %arg6[%gather3A, %gather3A_334, %gather3A_335] : memref<8x64x128xf32, #tpu.memory_space<vmem>> -> memref<1x64x128xf32, #tpu.memory_space<vmem>>
      %gather3A_337 = tpu.memref_squeeze %gather3A_336 : memref<1x64x128xf32, #tpu.memory_space<vmem>> -> memref<64x128xf32, #tpu.memory_space<vmem>>
      %gather3A_338 = tpu.vector_load_idx %gather3A_337[%add3A_5, %broadcast_in_dim3A] : memref<64x128xf32, #tpu.memory_space<vmem>>[vector<16xi32>, vector<16xi32>], vector<16xf32>,
      %gather3A_339 = tpu.vector_load_idx %arg7[%add3A_5, %broadcast_in_dim3A] : memref<64x64xf32, #tpu.memory_space<vmem>>[vector<16xi32>, vector<16xi32>], vector<16xf32>,
      %sub3A = arith.constant 1.000000e+00 : f32
      %sub3A_340 = vector.broadcast %sub3A : f32 to vector<16xf32>
      %sub3A_341 = arith.subf %sub3A_340, %convert_element_type3A_330 : vector<16xf32>
      %mul3A_342 = arith.mulf %gather3A_338, %sub3A_341 : vector<16xf32>
      %mul3A_343 = arith.mulf %gather3A_339, %convert_element_type3A_330 : vector<16xf32>
      %add3A_344 = arith.addf %mul3A_342, %mul3A_343 : vector<16xf32>
      tpu.vector_store_idx %arg8[%broadcast_in_dim3A_333, %add3A_5], %add3A_344 : memref<256x64xf32, #tpu.memory_space<vmem>>[vector<16xi32>, vector<16xi32>], vector<16xf32>,
      %gather3A_345 = arith.constant 0 : i32
      %gather3A_346 = arith.constant 0 : i32
      %gather3A_347 = arith.constant 0 : i32
      %gather3A_348 = tpu.memref_slice %arg6[%gather3A_345, %gather3A_346, %gather3A_347] : memref<8x64x128xf32, #tpu.memory_space<vmem>> -> memref<1x64x128xf32, #tpu.memory_space<vmem>>
      %gather3A_349 = tpu.memref_squeeze %gather3A_348 : memref<1x64x128xf32, #tpu.memory_space<vmem>> -> memref<64x128xf32, #tpu.memory_space<vmem>>
      %gather3A_350 = tpu.vector_load_idx %gather3A_349[%add3A_9, %broadcast_in_dim3A] : memref<64x128xf32, #tpu.memory_space<vmem>>[vector<16xi32>, vector<16xi32>], vector<16xf32>,
      %gather3A_351 = tpu.vector_load_idx %arg7[%add3A_9, %broadcast_in_dim3A] : memref<64x64xf32, #tpu.memory_space<vmem>>[vector<16xi32>, vector<16xi32>], vector<16xf32>,
      %sub3A_352 = arith.constant 1.000000e+00 : f32
      %sub3A_353 = vector.broadcast %sub3A_352 : f32 to vector<16xf32>
      %sub3A_354 = arith.subf %sub3A_353, %convert_element_type3A_330 : vector<16xf32>
      %mul3A_355 = arith.mulf %gather3A_350, %sub3A_354 : vector<16xf32>
      %mul3A_356 = arith.mulf %gather3A_351, %convert_element_type3A_330 : vector<16xf32>
      %add3A_357 = arith.addf %mul3A_355, %mul3A_356 : vector<16xf32>
      tpu.vector_store_idx %arg8[%broadcast_in_dim3A_333, %add3A_9], %add3A_357 : memref<256x64xf32, #tpu.memory_space<vmem>>[vector<16xi32>, vector<16xi32>], vector<16xf32>,
      %gather3A_358 = arith.constant 0 : i32
      %gather3A_359 = arith.constant 0 : i32
      %gather3A_360 = arith.constant 0 : i32
      %gather3A_361 = tpu.memref_slice %arg6[%gather3A_358, %gather3A_359, %gather3A_360] : memref<8x64x128xf32, #tpu.memory_space<vmem>> -> memref<1x64x128xf32, #tpu.memory_space<vmem>>
      %gather3A_362 = tpu.memref_squeeze %gather3A_361 : memref<1x64x128xf32, #tpu.memory_space<vmem>> -> memref<64x128xf32, #tpu.memory_space<vmem>>
      %gather3A_363 = tpu.vector_load_idx %gather3A_362[%add3A_13, %broadcast_in_dim3A] : memref<64x128xf32, #tpu.memory_space<vmem>>[vector<16xi32>, vector<16xi32>], vector<16xf32>,
      %gather3A_364 = tpu.vector_load_idx %arg7[%add3A_13, %broadcast_in_dim3A] : memref<64x64xf32, #tpu.memory_space<vmem>>[vector<16xi32>, vector<16xi32>], vector<16xf32>,
      %sub3A_365 = arith.constant 1.000000e+00 : f32
      %sub3A_366 = vector.broadcast %sub3A_365 : f32 to vector<16xf32>
      %sub3A_367 = arith.subf %sub3A_366, %convert_element_type3A_330 : vector<16xf32>
      %mul3A_368 = arith.mulf %gather3A_363, %sub3A_367 : vector<16xf32>
      %mul3A_369 = arith.mulf %gather3A_364, %convert_element_type3A_330 : vector<16xf32>
      %add3A_370 = arith.addf %mul3A_368, %mul3A_369 : vector<16xf32>
      tpu.vector_store_idx %arg8[%broadcast_in_dim3A_333, %add3A_13], %add3A_370 : memref<256x64xf32, #tpu.memory_space<vmem>>[vector<16xi32>, vector<16xi32>], vector<16xf32>,
      %gather3A_371 = arith.constant 0 : i32
      %gather3A_372 = arith.constant 0 : i32
      %gather3A_373 = arith.constant 0 : i32
      %gather3A_374 = tpu.memref_slice %arg6[%gather3A_371, %gather3A_372, %gather3A_373] : memref<8x64x128xf32, #tpu.memory_space<vmem>> -> memref<1x64x128xf32, #tpu.memory_space<vmem>>
      %gather3A_375 = tpu.memref_squeeze %gather3A_374 : memref<1x64x128xf32, #tpu.memory_space<vmem>> -> memref<64x128xf32, #tpu.memory_space<vmem>>
      %gather3A_376 = tpu.vector_load_idx %gather3A_375[%add3A_17, %broadcast_in_dim3A] : memref<64x128xf32, #tpu.memory_space<vmem>>[vector<16xi32>, vector<16xi32>], vector<16xf32>,
      %gather3A_377 = tpu.vector_load_idx %arg7[%add3A_17, %broadcast_in_dim3A] : memref<64x64xf32, #tpu.memory_space<vmem>>[vector<16xi32>, vector<16xi32>], vector<16xf32>,
      %sub3A_378 = arith.constant 1.000000e+00 : f32
      %sub3A_379 = vector.broadcast %sub3A_378 : f32 to vector<16xf32>
      %sub3A_380 = arith.subf %sub3A_379, %convert_element_type3A_330 : vector<16xf32>
      %mul3A_381 = arith.mulf %gather3A_376, %sub3A_380 : vector<16xf32>
      %mul3A_382 = arith.mulf %gather3A_377, %convert_element_type3A_330 : vector<16xf32>
      %add3A_383 = arith.addf %mul3A_381, %mul3A_382 : vector<16xf32>
      tpu.vector_store_idx %arg8[%broadcast_in_dim3A_333, %add3A_17], %add3A_383 : memref<256x64xf32, #tpu.memory_space<vmem>>[vector<16xi32>, vector<16xi32>], vector<16xf32>,
      %slice3A_384 = vector.extract_strided_slice %min3A_285 {offsets = [8], sizes = [1], strides = [1]} : vector<16xi32> to vector<1xi32>
      %squeeze3A_385 = vector.extract %slice3A_384[0] : i32 from vector<1xi32>
      %multiple_of3A_386 = tpu.assume_multiple %squeeze3A_385, 128 : i32
      %dma_start3A_387 = arith.constant 0 : i32
      %dma_start3A_388 = arith.constant 0 : i32
      %dma_start3A_389 = arith.constant 0 : i32
      %dma_start3A_390 = tpu.memref_slice %arg6[%dma_start3A_387, %dma_start3A_388, %dma_start3A_389] : memref<8x64x128xf32, #tpu.memory_space<vmem>> -> memref<1x64x128xf32, #tpu.memory_space<vmem>>
      %dma_start3A_391 = tpu.memref_squeeze %dma_start3A_390 : memref<1x64x128xf32, #tpu.memory_space<vmem>> -> memref<64x128xf32, #tpu.memory_space<vmem>>
      %dma_start3A_392 = arith.constant 0 : i32
      %dma_start3A_393 = tpu.memref_slice %arg3[%dma_start3A_392, %multiple_of3A_386] : memref<64x1000000xf32, #tpu.memory_space<hbm>> -> memref<64x128xf32, #tpu.memory_space<hbm>>
      %dma_start3A_394 = arith.constant 0 : i32
      %dma_start3A_395 = arith.constant 0 : i32
      %dma_start3A_396 = tpu.memref_slice %arg6[%dma_start3A_387, %dma_start3A_394, %dma_start3A_395] : memref<8x64x128xf32, #tpu.memory_space<vmem>> -> memref<1x64x128xf32, #tpu.memory_space<vmem>>
      %dma_start3A_397 = tpu.memref_squeeze %dma_start3A_396 : memref<1x64x128xf32, #tpu.memory_space<vmem>> -> memref<64x128xf32, #tpu.memory_space<vmem>>
      %dma_start3A_398 = arith.constant 0 : i32
      %dma_start3A_399 = tpu.memref_slice %arg3[%dma_start3A_398, %multiple_of3A_386] : memref<64x1000000xf32, #tpu.memory_space<hbm>> -> memref<64x128xf32, #tpu.memory_space<hbm>>
      tpu.enqueue_dma source(%dma_start3A_399 : memref<64x128xf32, #tpu.memory_space<hbm>>) target(%dma_start3A_397 : memref<64x128xf32, #tpu.memory_space<vmem>>) target_semaphore(%arg9 : memref<!tpu.dma_semaphore, #tpu.memory_space<semaphore_mem>>)
      %dma_wait3A_400 = arith.constant 1 : i32
      %dma_wait3A_401 = arith.constant 0 : i32
      %dma_wait3A_402 = arith.constant 0 : i32
      %dma_wait3A_403 = tpu.memref_slice %arg6[%dma_wait3A_400, %dma_wait3A_401, %dma_wait3A_402] : memref<8x64x128xf32, #tpu.memory_space<vmem>> -> memref<1x64x128xf32, #tpu.memory_space<vmem>>
      %dma_wait3A_404 = tpu.memref_squeeze %dma_wait3A_403 : memref<1x64x128xf32, #tpu.memory_space<vmem>> -> memref<64x128xf32, #tpu.memory_space<vmem>>
      %dma_wait3A_405 = arith.constant 0 : i32
      %dma_wait3A_406 = arith.constant 0 : i32
      %dma_wait3A_407 = tpu.memref_slice %arg3[%dma_wait3A_405, %dma_wait3A_406] : memref<64x1000000xf32, #tpu.memory_space<hbm>> -> memref<64x128xf32, #tpu.memory_space<hbm>>
      %dma_wait3A_408 = arith.constant 0 : i32
      %dma_wait3A_409 = arith.constant 0 : i32
      %dma_wait3A_410 = tpu.memref_slice %arg6[%dma_wait3A_400, %dma_wait3A_408, %dma_wait3A_409] : memref<8x64x128xf32, #tpu.memory_space<vmem>> -> memref<1x64x128xf32, #tpu.memory_space<vmem>>
      %dma_wait3A_411 = tpu.memref_squeeze %dma_wait3A_410 : memref<1x64x128xf32, #tpu.memory_space<vmem>> -> memref<64x128xf32, #tpu.memory_space<vmem>>
      %dma_wait3A_412 = arith.constant 0 : i32
      %dma_wait3A_413 = arith.constant 0 : i32
      %dma_wait3A_414 = tpu.memref_slice %arg3[%dma_wait3A_412, %dma_wait3A_413] : memref<64x1000000xf32, #tpu.memory_space<hbm>> -> memref<64x128xf32, #tpu.memory_space<hbm>>
      tpu.wait_dma2 semaphore(%arg10 : memref<!tpu.dma_semaphore, #tpu.memory_space<semaphore_mem>>) src(%dma_wait3A_414 : memref<64x128xf32, #tpu.memory_space<hbm>>) dst(%dma_wait3A_411 : memref<64x128xf32, #tpu.memory_space<vmem>>)
      %mul3A_415 = arith.constant 16 : i32
      %mul3A_416 = arith.muli %scan3A_273, %mul3A_415 : i32
      %add3A_417 = arith.constant 1 : i32
      %add3A_418 = arith.addi %mul3A_416, %add3A_417 : i32
      %slice3A_419 = vector.extract_strided_slice %and3A_288 {offsets = [1], sizes = [1], strides = [1]} : vector<16xi32> to vector<1xi32>
      %squeeze3A_420 = vector.extract %slice3A_419[0] : i32 from vector<1xi32>
      %broadcast_in_dim3A_421 = vector.broadcast %squeeze3A_420 : i32 to vector<16xi32>
      %slice3A_422 = vector.extract_strided_slice %convert_element_type3A_291 {offsets = [1], sizes = [1], strides = [1]} : vector<16xi32> to vector<1xi32>
      %squeeze3A_423 = vector.extract %slice3A_422[0] : i32 from vector<1xi32>
      %broadcast_in_dim3A_424 = vector.broadcast %squeeze3A_423 : i32 to vector<16xi32>
      %convert_element_type3A_425 = arith.sitofp %broadcast_in_dim3A_424 : vector<16xi32> to vector<16xf32>
      %and3A_426 = arith.constant 255 : i32
      %and3A_427 = arith.andi %add3A_418, %and3A_426 : i32
      %broadcast_in_dim3A_428 = vector.broadcast %and3A_427 : i32 to vector<16xi32>
      %gather3A_429 = arith.constant 1 : i32
      %gather3A_430 = arith.constant 0 : i32
      %gather3A_431 = arith.constant 0 : i32
      %gather3A_432 = tpu.memref_slice %arg6[%gather3A_429, %gather3A_430, %gather3A_431] : memref<8x64x128xf32, #tpu.memory_space<vmem>> -> memref<1x64x128xf32, #tpu.memory_space<vmem>>
      %gather3A_433 = tpu.memref_squeeze %gather3A_432 : memref<1x64x128xf32, #tpu.memory_space<vmem>> -> memref<64x128xf32, #tpu.memory_space<vmem>>
      %gather3A_434 = tpu.vector_load_idx %gather3A_433[%add3A_5, %broadcast_in_dim3A_421] : memref<64x128xf32, #tpu.memory_space<vmem>>[vector<16xi32>, vector<16xi32>], vector<16xf32>,
      %gather3A_435 = tpu.vector_load_idx %arg7[%add3A_5, %broadcast_in_dim3A_421] : memref<64x64xf32, #tpu.memory_space<vmem>>[vector<16xi32>, vector<16xi32>], vector<16xf32>,
      %sub3A_436 = arith.constant 1.000000e+00 : f32
      %sub3A_437 = vector.broadcast %sub3A_436 : f32 to vector<16xf32>
      %sub3A_438 = arith.subf %sub3A_437, %convert_element_type3A_425 : vector<16xf32>
      %mul3A_439 = arith.mulf %gather3A_434, %sub3A_438 : vector<16xf32>
      %mul3A_440 = arith.mulf %gather3A_435, %convert_element_type3A_425 : vector<16xf32>
      %add3A_441 = arith.addf %mul3A_439, %mul3A_440 : vector<16xf32>
      tpu.vector_store_idx %arg8[%broadcast_in_dim3A_428, %add3A_5], %add3A_441 : memref<256x64xf32, #tpu.memory_space<vmem>>[vector<16xi32>, vector<16xi32>], vector<16xf32>,
      %gather3A_442 = arith.constant 1 : i32
      %gather3A_443 = arith.constant 0 : i32
      %gather3A_444 = arith.constant 0 : i32
      %gather3A_445 = tpu.memref_slice %arg6[%gather3A_442, %gather3A_443, %gather3A_444] : memref<8x64x128xf32, #tpu.memory_space<vmem>> -> memref<1x64x128xf32, #tpu.memory_space<vmem>>
      %gather3A_446 = tpu.memref_squeeze %gather3A_445 : memref<1x64x128xf32, #tpu.memory_space<vmem>> -> memref<64x128xf32, #tpu.memory_space<vmem>>
      %gather3A_447 = tpu.vector_load_idx %gather3A_446[%add3A_9, %broadcast_in_dim3A_421] : memref<64x128xf32, #tpu.memory_space<vmem>>[vector<16xi32>, vector<16xi32>], vector<16xf32>,
      %gather3A_448 = tpu.vector_load_idx %arg7[%add3A_9, %broadcast_in_dim3A_421] : memref<64x64xf32, #tpu.memory_space<vmem>>[vector<16xi32>, vector<16xi32>], vector<16xf32>,
      %sub3A_449 = arith.constant 1.000000e+00 : f32
      %sub3A_450 = vector.broadcast %sub3A_449 : f32 to vector<16xf32>
      %sub3A_451 = arith.subf %sub3A_450, %convert_element_type3A_425 : vector<16xf32>
      %mul3A_452 = arith.mulf %gather3A_447, %sub3A_451 : vector<16xf32>
      %mul3A_453 = arith.mulf %gather3A_448, %convert_element_type3A_425 : vector<16xf32>
      %add3A_454 = arith.addf %mul3A_452, %mul3A_453 : vector<16xf32>
      tpu.vector_store_idx %arg8[%broadcast_in_dim3A_428, %add3A_9], %add3A_454 : memref<256x64xf32, #tpu.memory_space<vmem>>[vector<16xi32>, vector<16xi32>], vector<16xf32>,
      %gather3A_455 = arith.constant 1 : i32
      %gather3A_456 = arith.constant 0 : i32
      %gather3A_457 = arith.constant 0 : i32
      %gather3A_458 = tpu.memref_slice %arg6[%gather3A_455, %gather3A_456, %gather3A_457] : memref<8x64x128xf32, #tpu.memory_space<vmem>> -> memref<1x64x128xf32, #tpu.memory_space<vmem>>
      %gather3A_459 = tpu.memref_squeeze %gather3A_458 : memref<1x64x128xf32, #tpu.memory_space<vmem>> -> memref<64x128xf32, #tpu.memory_space<vmem>>
      %gather3A_460 = tpu.vector_load_idx %gather3A_459[%add3A_13, %broadcast_in_dim3A_421] : memref<64x128xf32, #tpu.memory_space<vmem>>[vector<16xi32>, vector<16xi32>], vector<16xf32>,
      %gather3A_461 = tpu.vector_load_idx %arg7[%add3A_13, %broadcast_in_dim3A_421] : memref<64x64xf32, #tpu.memory_space<vmem>>[vector<16xi32>, vector<16xi32>], vector<16xf32>,
      %sub3A_462 = arith.constant 1.000000e+00 : f32
      %sub3A_463 = vector.broadcast %sub3A_462 : f32 to vector<16xf32>
      %sub3A_464 = arith.subf %sub3A_463, %convert_element_type3A_425 : vector<16xf32>
      %mul3A_465 = arith.mulf %gather3A_460, %sub3A_464 : vector<16xf32>
      %mul3A_466 = arith.mulf %gather3A_461, %convert_element_type3A_425 : vector<16xf32>
      %add3A_467 = arith.addf %mul3A_465, %mul3A_466 : vector<16xf32>
      tpu.vector_store_idx %arg8[%broadcast_in_dim3A_428, %add3A_13], %add3A_467 : memref<256x64xf32, #tpu.memory_space<vmem>>[vector<16xi32>, vector<16xi32>], vector<16xf32>,
      %gather3A_468 = arith.constant 1 : i32
      %gather3A_469 = arith.constant 0 : i32
      %gather3A_470 = arith.constant 0 : i32
      %gather3A_471 = tpu.memref_slice %arg6[%gather3A_468, %gather3A_469, %gather3A_470] : memref<8x64x128xf32, #tpu.memory_space<vmem>> -> memref<1x64x128xf32, #tpu.memory_space<vmem>>
      %gather3A_472 = tpu.memref_squeeze %gather3A_471 : memref<1x64x128xf32, #tpu.memory_space<vmem>> -> memref<64x128xf32, #tpu.memory_space<vmem>>
      %gather3A_473 = tpu.vector_load_idx %gather3A_472[%add3A_17, %broadcast_in_dim3A_421] : memref<64x128xf32, #tpu.memory_space<vmem>>[vector<16xi32>, vector<16xi32>], vector<16xf32>,
      %gather3A_474 = tpu.vector_load_idx %arg7[%add3A_17, %broadcast_in_dim3A_421] : memref<64x64xf32, #tpu.memory_space<vmem>>[vector<16xi32>, vector<16xi32>], vector<16xf32>,
      %sub3A_475 = arith.constant 1.000000e+00 : f32
      %sub3A_476 = vector.broadcast %sub3A_475 : f32 to vector<16xf32>
      %sub3A_477 = arith.subf %sub3A_476, %convert_element_type3A_425 : vector<16xf32>
      %mul3A_478 = arith.mulf %gather3A_473, %sub3A_477 : vector<16xf32>
      %mul3A_479 = arith.mulf %gather3A_474, %convert_element_type3A_425 : vector<16xf32>
      %add3A_480 = arith.addf %mul3A_478, %mul3A_479 : vector<16xf32>
      tpu.vector_store_idx %arg8[%broadcast_in_dim3A_428, %add3A_17], %add3A_480 : memref<256x64xf32, #tpu.memory_space<vmem>>[vector<16xi32>, vector<16xi32>], vector<16xf32>,
      %slice3A_481 = vector.extract_strided_slice %min3A_285 {offsets = [9], sizes = [1], strides = [1]} : vector<16xi32> to vector<1xi32>
      %squeeze3A_482 = vector.extract %slice3A_481[0] : i32 from vector<1xi32>
      %multiple_of3A_483 = tpu.assume_multiple %squeeze3A_482, 128 : i32
      %dma_start3A_484 = arith.constant 1 : i32
      %dma_start3A_485 = arith.constant 0 : i32
      %dma_start3A_486 = arith.constant 0 : i32
      %dma_start3A_487 = tpu.memref_slice %arg6[%dma_start3A_484, %dma_start3A_485, %dma_start3A_486] : memref<8x64x128xf32, #tpu.memory_space<vmem>> -> memref<1x64x128xf32, #tpu.memory_space<vmem>>
      %dma_start3A_488 = tpu.memref_squeeze %dma_start3A_487 : memref<1x64x128xf32, #tpu.memory_space<vmem>> -> memref<64x128xf32, #tpu.memory_space<vmem>>
      %dma_start3A_489 = arith.constant 0 : i32
      %dma_start3A_490 = tpu.memref_slice %arg3[%dma_start3A_489, %multiple_of3A_483] : memref<64x1000000xf32, #tpu.memory_space<hbm>> -> memref<64x128xf32, #tpu.memory_space<hbm>>
      %dma_start3A_491 = arith.constant 0 : i32
      %dma_start3A_492 = arith.constant 0 : i32
      %dma_start3A_493 = tpu.memref_slice %arg6[%dma_start3A_484, %dma_start3A_491, %dma_start3A_492] : memref<8x64x128xf32, #tpu.memory_space<vmem>> -> memref<1x64x128xf32, #tpu.memory_space<vmem>>
      %dma_start3A_494 = tpu.memref_squeeze %dma_start3A_493 : memref<1x64x128xf32, #tpu.memory_space<vmem>> -> memref<64x128xf32, #tpu.memory_space<vmem>>
      %dma_start3A_495 = arith.constant 0 : i32
      %dma_start3A_496 = tpu.memref_slice %arg3[%dma_start3A_495, %multiple_of3A_483] : memref<64x1000000xf32, #tpu.memory_space<hbm>> -> memref<64x128xf32, #tpu.memory_space<hbm>>
      tpu.enqueue_dma source(%dma_start3A_496 : memref<64x128xf32, #tpu.memory_space<hbm>>) target(%dma_start3A_494 : memref<64x128xf32, #tpu.memory_space<vmem>>) target_semaphore(%arg10 : memref<!tpu.dma_semaphore, #tpu.memory_space<semaphore_mem>>)
      %dma_wait3A_497 = arith.constant 2 : i32
      %dma_wait3A_498 = arith.constant 0 : i32
      %dma_wait3A_499 = arith.constant 0 : i32
      %dma_wait3A_500 = tpu.memref_slice %arg6[%dma_wait3A_497, %dma_wait3A_498, %dma_wait3A_499] : memref<8x64x128xf32, #tpu.memory_space<vmem>> -> memref<1x64x128xf32, #tpu.memory_space<vmem>>
      %dma_wait3A_501 = tpu.memref_squeeze %dma_wait3A_500 : memref<1x64x128xf32, #tpu.memory_space<vmem>> -> memref<64x128xf32, #tpu.memory_space<vmem>>
      %dma_wait3A_502 = arith.constant 0 : i32
      %dma_wait3A_503 = arith.constant 0 : i32
      %dma_wait3A_504 = tpu.memref_slice %arg3[%dma_wait3A_502, %dma_wait3A_503] : memref<64x1000000xf32, #tpu.memory_space<hbm>> -> memref<64x128xf32, #tpu.memory_space<hbm>>
      %dma_wait3A_505 = arith.constant 0 : i32
      %dma_wait3A_506 = arith.constant 0 : i32
      %dma_wait3A_507 = tpu.memref_slice %arg6[%dma_wait3A_497, %dma_wait3A_505, %dma_wait3A_506] : memref<8x64x128xf32, #tpu.memory_space<vmem>> -> memref<1x64x128xf32, #tpu.memory_space<vmem>>
      %dma_wait3A_508 = tpu.memref_squeeze %dma_wait3A_507 : memref<1x64x128xf32, #tpu.memory_space<vmem>> -> memref<64x128xf32, #tpu.memory_space<vmem>>
      %dma_wait3A_509 = arith.constant 0 : i32
      %dma_wait3A_510 = arith.constant 0 : i32
      %dma_wait3A_511 = tpu.memref_slice %arg3[%dma_wait3A_509, %dma_wait3A_510] : memref<64x1000000xf32, #tpu.memory_space<hbm>> -> memref<64x128xf32, #tpu.memory_space<hbm>>
      tpu.wait_dma2 semaphore(%arg11 : memref<!tpu.dma_semaphore, #tpu.memory_space<semaphore_mem>>) src(%dma_wait3A_511 : memref<64x128xf32, #tpu.memory_space<hbm>>) dst(%dma_wait3A_508 : memref<64x128xf32, #tpu.memory_space<vmem>>)
      %mul3A_512 = arith.constant 16 : i32
      %mul3A_513 = arith.muli %scan3A_273, %mul3A_512 : i32
      %add3A_514 = arith.constant 2 : i32
      %add3A_515 = arith.addi %mul3A_513, %add3A_514 : i32
      %slice3A_516 = vector.extract_strided_slice %and3A_288 {offsets = [2], sizes = [1], strides = [1]} : vector<16xi32> to vector<1xi32>
      %squeeze3A_517 = vector.extract %slice3A_516[0] : i32 from vector<1xi32>
      %broadcast_in_dim3A_518 = vector.broadcast %squeeze3A_517 : i32 to vector<16xi32>
      %slice3A_519 = vector.extract_strided_slice %convert_element_type3A_291 {offsets = [2], sizes = [1], strides = [1]} : vector<16xi32> to vector<1xi32>
      %squeeze3A_520 = vector.extract %slice3A_519[0] : i32 from vector<1xi32>
      %broadcast_in_dim3A_521 = vector.broadcast %squeeze3A_520 : i32 to vector<16xi32>
      %convert_element_type3A_522 = arith.sitofp %broadcast_in_dim3A_521 : vector<16xi32> to vector<16xf32>
      %and3A_523 = arith.constant 255 : i32
      %and3A_524 = arith.andi %add3A_515, %and3A_523 : i32
      %broadcast_in_dim3A_525 = vector.broadcast %and3A_524 : i32 to vector<16xi32>
      %gather3A_526 = arith.constant 2 : i32
      %gather3A_527 = arith.constant 0 : i32
      %gather3A_528 = arith.constant 0 : i32
      %gather3A_529 = tpu.memref_slice %arg6[%gather3A_526, %gather3A_527, %gather3A_528] : memref<8x64x128xf32, #tpu.memory_space<vmem>> -> memref<1x64x128xf32, #tpu.memory_space<vmem>>
      %gather3A_530 = tpu.memref_squeeze %gather3A_529 : memref<1x64x128xf32, #tpu.memory_space<vmem>> -> memref<64x128xf32, #tpu.memory_space<vmem>>
      %gather3A_531 = tpu.vector_load_idx %gather3A_530[%add3A_5, %broadcast_in_dim3A_518] : memref<64x128xf32, #tpu.memory_space<vmem>>[vector<16xi32>, vector<16xi32>], vector<16xf32>,
      %gather3A_532 = tpu.vector_load_idx %arg7[%add3A_5, %broadcast_in_dim3A_518] : memref<64x64xf32, #tpu.memory_space<vmem>>[vector<16xi32>, vector<16xi32>], vector<16xf32>,
      %sub3A_533 = arith.constant 1.000000e+00 : f32
      %sub3A_534 = vector.broadcast %sub3A_533 : f32 to vector<16xf32>
      %sub3A_535 = arith.subf %sub3A_534, %convert_element_type3A_522 : vector<16xf32>
      %mul3A_536 = arith.mulf %gather3A_531, %sub3A_535 : vector<16xf32>
      %mul3A_537 = arith.mulf %gather3A_532, %convert_element_type3A_522 : vector<16xf32>
      %add3A_538 = arith.addf %mul3A_536, %mul3A_537 : vector<16xf32>
      tpu.vector_store_idx %arg8[%broadcast_in_dim3A_525, %add3A_5], %add3A_538 : memref<256x64xf32, #tpu.memory_space<vmem>>[vector<16xi32>, vector<16xi32>], vector<16xf32>,
      %gather3A_539 = arith.constant 2 : i32
      %gather3A_540 = arith.constant 0 : i32
      %gather3A_541 = arith.constant 0 : i32
      %gather3A_542 = tpu.memref_slice %arg6[%gather3A_539, %gather3A_540, %gather3A_541] : memref<8x64x128xf32, #tpu.memory_space<vmem>> -> memref<1x64x128xf32, #tpu.memory_space<vmem>>
      %gather3A_543 = tpu.memref_squeeze %gather3A_542 : memref<1x64x128xf32, #tpu.memory_space<vmem>> -> memref<64x128xf32, #tpu.memory_space<vmem>>
      %gather3A_544 = tpu.vector_load_idx %gather3A_543[%add3A_9, %broadcast_in_dim3A_518] : memref<64x128xf32, #tpu.memory_space<vmem>>[vector<16xi32>, vector<16xi32>], vector<16xf32>,
      %gather3A_545 = tpu.vector_load_idx %arg7[%add3A_9, %broadcast_in_dim3A_518] : memref<64x64xf32, #tpu.memory_space<vmem>>[vector<16xi32>, vector<16xi32>], vector<16xf32>,
      %sub3A_546 = arith.constant 1.000000e+00 : f32
      %sub3A_547 = vector.broadcast %sub3A_546 : f32 to vector<16xf32>
      %sub3A_548 = arith.subf %sub3A_547, %convert_element_type3A_522 : vector<16xf32>
      %mul3A_549 = arith.mulf %gather3A_544, %sub3A_548 : vector<16xf32>
      %mul3A_550 = arith.mulf %gather3A_545, %convert_element_type3A_522 : vector<16xf32>
      %add3A_551 = arith.addf %mul3A_549, %mul3A_550 : vector<16xf32>
      tpu.vector_store_idx %arg8[%broadcast_in_dim3A_525, %add3A_9], %add3A_551 : memref<256x64xf32, #tpu.memory_space<vmem>>[vector<16xi32>, vector<16xi32>], vector<16xf32>,
      %gather3A_552 = arith.constant 2 : i32
      %gather3A_553 = arith.constant 0 : i32
      %gather3A_554 = arith.constant 0 : i32
      %gather3A_555 = tpu.memref_slice %arg6[%gather3A_552, %gather3A_553, %gather3A_554] : memref<8x64x128xf32, #tpu.memory_space<vmem>> -> memref<1x64x128xf32, #tpu.memory_space<vmem>>
      %gather3A_556 = tpu.memref_squeeze %gather3A_555 : memref<1x64x128xf32, #tpu.memory_space<vmem>> -> memref<64x128xf32, #tpu.memory_space<vmem>>
      %gather3A_557 = tpu.vector_load_idx %gather3A_556[%add3A_13, %broadcast_in_dim3A_518] : memref<64x128xf32, #tpu.memory_space<vmem>>[vector<16xi32>, vector<16xi32>], vector<16xf32>,
      %gather3A_558 = tpu.vector_load_idx %arg7[%add3A_13, %broadcast_in_dim3A_518] : memref<64x64xf32, #tpu.memory_space<vmem>>[vector<16xi32>, vector<16xi32>], vector<16xf32>,
      %sub3A_559 = arith.constant 1.000000e+00 : f32
      %sub3A_560 = vector.broadcast %sub3A_559 : f32 to vector<16xf32>
      %sub3A_561 = arith.subf %sub3A_560, %convert_element_type3A_522 : vector<16xf32>
      %mul3A_562 = arith.mulf %gather3A_557, %sub3A_561 : vector<16xf32>
      %mul3A_563 = arith.mulf %gather3A_558, %convert_element_type3A_522 : vector<16xf32>
      %add3A_564 = arith.addf %mul3A_562, %mul3A_563 : vector<16xf32>
      tpu.vector_store_idx %arg8[%broadcast_in_dim3A_525, %add3A_13], %add3A_564 : memref<256x64xf32, #tpu.memory_space<vmem>>[vector<16xi32>, vector<16xi32>], vector<16xf32>,
      %gather3A_565 = arith.constant 2 : i32
      %gather3A_566 = arith.constant 0 : i32
      %gather3A_567 = arith.constant 0 : i32
      %gather3A_568 = tpu.memref_slice %arg6[%gather3A_565, %gather3A_566, %gather3A_567] : memref<8x64x128xf32, #tpu.memory_space<vmem>> -> memref<1x64x128xf32, #tpu.memory_space<vmem>>
      %gather3A_569 = tpu.memref_squeeze %gather3A_568 : memref<1x64x128xf32, #tpu.memory_space<vmem>> -> memref<64x128xf32, #tpu.memory_space<vmem>>
      %gather3A_570 = tpu.vector_load_idx %gather3A_569[%add3A_17, %broadcast_in_dim3A_518] : memref<64x128xf32, #tpu.memory_space<vmem>>[vector<16xi32>, vector<16xi32>], vector<16xf32>,
      %gather3A_571 = tpu.vector_load_idx %arg7[%add3A_17, %broadcast_in_dim3A_518] : memref<64x64xf32, #tpu.memory_space<vmem>>[vector<16xi32>, vector<16xi32>], vector<16xf32>,
      %sub3A_572 = arith.constant 1.000000e+00 : f32
      %sub3A_573 = vector.broadcast %sub3A_572 : f32 to vector<16xf32>
      %sub3A_574 = arith.subf %sub3A_573, %convert_element_type3A_522 : vector<16xf32>
      %mul3A_575 = arith.mulf %gather3A_570, %sub3A_574 : vector<16xf32>
      %mul3A_576 = arith.mulf %gather3A_571, %convert_element_type3A_522 : vector<16xf32>
      %add3A_577 = arith.addf %mul3A_575, %mul3A_576 : vector<16xf32>
      tpu.vector_store_idx %arg8[%broadcast_in_dim3A_525, %add3A_17], %add3A_577 : memref<256x64xf32, #tpu.memory_space<vmem>>[vector<16xi32>, vector<16xi32>], vector<16xf32>,
      %slice3A_578 = vector.extract_strided_slice %min3A_285 {offsets = [10], sizes = [1], strides = [1]} : vector<16xi32> to vector<1xi32>
      %squeeze3A_579 = vector.extract %slice3A_578[0] : i32 from vector<1xi32>
      %multiple_of3A_580 = tpu.assume_multiple %squeeze3A_579, 128 : i32
      %dma_start3A_581 = arith.constant 2 : i32
      %dma_start3A_582 = arith.constant 0 : i32
      %dma_start3A_583 = arith.constant 0 : i32
      %dma_start3A_584 = tpu.memref_slice %arg6[%dma_start3A_581, %dma_start3A_582, %dma_start3A_583] : memref<8x64x128xf32, #tpu.memory_space<vmem>> -> memref<1x64x128xf32, #tpu.memory_space<vmem>>
      %dma_start3A_585 = tpu.memref_squeeze %dma_start3A_584 : memref<1x64x128xf32, #tpu.memory_space<vmem>> -> memref<64x128xf32, #tpu.memory_space<vmem>>
      %dma_start3A_586 = arith.constant 0 : i32
      %dma_start3A_587 = tpu.memref_slice %arg3[%dma_start3A_586, %multiple_of3A_580] : memref<64x1000000xf32, #tpu.memory_space<hbm>> -> memref<64x128xf32, #tpu.memory_space<hbm>>
      %dma_start3A_588 = arith.constant 0 : i32
      %dma_start3A_589 = arith.constant 0 : i32
      %dma_start3A_590 = tpu.memref_slice %arg6[%dma_start3A_581, %dma_start3A_588, %dma_start3A_589] : memref<8x64x128xf32, #tpu.memory_space<vmem>> -> memref<1x64x128xf32, #tpu.memory_space<vmem>>
      %dma_start3A_591 = tpu.memref_squeeze %dma_start3A_590 : memref<1x64x128xf32, #tpu.memory_space<vmem>> -> memref<64x128xf32, #tpu.memory_space<vmem>>
      %dma_start3A_592 = arith.constant 0 : i32
      %dma_start3A_593 = tpu.memref_slice %arg3[%dma_start3A_592, %multiple_of3A_580] : memref<64x1000000xf32, #tpu.memory_space<hbm>> -> memref<64x128xf32, #tpu.memory_space<hbm>>
      tpu.enqueue_dma source(%dma_start3A_593 : memref<64x128xf32, #tpu.memory_space<hbm>>) target(%dma_start3A_591 : memref<64x128xf32, #tpu.memory_space<vmem>>) target_semaphore(%arg11 : memref<!tpu.dma_semaphore, #tpu.memory_space<semaphore_mem>>)
      %dma_wait3A_594 = arith.constant 3 : i32
      %dma_wait3A_595 = arith.constant 0 : i32
      %dma_wait3A_596 = arith.constant 0 : i32
      %dma_wait3A_597 = tpu.memref_slice %arg6[%dma_wait3A_594, %dma_wait3A_595, %dma_wait3A_596] : memref<8x64x128xf32, #tpu.memory_space<vmem>> -> memref<1x64x128xf32, #tpu.memory_space<vmem>>
      %dma_wait3A_598 = tpu.memref_squeeze %dma_wait3A_597 : memref<1x64x128xf32, #tpu.memory_space<vmem>> -> memref<64x128xf32, #tpu.memory_space<vmem>>
      %dma_wait3A_599 = arith.constant 0 : i32
      %dma_wait3A_600 = arith.constant 0 : i32
      %dma_wait3A_601 = tpu.memref_slice %arg3[%dma_wait3A_599, %dma_wait3A_600] : memref<64x1000000xf32, #tpu.memory_space<hbm>> -> memref<64x128xf32, #tpu.memory_space<hbm>>
      %dma_wait3A_602 = arith.constant 0 : i32
      %dma_wait3A_603 = arith.constant 0 : i32
      %dma_wait3A_604 = tpu.memref_slice %arg6[%dma_wait3A_594, %dma_wait3A_602, %dma_wait3A_603] : memref<8x64x128xf32, #tpu.memory_space<vmem>> -> memref<1x64x128xf32, #tpu.memory_space<vmem>>
      %dma_wait3A_605 = tpu.memref_squeeze %dma_wait3A_604 : memref<1x64x128xf32, #tpu.memory_space<vmem>> -> memref<64x128xf32, #tpu.memory_space<vmem>>
      %dma_wait3A_606 = arith.constant 0 : i32
      %dma_wait3A_607 = arith.constant 0 : i32
      %dma_wait3A_608 = tpu.memref_slice %arg3[%dma_wait3A_606, %dma_wait3A_607] : memref<64x1000000xf32, #tpu.memory_space<hbm>> -> memref<64x128xf32, #tpu.memory_space<hbm>>
      tpu.wait_dma2 semaphore(%arg12 : memref<!tpu.dma_semaphore, #tpu.memory_space<semaphore_mem>>) src(%dma_wait3A_608 : memref<64x128xf32, #tpu.memory_space<hbm>>) dst(%dma_wait3A_605 : memref<64x128xf32, #tpu.memory_space<vmem>>)
      %mul3A_609 = arith.constant 16 : i32
      %mul3A_610 = arith.muli %scan3A_273, %mul3A_609 : i32
      %add3A_611 = arith.constant 3 : i32
      %add3A_612 = arith.addi %mul3A_610, %add3A_611 : i32
      %slice3A_613 = vector.extract_strided_slice %and3A_288 {offsets = [3], sizes = [1], strides = [1]} : vector<16xi32> to vector<1xi32>
      %squeeze3A_614 = vector.extract %slice3A_613[0] : i32 from vector<1xi32>
      %broadcast_in_dim3A_615 = vector.broadcast %squeeze3A_614 : i32 to vector<16xi32>
      %slice3A_616 = vector.extract_strided_slice %convert_element_type3A_291 {offsets = [3], sizes = [1], strides = [1]} : vector<16xi32> to vector<1xi32>
      %squeeze3A_617 = vector.extract %slice3A_616[0] : i32 from vector<1xi32>
      %broadcast_in_dim3A_618 = vector.broadcast %squeeze3A_617 : i32 to vector<16xi32>
      %convert_element_type3A_619 = arith.sitofp %broadcast_in_dim3A_618 : vector<16xi32> to vector<16xf32>
      %and3A_620 = arith.constant 255 : i32
      %and3A_621 = arith.andi %add3A_612, %and3A_620 : i32
      %broadcast_in_dim3A_622 = vector.broadcast %and3A_621 : i32 to vector<16xi32>
      %gather3A_623 = arith.constant 3 : i32
      %gather3A_624 = arith.constant 0 : i32
      %gather3A_625 = arith.constant 0 : i32
      %gather3A_626 = tpu.memref_slice %arg6[%gather3A_623, %gather3A_624, %gather3A_625] : memref<8x64x128xf32, #tpu.memory_space<vmem>> -> memref<1x64x128xf32, #tpu.memory_space<vmem>>
      %gather3A_627 = tpu.memref_squeeze %gather3A_626 : memref<1x64x128xf32, #tpu.memory_space<vmem>> -> memref<64x128xf32, #tpu.memory_space<vmem>>
      %gather3A_628 = tpu.vector_load_idx %gather3A_627[%add3A_5, %broadcast_in_dim3A_615] : memref<64x128xf32, #tpu.memory_space<vmem>>[vector<16xi32>, vector<16xi32>], vector<16xf32>,
      %gather3A_629 = tpu.vector_load_idx %arg7[%add3A_5, %broadcast_in_dim3A_615] : memref<64x64xf32, #tpu.memory_space<vmem>>[vector<16xi32>, vector<16xi32>], vector<16xf32>,
      %sub3A_630 = arith.constant 1.000000e+00 : f32
      %sub3A_631 = vector.broadcast %sub3A_630 : f32 to vector<16xf32>
      %sub3A_632 = arith.subf %sub3A_631, %convert_element_type3A_619 : vector<16xf32>
      %mul3A_633 = arith.mulf %gather3A_628, %sub3A_632 : vector<16xf32>
      %mul3A_634 = arith.mulf %gather3A_629, %convert_element_type3A_619 : vector<16xf32>
      %add3A_635 = arith.addf %mul3A_633, %mul3A_634 : vector<16xf32>
      tpu.vector_store_idx %arg8[%broadcast_in_dim3A_622, %add3A_5], %add3A_635 : memref<256x64xf32, #tpu.memory_space<vmem>>[vector<16xi32>, vector<16xi32>], vector<16xf32>,
      %gather3A_636 = arith.constant 3 : i32
      %gather3A_637 = arith.constant 0 : i32
      %gather3A_638 = arith.constant 0 : i32
      %gather3A_639 = tpu.memref_slice %arg6[%gather3A_636, %gather3A_637, %gather3A_638] : memref<8x64x128xf32, #tpu.memory_space<vmem>> -> memref<1x64x128xf32, #tpu.memory_space<vmem>>
      %gather3A_640 = tpu.memref_squeeze %gather3A_639 : memref<1x64x128xf32, #tpu.memory_space<vmem>> -> memref<64x128xf32, #tpu.memory_space<vmem>>
      %gather3A_641 = tpu.vector_load_idx %gather3A_640[%add3A_9, %broadcast_in_dim3A_615] : memref<64x128xf32, #tpu.memory_space<vmem>>[vector<16xi32>, vector<16xi32>], vector<16xf32>,
      %gather3A_642 = tpu.vector_load_idx %arg7[%add3A_9, %broadcast_in_dim3A_615] : memref<64x64xf32, #tpu.memory_space<vmem>>[vector<16xi32>, vector<16xi32>], vector<16xf32>,
      %sub3A_643 = arith.constant 1.000000e+00 : f32
      %sub3A_644 = vector.broadcast %sub3A_643 : f32 to vector<16xf32>
      %sub3A_645 = arith.subf %sub3A_644, %convert_element_type3A_619 : vector<16xf32>
      %mul3A_646 = arith.mulf %gather3A_641, %sub3A_645 : vector<16xf32>
      %mul3A_647 = arith.mulf %gather3A_642, %convert_element_type3A_619 : vector<16xf32>
      %add3A_648 = arith.addf %mul3A_646, %mul3A_647 : vector<16xf32>
      tpu.vector_store_idx %arg8[%broadcast_in_dim3A_622, %add3A_9], %add3A_648 : memref<256x64xf32, #tpu.memory_space<vmem>>[vector<16xi32>, vector<16xi32>], vector<16xf32>,
      %gather3A_649 = arith.constant 3 : i32
      %gather3A_650 = arith.constant 0 : i32
      %gather3A_651 = arith.constant 0 : i32
      %gather3A_652 = tpu.memref_slice %arg6[%gather3A_649, %gather3A_650, %gather3A_651] : memref<8x64x128xf32, #tpu.memory_space<vmem>> -> memref<1x64x128xf32, #tpu.memory_space<vmem>>
      %gather3A_653 = tpu.memref_squeeze %gather3A_652 : memref<1x64x128xf32, #tpu.memory_space<vmem>> -> memref<64x128xf32, #tpu.memory_space<vmem>>
      %gather3A_654 = tpu.vector_load_idx %gather3A_653[%add3A_13, %broadcast_in_dim3A_615] : memref<64x128xf32, #tpu.memory_space<vmem>>[vector<16xi32>, vector<16xi32>], vector<16xf32>,
      %gather3A_655 = tpu.vector_load_idx %arg7[%add3A_13, %broadcast_in_dim3A_615] : memref<64x64xf32, #tpu.memory_space<vmem>>[vector<16xi32>, vector<16xi32>], vector<16xf32>,
      %sub3A_656 = arith.constant 1.000000e+00 : f32
      %sub3A_657 = vector.broadcast %sub3A_656 : f32 to vector<16xf32>
      %sub3A_658 = arith.subf %sub3A_657, %convert_element_type3A_619 : vector<16xf32>
      %mul3A_659 = arith.mulf %gather3A_654, %sub3A_658 : vector<16xf32>
      %mul3A_660 = arith.mulf %gather3A_655, %convert_element_type3A_619 : vector<16xf32>
      %add3A_661 = arith.addf %mul3A_659, %mul3A_660 : vector<16xf32>
      tpu.vector_store_idx %arg8[%broadcast_in_dim3A_622, %add3A_13], %add3A_661 : memref<256x64xf32, #tpu.memory_space<vmem>>[vector<16xi32>, vector<16xi32>], vector<16xf32>,
      %gather3A_662 = arith.constant 3 : i32
      %gather3A_663 = arith.constant 0 : i32
      %gather3A_664 = arith.constant 0 : i32
      %gather3A_665 = tpu.memref_slice %arg6[%gather3A_662, %gather3A_663, %gather3A_664] : memref<8x64x128xf32, #tpu.memory_space<vmem>> -> memref<1x64x128xf32, #tpu.memory_space<vmem>>
      %gather3A_666 = tpu.memref_squeeze %gather3A_665 : memref<1x64x128xf32, #tpu.memory_space<vmem>> -> memref<64x128xf32, #tpu.memory_space<vmem>>
      %gather3A_667 = tpu.vector_load_idx %gather3A_666[%add3A_17, %broadcast_in_dim3A_615] : memref<64x128xf32, #tpu.memory_space<vmem>>[vector<16xi32>, vector<16xi32>], vector<16xf32>,
      %gather3A_668 = tpu.vector_load_idx %arg7[%add3A_17, %broadcast_in_dim3A_615] : memref<64x64xf32, #tpu.memory_space<vmem>>[vector<16xi32>, vector<16xi32>], vector<16xf32>,
      %sub3A_669 = arith.constant 1.000000e+00 : f32
      %sub3A_670 = vector.broadcast %sub3A_669 : f32 to vector<16xf32>
      %sub3A_671 = arith.subf %sub3A_670, %convert_element_type3A_619 : vector<16xf32>
      %mul3A_672 = arith.mulf %gather3A_667, %sub3A_671 : vector<16xf32>
      %mul3A_673 = arith.mulf %gather3A_668, %convert_element_type3A_619 : vector<16xf32>
      %add3A_674 = arith.addf %mul3A_672, %mul3A_673 : vector<16xf32>
      tpu.vector_store_idx %arg8[%broadcast_in_dim3A_622, %add3A_17], %add3A_674 : memref<256x64xf32, #tpu.memory_space<vmem>>[vector<16xi32>, vector<16xi32>], vector<16xf32>,
      %slice3A_675 = vector.extract_strided_slice %min3A_285 {offsets = [11], sizes = [1], strides = [1]} : vector<16xi32> to vector<1xi32>
      %squeeze3A_676 = vector.extract %slice3A_675[0] : i32 from vector<1xi32>
      %multiple_of3A_677 = tpu.assume_multiple %squeeze3A_676, 128 : i32
      %dma_start3A_678 = arith.constant 3 : i32
      %dma_start3A_679 = arith.constant 0 : i32
      %dma_start3A_680 = arith.constant 0 : i32
      %dma_start3A_681 = tpu.memref_slice %arg6[%dma_start3A_678, %dma_start3A_679, %dma_start3A_680] : memref<8x64x128xf32, #tpu.memory_space<vmem>> -> memref<1x64x128xf32, #tpu.memory_space<vmem>>
      %dma_start3A_682 = tpu.memref_squeeze %dma_start3A_681 : memref<1x64x128xf32, #tpu.memory_space<vmem>> -> memref<64x128xf32, #tpu.memory_space<vmem>>
      %dma_start3A_683 = arith.constant 0 : i32
      %dma_start3A_684 = tpu.memref_slice %arg3[%dma_start3A_683, %multiple_of3A_677] : memref<64x1000000xf32, #tpu.memory_space<hbm>> -> memref<64x128xf32, #tpu.memory_space<hbm>>
      %dma_start3A_685 = arith.constant 0 : i32
      %dma_start3A_686 = arith.constant 0 : i32
      %dma_start3A_687 = tpu.memref_slice %arg6[%dma_start3A_678, %dma_start3A_685, %dma_start3A_686] : memref<8x64x128xf32, #tpu.memory_space<vmem>> -> memref<1x64x128xf32, #tpu.memory_space<vmem>>
      %dma_start3A_688 = tpu.memref_squeeze %dma_start3A_687 : memref<1x64x128xf32, #tpu.memory_space<vmem>> -> memref<64x128xf32, #tpu.memory_space<vmem>>
      %dma_start3A_689 = arith.constant 0 : i32
      %dma_start3A_690 = tpu.memref_slice %arg3[%dma_start3A_689, %multiple_of3A_677] : memref<64x1000000xf32, #tpu.memory_space<hbm>> -> memref<64x128xf32, #tpu.memory_space<hbm>>
      tpu.enqueue_dma source(%dma_start3A_690 : memref<64x128xf32, #tpu.memory_space<hbm>>) target(%dma_start3A_688 : memref<64x128xf32, #tpu.memory_space<vmem>>) target_semaphore(%arg12 : memref<!tpu.dma_semaphore, #tpu.memory_space<semaphore_mem>>)
      %dma_wait3A_691 = arith.constant 4 : i32
      %dma_wait3A_692 = arith.constant 0 : i32
      %dma_wait3A_693 = arith.constant 0 : i32
      %dma_wait3A_694 = tpu.memref_slice %arg6[%dma_wait3A_691, %dma_wait3A_692, %dma_wait3A_693] : memref<8x64x128xf32, #tpu.memory_space<vmem>> -> memref<1x64x128xf32, #tpu.memory_space<vmem>>
      %dma_wait3A_695 = tpu.memref_squeeze %dma_wait3A_694 : memref<1x64x128xf32, #tpu.memory_space<vmem>> -> memref<64x128xf32, #tpu.memory_space<vmem>>
      %dma_wait3A_696 = arith.constant 0 : i32
      %dma_wait3A_697 = arith.constant 0 : i32
      %dma_wait3A_698 = tpu.memref_slice %arg3[%dma_wait3A_696, %dma_wait3A_697] : memref<64x1000000xf32, #tpu.memory_space<hbm>> -> memref<64x128xf32, #tpu.memory_space<hbm>>
      %dma_wait3A_699 = arith.constant 0 : i32
      %dma_wait3A_700 = arith.constant 0 : i32
      %dma_wait3A_701 = tpu.memref_slice %arg6[%dma_wait3A_691, %dma_wait3A_699, %dma_wait3A_700] : memref<8x64x128xf32, #tpu.memory_space<vmem>> -> memref<1x64x128xf32, #tpu.memory_space<vmem>>
      %dma_wait3A_702 = tpu.memref_squeeze %dma_wait3A_701 : memref<1x64x128xf32, #tpu.memory_space<vmem>> -> memref<64x128xf32, #tpu.memory_space<vmem>>
      %dma_wait3A_703 = arith.constant 0 : i32
      %dma_wait3A_704 = arith.constant 0 : i32
      %dma_wait3A_705 = tpu.memref_slice %arg3[%dma_wait3A_703, %dma_wait3A_704] : memref<64x1000000xf32, #tpu.memory_space<hbm>> -> memref<64x128xf32, #tpu.memory_space<hbm>>
      tpu.wait_dma2 semaphore(%arg13 : memref<!tpu.dma_semaphore, #tpu.memory_space<semaphore_mem>>) src(%dma_wait3A_705 : memref<64x128xf32, #tpu.memory_space<hbm>>) dst(%dma_wait3A_702 : memref<64x128xf32, #tpu.memory_space<vmem>>)
      %mul3A_706 = arith.constant 16 : i32
      %mul3A_707 = arith.muli %scan3A_273, %mul3A_706 : i32
      %add3A_708 = arith.constant 4 : i32
      %add3A_709 = arith.addi %mul3A_707, %add3A_708 : i32
      %slice3A_710 = vector.extract_strided_slice %and3A_288 {offsets = [4], sizes = [1], strides = [1]} : vector<16xi32> to vector<1xi32>
      %squeeze3A_711 = vector.extract %slice3A_710[0] : i32 from vector<1xi32>
      %broadcast_in_dim3A_712 = vector.broadcast %squeeze3A_711 : i32 to vector<16xi32>
      %slice3A_713 = vector.extract_strided_slice %convert_element_type3A_291 {offsets = [4], sizes = [1], strides = [1]} : vector<16xi32> to vector<1xi32>
      %squeeze3A_714 = vector.extract %slice3A_713[0] : i32 from vector<1xi32>
      %broadcast_in_dim3A_715 = vector.broadcast %squeeze3A_714 : i32 to vector<16xi32>
      %convert_element_type3A_716 = arith.sitofp %broadcast_in_dim3A_715 : vector<16xi32> to vector<16xf32>
      %and3A_717 = arith.constant 255 : i32
      %and3A_718 = arith.andi %add3A_709, %and3A_717 : i32
      %broadcast_in_dim3A_719 = vector.broadcast %and3A_718 : i32 to vector<16xi32>
      %gather3A_720 = arith.constant 4 : i32
      %gather3A_721 = arith.constant 0 : i32
      %gather3A_722 = arith.constant 0 : i32
      %gather3A_723 = tpu.memref_slice %arg6[%gather3A_720, %gather3A_721, %gather3A_722] : memref<8x64x128xf32, #tpu.memory_space<vmem>> -> memref<1x64x128xf32, #tpu.memory_space<vmem>>
      %gather3A_724 = tpu.memref_squeeze %gather3A_723 : memref<1x64x128xf32, #tpu.memory_space<vmem>> -> memref<64x128xf32, #tpu.memory_space<vmem>>
      %gather3A_725 = tpu.vector_load_idx %gather3A_724[%add3A_5, %broadcast_in_dim3A_712] : memref<64x128xf32, #tpu.memory_space<vmem>>[vector<16xi32>, vector<16xi32>], vector<16xf32>,
      %gather3A_726 = tpu.vector_load_idx %arg7[%add3A_5, %broadcast_in_dim3A_712] : memref<64x64xf32, #tpu.memory_space<vmem>>[vector<16xi32>, vector<16xi32>], vector<16xf32>,
      %sub3A_727 = arith.constant 1.000000e+00 : f32
      %sub3A_728 = vector.broadcast %sub3A_727 : f32 to vector<16xf32>
      %sub3A_729 = arith.subf %sub3A_728, %convert_element_type3A_716 : vector<16xf32>
      %mul3A_730 = arith.mulf %gather3A_725, %sub3A_729 : vector<16xf32>
      %mul3A_731 = arith.mulf %gather3A_726, %convert_element_type3A_716 : vector<16xf32>
      %add3A_732 = arith.addf %mul3A_730, %mul3A_731 : vector<16xf32>
      tpu.vector_store_idx %arg8[%broadcast_in_dim3A_719, %add3A_5], %add3A_732 : memref<256x64xf32, #tpu.memory_space<vmem>>[vector<16xi32>, vector<16xi32>], vector<16xf32>,
      %gather3A_733 = arith.constant 4 : i32
      %gather3A_734 = arith.constant 0 : i32
      %gather3A_735 = arith.constant 0 : i32
      %gather3A_736 = tpu.memref_slice %arg6[%gather3A_733, %gather3A_734, %gather3A_735] : memref<8x64x128xf32, #tpu.memory_space<vmem>> -> memref<1x64x128xf32, #tpu.memory_space<vmem>>
      %gather3A_737 = tpu.memref_squeeze %gather3A_736 : memref<1x64x128xf32, #tpu.memory_space<vmem>> -> memref<64x128xf32, #tpu.memory_space<vmem>>
      %gather3A_738 = tpu.vector_load_idx %gather3A_737[%add3A_9, %broadcast_in_dim3A_712] : memref<64x128xf32, #tpu.memory_space<vmem>>[vector<16xi32>, vector<16xi32>], vector<16xf32>,
      %gather3A_739 = tpu.vector_load_idx %arg7[%add3A_9, %broadcast_in_dim3A_712] : memref<64x64xf32, #tpu.memory_space<vmem>>[vector<16xi32>, vector<16xi32>], vector<16xf32>,
      %sub3A_740 = arith.constant 1.000000e+00 : f32
      %sub3A_741 = vector.broadcast %sub3A_740 : f32 to vector<16xf32>
      %sub3A_742 = arith.subf %sub3A_741, %convert_element_type3A_716 : vector<16xf32>
      %mul3A_743 = arith.mulf %gather3A_738, %sub3A_742 : vector<16xf32>
      %mul3A_744 = arith.mulf %gather3A_739, %convert_element_type3A_716 : vector<16xf32>
      %add3A_745 = arith.addf %mul3A_743, %mul3A_744 : vector<16xf32>
      tpu.vector_store_idx %arg8[%broadcast_in_dim3A_719, %add3A_9], %add3A_745 : memref<256x64xf32, #tpu.memory_space<vmem>>[vector<16xi32>, vector<16xi32>], vector<16xf32>,
      %gather3A_746 = arith.constant 4 : i32
      %gather3A_747 = arith.constant 0 : i32
      %gather3A_748 = arith.constant 0 : i32
      %gather3A_749 = tpu.memref_slice %arg6[%gather3A_746, %gather3A_747, %gather3A_748] : memref<8x64x128xf32, #tpu.memory_space<vmem>> -> memref<1x64x128xf32, #tpu.memory_space<vmem>>
      %gather3A_750 = tpu.memref_squeeze %gather3A_749 : memref<1x64x128xf32, #tpu.memory_space<vmem>> -> memref<64x128xf32, #tpu.memory_space<vmem>>
      %gather3A_751 = tpu.vector_load_idx %gather3A_750[%add3A_13, %broadcast_in_dim3A_712] : memref<64x128xf32, #tpu.memory_space<vmem>>[vector<16xi32>, vector<16xi32>], vector<16xf32>,
      %gather3A_752 = tpu.vector_load_idx %arg7[%add3A_13, %broadcast_in_dim3A_712] : memref<64x64xf32, #tpu.memory_space<vmem>>[vector<16xi32>, vector<16xi32>], vector<16xf32>,
      %sub3A_753 = arith.constant 1.000000e+00 : f32
      %sub3A_754 = vector.broadcast %sub3A_753 : f32 to vector<16xf32>
      %sub3A_755 = arith.subf %sub3A_754, %convert_element_type3A_716 : vector<16xf32>
      %mul3A_756 = arith.mulf %gather3A_751, %sub3A_755 : vector<16xf32>
      %mul3A_757 = arith.mulf %gather3A_752, %convert_element_type3A_716 : vector<16xf32>
      %add3A_758 = arith.addf %mul3A_756, %mul3A_757 : vector<16xf32>
      tpu.vector_store_idx %arg8[%broadcast_in_dim3A_719, %add3A_13], %add3A_758 : memref<256x64xf32, #tpu.memory_space<vmem>>[vector<16xi32>, vector<16xi32>], vector<16xf32>,
      %gather3A_759 = arith.constant 4 : i32
      %gather3A_760 = arith.constant 0 : i32
      %gather3A_761 = arith.constant 0 : i32
      %gather3A_762 = tpu.memref_slice %arg6[%gather3A_759, %gather3A_760, %gather3A_761] : memref<8x64x128xf32, #tpu.memory_space<vmem>> -> memref<1x64x128xf32, #tpu.memory_space<vmem>>
      %gather3A_763 = tpu.memref_squeeze %gather3A_762 : memref<1x64x128xf32, #tpu.memory_space<vmem>> -> memref<64x128xf32, #tpu.memory_space<vmem>>
      %gather3A_764 = tpu.vector_load_idx %gather3A_763[%add3A_17, %broadcast_in_dim3A_712] : memref<64x128xf32, #tpu.memory_space<vmem>>[vector<16xi32>, vector<16xi32>], vector<16xf32>,
      %gather3A_765 = tpu.vector_load_idx %arg7[%add3A_17, %broadcast_in_dim3A_712] : memref<64x64xf32, #tpu.memory_space<vmem>>[vector<16xi32>, vector<16xi32>], vector<16xf32>,
      %sub3A_766 = arith.constant 1.000000e+00 : f32
      %sub3A_767 = vector.broadcast %sub3A_766 : f32 to vector<16xf32>
      %sub3A_768 = arith.subf %sub3A_767, %convert_element_type3A_716 : vector<16xf32>
      %mul3A_769 = arith.mulf %gather3A_764, %sub3A_768 : vector<16xf32>
      %mul3A_770 = arith.mulf %gather3A_765, %convert_element_type3A_716 : vector<16xf32>
      %add3A_771 = arith.addf %mul3A_769, %mul3A_770 : vector<16xf32>
      tpu.vector_store_idx %arg8[%broadcast_in_dim3A_719, %add3A_17], %add3A_771 : memref<256x64xf32, #tpu.memory_space<vmem>>[vector<16xi32>, vector<16xi32>], vector<16xf32>,
      %slice3A_772 = vector.extract_strided_slice %min3A_285 {offsets = [12], sizes = [1], strides = [1]} : vector<16xi32> to vector<1xi32>
      %squeeze3A_773 = vector.extract %slice3A_772[0] : i32 from vector<1xi32>
      %multiple_of3A_774 = tpu.assume_multiple %squeeze3A_773, 128 : i32
      %dma_start3A_775 = arith.constant 4 : i32
      %dma_start3A_776 = arith.constant 0 : i32
      %dma_start3A_777 = arith.constant 0 : i32
      %dma_start3A_778 = tpu.memref_slice %arg6[%dma_start3A_775, %dma_start3A_776, %dma_start3A_777] : memref<8x64x128xf32, #tpu.memory_space<vmem>> -> memref<1x64x128xf32, #tpu.memory_space<vmem>>
      %dma_start3A_779 = tpu.memref_squeeze %dma_start3A_778 : memref<1x64x128xf32, #tpu.memory_space<vmem>> -> memref<64x128xf32, #tpu.memory_space<vmem>>
      %dma_start3A_780 = arith.constant 0 : i32
      %dma_start3A_781 = tpu.memref_slice %arg3[%dma_start3A_780, %multiple_of3A_774] : memref<64x1000000xf32, #tpu.memory_space<hbm>> -> memref<64x128xf32, #tpu.memory_space<hbm>>
      %dma_start3A_782 = arith.constant 0 : i32
      %dma_start3A_783 = arith.constant 0 : i32
      %dma_start3A_784 = tpu.memref_slice %arg6[%dma_start3A_775, %dma_start3A_782, %dma_start3A_783] : memref<8x64x128xf32, #tpu.memory_space<vmem>> -> memref<1x64x128xf32, #tpu.memory_space<vmem>>
      %dma_start3A_785 = tpu.memref_squeeze %dma_start3A_784 : memref<1x64x128xf32, #tpu.memory_space<vmem>> -> memref<64x128xf32, #tpu.memory_space<vmem>>
      %dma_start3A_786 = arith.constant 0 : i32
      %dma_start3A_787 = tpu.memref_slice %arg3[%dma_start3A_786, %multiple_of3A_774] : memref<64x1000000xf32, #tpu.memory_space<hbm>> -> memref<64x128xf32, #tpu.memory_space<hbm>>
      tpu.enqueue_dma source(%dma_start3A_787 : memref<64x128xf32, #tpu.memory_space<hbm>>) target(%dma_start3A_785 : memref<64x128xf32, #tpu.memory_space<vmem>>) target_semaphore(%arg13 : memref<!tpu.dma_semaphore, #tpu.memory_space<semaphore_mem>>)
      %dma_wait3A_788 = arith.constant 5 : i32
      %dma_wait3A_789 = arith.constant 0 : i32
      %dma_wait3A_790 = arith.constant 0 : i32
      %dma_wait3A_791 = tpu.memref_slice %arg6[%dma_wait3A_788, %dma_wait3A_789, %dma_wait3A_790] : memref<8x64x128xf32, #tpu.memory_space<vmem>> -> memref<1x64x128xf32, #tpu.memory_space<vmem>>
      %dma_wait3A_792 = tpu.memref_squeeze %dma_wait3A_791 : memref<1x64x128xf32, #tpu.memory_space<vmem>> -> memref<64x128xf32, #tpu.memory_space<vmem>>
      %dma_wait3A_793 = arith.constant 0 : i32
      %dma_wait3A_794 = arith.constant 0 : i32
      %dma_wait3A_795 = tpu.memref_slice %arg3[%dma_wait3A_793, %dma_wait3A_794] : memref<64x1000000xf32, #tpu.memory_space<hbm>> -> memref<64x128xf32, #tpu.memory_space<hbm>>
      %dma_wait3A_796 = arith.constant 0 : i32
      %dma_wait3A_797 = arith.constant 0 : i32
      %dma_wait3A_798 = tpu.memref_slice %arg6[%dma_wait3A_788, %dma_wait3A_796, %dma_wait3A_797] : memref<8x64x128xf32, #tpu.memory_space<vmem>> -> memref<1x64x128xf32, #tpu.memory_space<vmem>>
      %dma_wait3A_799 = tpu.memref_squeeze %dma_wait3A_798 : memref<1x64x128xf32, #tpu.memory_space<vmem>> -> memref<64x128xf32, #tpu.memory_space<vmem>>
      %dma_wait3A_800 = arith.constant 0 : i32
      %dma_wait3A_801 = arith.constant 0 : i32
      %dma_wait3A_802 = tpu.memref_slice %arg3[%dma_wait3A_800, %dma_wait3A_801] : memref<64x1000000xf32, #tpu.memory_space<hbm>> -> memref<64x128xf32, #tpu.memory_space<hbm>>
      tpu.wait_dma2 semaphore(%arg14 : memref<!tpu.dma_semaphore, #tpu.memory_space<semaphore_mem>>) src(%dma_wait3A_802 : memref<64x128xf32, #tpu.memory_space<hbm>>) dst(%dma_wait3A_799 : memref<64x128xf32, #tpu.memory_space<vmem>>)
      %mul3A_803 = arith.constant 16 : i32
      %mul3A_804 = arith.muli %scan3A_273, %mul3A_803 : i32
      %add3A_805 = arith.constant 5 : i32
      %add3A_806 = arith.addi %mul3A_804, %add3A_805 : i32
      %slice3A_807 = vector.extract_strided_slice %and3A_288 {offsets = [5], sizes = [1], strides = [1]} : vector<16xi32> to vector<1xi32>
      %squeeze3A_808 = vector.extract %slice3A_807[0] : i32 from vector<1xi32>
      %broadcast_in_dim3A_809 = vector.broadcast %squeeze3A_808 : i32 to vector<16xi32>
      %slice3A_810 = vector.extract_strided_slice %convert_element_type3A_291 {offsets = [5], sizes = [1], strides = [1]} : vector<16xi32> to vector<1xi32>
      %squeeze3A_811 = vector.extract %slice3A_810[0] : i32 from vector<1xi32>
      %broadcast_in_dim3A_812 = vector.broadcast %squeeze3A_811 : i32 to vector<16xi32>
      %convert_element_type3A_813 = arith.sitofp %broadcast_in_dim3A_812 : vector<16xi32> to vector<16xf32>
      %and3A_814 = arith.constant 255 : i32
      %and3A_815 = arith.andi %add3A_806, %and3A_814 : i32
      %broadcast_in_dim3A_816 = vector.broadcast %and3A_815 : i32 to vector<16xi32>
      %gather3A_817 = arith.constant 5 : i32
      %gather3A_818 = arith.constant 0 : i32
      %gather3A_819 = arith.constant 0 : i32
      %gather3A_820 = tpu.memref_slice %arg6[%gather3A_817, %gather3A_818, %gather3A_819] : memref<8x64x128xf32, #tpu.memory_space<vmem>> -> memref<1x64x128xf32, #tpu.memory_space<vmem>>
      %gather3A_821 = tpu.memref_squeeze %gather3A_820 : memref<1x64x128xf32, #tpu.memory_space<vmem>> -> memref<64x128xf32, #tpu.memory_space<vmem>>
      %gather3A_822 = tpu.vector_load_idx %gather3A_821[%add3A_5, %broadcast_in_dim3A_809] : memref<64x128xf32, #tpu.memory_space<vmem>>[vector<16xi32>, vector<16xi32>], vector<16xf32>,
      %gather3A_823 = tpu.vector_load_idx %arg7[%add3A_5, %broadcast_in_dim3A_809] : memref<64x64xf32, #tpu.memory_space<vmem>>[vector<16xi32>, vector<16xi32>], vector<16xf32>,
      %sub3A_824 = arith.constant 1.000000e+00 : f32
      %sub3A_825 = vector.broadcast %sub3A_824 : f32 to vector<16xf32>
      %sub3A_826 = arith.subf %sub3A_825, %convert_element_type3A_813 : vector<16xf32>
      %mul3A_827 = arith.mulf %gather3A_822, %sub3A_826 : vector<16xf32>
      %mul3A_828 = arith.mulf %gather3A_823, %convert_element_type3A_813 : vector<16xf32>
      %add3A_829 = arith.addf %mul3A_827, %mul3A_828 : vector<16xf32>
      tpu.vector_store_idx %arg8[%broadcast_in_dim3A_816, %add3A_5], %add3A_829 : memref<256x64xf32, #tpu.memory_space<vmem>>[vector<16xi32>, vector<16xi32>], vector<16xf32>,
      %gather3A_830 = arith.constant 5 : i32
      %gather3A_831 = arith.constant 0 : i32
      %gather3A_832 = arith.constant 0 : i32
      %gather3A_833 = tpu.memref_slice %arg6[%gather3A_830, %gather3A_831, %gather3A_832] : memref<8x64x128xf32, #tpu.memory_space<vmem>> -> memref<1x64x128xf32, #tpu.memory_space<vmem>>
      %gather3A_834 = tpu.memref_squeeze %gather3A_833 : memref<1x64x128xf32, #tpu.memory_space<vmem>> -> memref<64x128xf32, #tpu.memory_space<vmem>>
      %gather3A_835 = tpu.vector_load_idx %gather3A_834[%add3A_9, %broadcast_in_dim3A_809] : memref<64x128xf32, #tpu.memory_space<vmem>>[vector<16xi32>, vector<16xi32>], vector<16xf32>,
      %gather3A_836 = tpu.vector_load_idx %arg7[%add3A_9, %broadcast_in_dim3A_809] : memref<64x64xf32, #tpu.memory_space<vmem>>[vector<16xi32>, vector<16xi32>], vector<16xf32>,
      %sub3A_837 = arith.constant 1.000000e+00 : f32
      %sub3A_838 = vector.broadcast %sub3A_837 : f32 to vector<16xf32>
      %sub3A_839 = arith.subf %sub3A_838, %convert_element_type3A_813 : vector<16xf32>
      %mul3A_840 = arith.mulf %gather3A_835, %sub3A_839 : vector<16xf32>
      %mul3A_841 = arith.mulf %gather3A_836, %convert_element_type3A_813 : vector<16xf32>
      %add3A_842 = arith.addf %mul3A_840, %mul3A_841 : vector<16xf32>
      tpu.vector_store_idx %arg8[%broadcast_in_dim3A_816, %add3A_9], %add3A_842 : memref<256x64xf32, #tpu.memory_space<vmem>>[vector<16xi32>, vector<16xi32>], vector<16xf32>,
      %gather3A_843 = arith.constant 5 : i32
      %gather3A_844 = arith.constant 0 : i32
      %gather3A_845 = arith.constant 0 : i32
      %gather3A_846 = tpu.memref_slice %arg6[%gather3A_843, %gather3A_844, %gather3A_845] : memref<8x64x128xf32, #tpu.memory_space<vmem>> -> memref<1x64x128xf32, #tpu.memory_space<vmem>>
      %gather3A_847 = tpu.memref_squeeze %gather3A_846 : memref<1x64x128xf32, #tpu.memory_space<vmem>> -> memref<64x128xf32, #tpu.memory_space<vmem>>
      %gather3A_848 = tpu.vector_load_idx %gather3A_847[%add3A_13, %broadcast_in_dim3A_809] : memref<64x128xf32, #tpu.memory_space<vmem>>[vector<16xi32>, vector<16xi32>], vector<16xf32>,
      %gather3A_849 = tpu.vector_load_idx %arg7[%add3A_13, %broadcast_in_dim3A_809] : memref<64x64xf32, #tpu.memory_space<vmem>>[vector<16xi32>, vector<16xi32>], vector<16xf32>,
      %sub3A_850 = arith.constant 1.000000e+00 : f32
      %sub3A_851 = vector.broadcast %sub3A_850 : f32 to vector<16xf32>
      %sub3A_852 = arith.subf %sub3A_851, %convert_element_type3A_813 : vector<16xf32>
      %mul3A_853 = arith.mulf %gather3A_848, %sub3A_852 : vector<16xf32>
      %mul3A_854 = arith.mulf %gather3A_849, %convert_element_type3A_813 : vector<16xf32>
      %add3A_855 = arith.addf %mul3A_853, %mul3A_854 : vector<16xf32>
      tpu.vector_store_idx %arg8[%broadcast_in_dim3A_816, %add3A_13], %add3A_855 : memref<256x64xf32, #tpu.memory_space<vmem>>[vector<16xi32>, vector<16xi32>], vector<16xf32>,
      %gather3A_856 = arith.constant 5 : i32
      %gather3A_857 = arith.constant 0 : i32
      %gather3A_858 = arith.constant 0 : i32
      %gather3A_859 = tpu.memref_slice %arg6[%gather3A_856, %gather3A_857, %gather3A_858] : memref<8x64x128xf32, #tpu.memory_space<vmem>> -> memref<1x64x128xf32, #tpu.memory_space<vmem>>
      %gather3A_860 = tpu.memref_squeeze %gather3A_859 : memref<1x64x128xf32, #tpu.memory_space<vmem>> -> memref<64x128xf32, #tpu.memory_space<vmem>>
      %gather3A_861 = tpu.vector_load_idx %gather3A_860[%add3A_17, %broadcast_in_dim3A_809] : memref<64x128xf32, #tpu.memory_space<vmem>>[vector<16xi32>, vector<16xi32>], vector<16xf32>,
      %gather3A_862 = tpu.vector_load_idx %arg7[%add3A_17, %broadcast_in_dim3A_809] : memref<64x64xf32, #tpu.memory_space<vmem>>[vector<16xi32>, vector<16xi32>], vector<16xf32>,
      %sub3A_863 = arith.constant 1.000000e+00 : f32
      %sub3A_864 = vector.broadcast %sub3A_863 : f32 to vector<16xf32>
      %sub3A_865 = arith.subf %sub3A_864, %convert_element_type3A_813 : vector<16xf32>
      %mul3A_866 = arith.mulf %gather3A_861, %sub3A_865 : vector<16xf32>
      %mul3A_867 = arith.mulf %gather3A_862, %convert_element_type3A_813 : vector<16xf32>
      %add3A_868 = arith.addf %mul3A_866, %mul3A_867 : vector<16xf32>
      tpu.vector_store_idx %arg8[%broadcast_in_dim3A_816, %add3A_17], %add3A_868 : memref<256x64xf32, #tpu.memory_space<vmem>>[vector<16xi32>, vector<16xi32>], vector<16xf32>,
      %slice3A_869 = vector.extract_strided_slice %min3A_285 {offsets = [13], sizes = [1], strides = [1]} : vector<16xi32> to vector<1xi32>
      %squeeze3A_870 = vector.extract %slice3A_869[0] : i32 from vector<1xi32>
      %multiple_of3A_871 = tpu.assume_multiple %squeeze3A_870, 128 : i32
      %dma_start3A_872 = arith.constant 5 : i32
      %dma_start3A_873 = arith.constant 0 : i32
      %dma_start3A_874 = arith.constant 0 : i32
      %dma_start3A_875 = tpu.memref_slice %arg6[%dma_start3A_872, %dma_start3A_873, %dma_start3A_874] : memref<8x64x128xf32, #tpu.memory_space<vmem>> -> memref<1x64x128xf32, #tpu.memory_space<vmem>>
      %dma_start3A_876 = tpu.memref_squeeze %dma_start3A_875 : memref<1x64x128xf32, #tpu.memory_space<vmem>> -> memref<64x128xf32, #tpu.memory_space<vmem>>
      %dma_start3A_877 = arith.constant 0 : i32
      %dma_start3A_878 = tpu.memref_slice %arg3[%dma_start3A_877, %multiple_of3A_871] : memref<64x1000000xf32, #tpu.memory_space<hbm>> -> memref<64x128xf32, #tpu.memory_space<hbm>>
      %dma_start3A_879 = arith.constant 0 : i32
      %dma_start3A_880 = arith.constant 0 : i32
      %dma_start3A_881 = tpu.memref_slice %arg6[%dma_start3A_872, %dma_start3A_879, %dma_start3A_880] : memref<8x64x128xf32, #tpu.memory_space<vmem>> -> memref<1x64x128xf32, #tpu.memory_space<vmem>>
      %dma_start3A_882 = tpu.memref_squeeze %dma_start3A_881 : memref<1x64x128xf32, #tpu.memory_space<vmem>> -> memref<64x128xf32, #tpu.memory_space<vmem>>
      %dma_start3A_883 = arith.constant 0 : i32
      %dma_start3A_884 = tpu.memref_slice %arg3[%dma_start3A_883, %multiple_of3A_871] : memref<64x1000000xf32, #tpu.memory_space<hbm>> -> memref<64x128xf32, #tpu.memory_space<hbm>>
      tpu.enqueue_dma source(%dma_start3A_884 : memref<64x128xf32, #tpu.memory_space<hbm>>) target(%dma_start3A_882 : memref<64x128xf32, #tpu.memory_space<vmem>>) target_semaphore(%arg14 : memref<!tpu.dma_semaphore, #tpu.memory_space<semaphore_mem>>)
      %dma_wait3A_885 = arith.constant 6 : i32
      %dma_wait3A_886 = arith.constant 0 : i32
      %dma_wait3A_887 = arith.constant 0 : i32
      %dma_wait3A_888 = tpu.memref_slice %arg6[%dma_wait3A_885, %dma_wait3A_886, %dma_wait3A_887] : memref<8x64x128xf32, #tpu.memory_space<vmem>> -> memref<1x64x128xf32, #tpu.memory_space<vmem>>
      %dma_wait3A_889 = tpu.memref_squeeze %dma_wait3A_888 : memref<1x64x128xf32, #tpu.memory_space<vmem>> -> memref<64x128xf32, #tpu.memory_space<vmem>>
      %dma_wait3A_890 = arith.constant 0 : i32
      %dma_wait3A_891 = arith.constant 0 : i32
      %dma_wait3A_892 = tpu.memref_slice %arg3[%dma_wait3A_890, %dma_wait3A_891] : memref<64x1000000xf32, #tpu.memory_space<hbm>> -> memref<64x128xf32, #tpu.memory_space<hbm>>
      %dma_wait3A_893 = arith.constant 0 : i32
      %dma_wait3A_894 = arith.constant 0 : i32
      %dma_wait3A_895 = tpu.memref_slice %arg6[%dma_wait3A_885, %dma_wait3A_893, %dma_wait3A_894] : memref<8x64x128xf32, #tpu.memory_space<vmem>> -> memref<1x64x128xf32, #tpu.memory_space<vmem>>
      %dma_wait3A_896 = tpu.memref_squeeze %dma_wait3A_895 : memref<1x64x128xf32, #tpu.memory_space<vmem>> -> memref<64x128xf32, #tpu.memory_space<vmem>>
      %dma_wait3A_897 = arith.constant 0 : i32
      %dma_wait3A_898 = arith.constant 0 : i32
      %dma_wait3A_899 = tpu.memref_slice %arg3[%dma_wait3A_897, %dma_wait3A_898] : memref<64x1000000xf32, #tpu.memory_space<hbm>> -> memref<64x128xf32, #tpu.memory_space<hbm>>
      tpu.wait_dma2 semaphore(%arg15 : memref<!tpu.dma_semaphore, #tpu.memory_space<semaphore_mem>>) src(%dma_wait3A_899 : memref<64x128xf32, #tpu.memory_space<hbm>>) dst(%dma_wait3A_896 : memref<64x128xf32, #tpu.memory_space<vmem>>)
      %mul3A_900 = arith.constant 16 : i32
      %mul3A_901 = arith.muli %scan3A_273, %mul3A_900 : i32
      %add3A_902 = arith.constant 6 : i32
      %add3A_903 = arith.addi %mul3A_901, %add3A_902 : i32
      %slice3A_904 = vector.extract_strided_slice %and3A_288 {offsets = [6], sizes = [1], strides = [1]} : vector<16xi32> to vector<1xi32>
      %squeeze3A_905 = vector.extract %slice3A_904[0] : i32 from vector<1xi32>
      %broadcast_in_dim3A_906 = vector.broadcast %squeeze3A_905 : i32 to vector<16xi32>
      %slice3A_907 = vector.extract_strided_slice %convert_element_type3A_291 {offsets = [6], sizes = [1], strides = [1]} : vector<16xi32> to vector<1xi32>
      %squeeze3A_908 = vector.extract %slice3A_907[0] : i32 from vector<1xi32>
      %broadcast_in_dim3A_909 = vector.broadcast %squeeze3A_908 : i32 to vector<16xi32>
      %convert_element_type3A_910 = arith.sitofp %broadcast_in_dim3A_909 : vector<16xi32> to vector<16xf32>
      %and3A_911 = arith.constant 255 : i32
      %and3A_912 = arith.andi %add3A_903, %and3A_911 : i32
      %broadcast_in_dim3A_913 = vector.broadcast %and3A_912 : i32 to vector<16xi32>
      %gather3A_914 = arith.constant 6 : i32
      %gather3A_915 = arith.constant 0 : i32
      %gather3A_916 = arith.constant 0 : i32
      %gather3A_917 = tpu.memref_slice %arg6[%gather3A_914, %gather3A_915, %gather3A_916] : memref<8x64x128xf32, #tpu.memory_space<vmem>> -> memref<1x64x128xf32, #tpu.memory_space<vmem>>
      %gather3A_918 = tpu.memref_squeeze %gather3A_917 : memref<1x64x128xf32, #tpu.memory_space<vmem>> -> memref<64x128xf32, #tpu.memory_space<vmem>>
      %gather3A_919 = tpu.vector_load_idx %gather3A_918[%add3A_5, %broadcast_in_dim3A_906] : memref<64x128xf32, #tpu.memory_space<vmem>>[vector<16xi32>, vector<16xi32>], vector<16xf32>,
      %gather3A_920 = tpu.vector_load_idx %arg7[%add3A_5, %broadcast_in_dim3A_906] : memref<64x64xf32, #tpu.memory_space<vmem>>[vector<16xi32>, vector<16xi32>], vector<16xf32>,
      %sub3A_921 = arith.constant 1.000000e+00 : f32
      %sub3A_922 = vector.broadcast %sub3A_921 : f32 to vector<16xf32>
      %sub3A_923 = arith.subf %sub3A_922, %convert_element_type3A_910 : vector<16xf32>
      %mul3A_924 = arith.mulf %gather3A_919, %sub3A_923 : vector<16xf32>
      %mul3A_925 = arith.mulf %gather3A_920, %convert_element_type3A_910 : vector<16xf32>
      %add3A_926 = arith.addf %mul3A_924, %mul3A_925 : vector<16xf32>
      tpu.vector_store_idx %arg8[%broadcast_in_dim3A_913, %add3A_5], %add3A_926 : memref<256x64xf32, #tpu.memory_space<vmem>>[vector<16xi32>, vector<16xi32>], vector<16xf32>,
      %gather3A_927 = arith.constant 6 : i32
      %gather3A_928 = arith.constant 0 : i32
      %gather3A_929 = arith.constant 0 : i32
      %gather3A_930 = tpu.memref_slice %arg6[%gather3A_927, %gather3A_928, %gather3A_929] : memref<8x64x128xf32, #tpu.memory_space<vmem>> -> memref<1x64x128xf32, #tpu.memory_space<vmem>>
      %gather3A_931 = tpu.memref_squeeze %gather3A_930 : memref<1x64x128xf32, #tpu.memory_space<vmem>> -> memref<64x128xf32, #tpu.memory_space<vmem>>
      %gather3A_932 = tpu.vector_load_idx %gather3A_931[%add3A_9, %broadcast_in_dim3A_906] : memref<64x128xf32, #tpu.memory_space<vmem>>[vector<16xi32>, vector<16xi32>], vector<16xf32>,
      %gather3A_933 = tpu.vector_load_idx %arg7[%add3A_9, %broadcast_in_dim3A_906] : memref<64x64xf32, #tpu.memory_space<vmem>>[vector<16xi32>, vector<16xi32>], vector<16xf32>,
      %sub3A_934 = arith.constant 1.000000e+00 : f32
      %sub3A_935 = vector.broadcast %sub3A_934 : f32 to vector<16xf32>
      %sub3A_936 = arith.subf %sub3A_935, %convert_element_type3A_910 : vector<16xf32>
      %mul3A_937 = arith.mulf %gather3A_932, %sub3A_936 : vector<16xf32>
      %mul3A_938 = arith.mulf %gather3A_933, %convert_element_type3A_910 : vector<16xf32>
      %add3A_939 = arith.addf %mul3A_937, %mul3A_938 : vector<16xf32>
      tpu.vector_store_idx %arg8[%broadcast_in_dim3A_913, %add3A_9], %add3A_939 : memref<256x64xf32, #tpu.memory_space<vmem>>[vector<16xi32>, vector<16xi32>], vector<16xf32>,
      %gather3A_940 = arith.constant 6 : i32
      %gather3A_941 = arith.constant 0 : i32
      %gather3A_942 = arith.constant 0 : i32
      %gather3A_943 = tpu.memref_slice %arg6[%gather3A_940, %gather3A_941, %gather3A_942] : memref<8x64x128xf32, #tpu.memory_space<vmem>> -> memref<1x64x128xf32, #tpu.memory_space<vmem>>
      %gather3A_944 = tpu.memref_squeeze %gather3A_943 : memref<1x64x128xf32, #tpu.memory_space<vmem>> -> memref<64x128xf32, #tpu.memory_space<vmem>>
      %gather3A_945 = tpu.vector_load_idx %gather3A_944[%add3A_13, %broadcast_in_dim3A_906] : memref<64x128xf32, #tpu.memory_space<vmem>>[vector<16xi32>, vector<16xi32>], vector<16xf32>,
      %gather3A_946 = tpu.vector_load_idx %arg7[%add3A_13, %broadcast_in_dim3A_906] : memref<64x64xf32, #tpu.memory_space<vmem>>[vector<16xi32>, vector<16xi32>], vector<16xf32>,
      %sub3A_947 = arith.constant 1.000000e+00 : f32
      %sub3A_948 = vector.broadcast %sub3A_947 : f32 to vector<16xf32>
      %sub3A_949 = arith.subf %sub3A_948, %convert_element_type3A_910 : vector<16xf32>
      %mul3A_950 = arith.mulf %gather3A_945, %sub3A_949 : vector<16xf32>
      %mul3A_951 = arith.mulf %gather3A_946, %convert_element_type3A_910 : vector<16xf32>
      %add3A_952 = arith.addf %mul3A_950, %mul3A_951 : vector<16xf32>
      tpu.vector_store_idx %arg8[%broadcast_in_dim3A_913, %add3A_13], %add3A_952 : memref<256x64xf32, #tpu.memory_space<vmem>>[vector<16xi32>, vector<16xi32>], vector<16xf32>,
      %gather3A_953 = arith.constant 6 : i32
      %gather3A_954 = arith.constant 0 : i32
      %gather3A_955 = arith.constant 0 : i32
      %gather3A_956 = tpu.memref_slice %arg6[%gather3A_953, %gather3A_954, %gather3A_955] : memref<8x64x128xf32, #tpu.memory_space<vmem>> -> memref<1x64x128xf32, #tpu.memory_space<vmem>>
      %gather3A_957 = tpu.memref_squeeze %gather3A_956 : memref<1x64x128xf32, #tpu.memory_space<vmem>> -> memref<64x128xf32, #tpu.memory_space<vmem>>
      %gather3A_958 = tpu.vector_load_idx %gather3A_957[%add3A_17, %broadcast_in_dim3A_906] : memref<64x128xf32, #tpu.memory_space<vmem>>[vector<16xi32>, vector<16xi32>], vector<16xf32>,
      %gather3A_959 = tpu.vector_load_idx %arg7[%add3A_17, %broadcast_in_dim3A_906] : memref<64x64xf32, #tpu.memory_space<vmem>>[vector<16xi32>, vector<16xi32>], vector<16xf32>,
      %sub3A_960 = arith.constant 1.000000e+00 : f32
      %sub3A_961 = vector.broadcast %sub3A_960 : f32 to vector<16xf32>
      %sub3A_962 = arith.subf %sub3A_961, %convert_element_type3A_910 : vector<16xf32>
      %mul3A_963 = arith.mulf %gather3A_958, %sub3A_962 : vector<16xf32>
      %mul3A_964 = arith.mulf %gather3A_959, %convert_element_type3A_910 : vector<16xf32>
      %add3A_965 = arith.addf %mul3A_963, %mul3A_964 : vector<16xf32>
      tpu.vector_store_idx %arg8[%broadcast_in_dim3A_913, %add3A_17], %add3A_965 : memref<256x64xf32, #tpu.memory_space<vmem>>[vector<16xi32>, vector<16xi32>], vector<16xf32>,
      %slice3A_966 = vector.extract_strided_slice %min3A_285 {offsets = [14], sizes = [1], strides = [1]} : vector<16xi32> to vector<1xi32>
      %squeeze3A_967 = vector.extract %slice3A_966[0] : i32 from vector<1xi32>
      %multiple_of3A_968 = tpu.assume_multiple %squeeze3A_967, 128 : i32
      %dma_start3A_969 = arith.constant 6 : i32
      %dma_start3A_970 = arith.constant 0 : i32
      %dma_start3A_971 = arith.constant 0 : i32
      %dma_start3A_972 = tpu.memref_slice %arg6[%dma_start3A_969, %dma_start3A_970, %dma_start3A_971] : memref<8x64x128xf32, #tpu.memory_space<vmem>> -> memref<1x64x128xf32, #tpu.memory_space<vmem>>
      %dma_start3A_973 = tpu.memref_squeeze %dma_start3A_972 : memref<1x64x128xf32, #tpu.memory_space<vmem>> -> memref<64x128xf32, #tpu.memory_space<vmem>>
      %dma_start3A_974 = arith.constant 0 : i32
      %dma_start3A_975 = tpu.memref_slice %arg3[%dma_start3A_974, %multiple_of3A_968] : memref<64x1000000xf32, #tpu.memory_space<hbm>> -> memref<64x128xf32, #tpu.memory_space<hbm>>
      %dma_start3A_976 = arith.constant 0 : i32
      %dma_start3A_977 = arith.constant 0 : i32
      %dma_start3A_978 = tpu.memref_slice %arg6[%dma_start3A_969, %dma_start3A_976, %dma_start3A_977] : memref<8x64x128xf32, #tpu.memory_space<vmem>> -> memref<1x64x128xf32, #tpu.memory_space<vmem>>
      %dma_start3A_979 = tpu.memref_squeeze %dma_start3A_978 : memref<1x64x128xf32, #tpu.memory_space<vmem>> -> memref<64x128xf32, #tpu.memory_space<vmem>>
      %dma_start3A_980 = arith.constant 0 : i32
      %dma_start3A_981 = tpu.memref_slice %arg3[%dma_start3A_980, %multiple_of3A_968] : memref<64x1000000xf32, #tpu.memory_space<hbm>> -> memref<64x128xf32, #tpu.memory_space<hbm>>
      tpu.enqueue_dma source(%dma_start3A_981 : memref<64x128xf32, #tpu.memory_space<hbm>>) target(%dma_start3A_979 : memref<64x128xf32, #tpu.memory_space<vmem>>) target_semaphore(%arg15 : memref<!tpu.dma_semaphore, #tpu.memory_space<semaphore_mem>>)
      %dma_wait3A_982 = arith.constant 7 : i32
      %dma_wait3A_983 = arith.constant 0 : i32
      %dma_wait3A_984 = arith.constant 0 : i32
      %dma_wait3A_985 = tpu.memref_slice %arg6[%dma_wait3A_982, %dma_wait3A_983, %dma_wait3A_984] : memref<8x64x128xf32, #tpu.memory_space<vmem>> -> memref<1x64x128xf32, #tpu.memory_space<vmem>>
      %dma_wait3A_986 = tpu.memref_squeeze %dma_wait3A_985 : memref<1x64x128xf32, #tpu.memory_space<vmem>> -> memref<64x128xf32, #tpu.memory_space<vmem>>
      %dma_wait3A_987 = arith.constant 0 : i32
      %dma_wait3A_988 = arith.constant 0 : i32
      %dma_wait3A_989 = tpu.memref_slice %arg3[%dma_wait3A_987, %dma_wait3A_988] : memref<64x1000000xf32, #tpu.memory_space<hbm>> -> memref<64x128xf32, #tpu.memory_space<hbm>>
      %dma_wait3A_990 = arith.constant 0 : i32
      %dma_wait3A_991 = arith.constant 0 : i32
      %dma_wait3A_992 = tpu.memref_slice %arg6[%dma_wait3A_982, %dma_wait3A_990, %dma_wait3A_991] : memref<8x64x128xf32, #tpu.memory_space<vmem>> -> memref<1x64x128xf32, #tpu.memory_space<vmem>>
      %dma_wait3A_993 = tpu.memref_squeeze %dma_wait3A_992 : memref<1x64x128xf32, #tpu.memory_space<vmem>> -> memref<64x128xf32, #tpu.memory_space<vmem>>
      %dma_wait3A_994 = arith.constant 0 : i32
      %dma_wait3A_995 = arith.constant 0 : i32
      %dma_wait3A_996 = tpu.memref_slice %arg3[%dma_wait3A_994, %dma_wait3A_995] : memref<64x1000000xf32, #tpu.memory_space<hbm>> -> memref<64x128xf32, #tpu.memory_space<hbm>>
      tpu.wait_dma2 semaphore(%arg16 : memref<!tpu.dma_semaphore, #tpu.memory_space<semaphore_mem>>) src(%dma_wait3A_996 : memref<64x128xf32, #tpu.memory_space<hbm>>) dst(%dma_wait3A_993 : memref<64x128xf32, #tpu.memory_space<vmem>>)
      %mul3A_997 = arith.constant 16 : i32
      %mul3A_998 = arith.muli %scan3A_273, %mul3A_997 : i32
      %add3A_999 = arith.constant 7 : i32
      %add3A_1000 = arith.addi %mul3A_998, %add3A_999 : i32
      %slice3A_1001 = vector.extract_strided_slice %and3A_288 {offsets = [7], sizes = [1], strides = [1]} : vector<16xi32> to vector<1xi32>
      %squeeze3A_1002 = vector.extract %slice3A_1001[0] : i32 from vector<1xi32>
      %broadcast_in_dim3A_1003 = vector.broadcast %squeeze3A_1002 : i32 to vector<16xi32>
      %slice3A_1004 = vector.extract_strided_slice %convert_element_type3A_291 {offsets = [7], sizes = [1], strides = [1]} : vector<16xi32> to vector<1xi32>
      %squeeze3A_1005 = vector.extract %slice3A_1004[0] : i32 from vector<1xi32>
      %broadcast_in_dim3A_1006 = vector.broadcast %squeeze3A_1005 : i32 to vector<16xi32>
      %convert_element_type3A_1007 = arith.sitofp %broadcast_in_dim3A_1006 : vector<16xi32> to vector<16xf32>
      %and3A_1008 = arith.constant 255 : i32
      %and3A_1009 = arith.andi %add3A_1000, %and3A_1008 : i32
      %broadcast_in_dim3A_1010 = vector.broadcast %and3A_1009 : i32 to vector<16xi32>
      %gather3A_1011 = arith.constant 7 : i32
      %gather3A_1012 = arith.constant 0 : i32
      %gather3A_1013 = arith.constant 0 : i32
      %gather3A_1014 = tpu.memref_slice %arg6[%gather3A_1011, %gather3A_1012, %gather3A_1013] : memref<8x64x128xf32, #tpu.memory_space<vmem>> -> memref<1x64x128xf32, #tpu.memory_space<vmem>>
      %gather3A_1015 = tpu.memref_squeeze %gather3A_1014 : memref<1x64x128xf32, #tpu.memory_space<vmem>> -> memref<64x128xf32, #tpu.memory_space<vmem>>
      %gather3A_1016 = tpu.vector_load_idx %gather3A_1015[%add3A_5, %broadcast_in_dim3A_1003] : memref<64x128xf32, #tpu.memory_space<vmem>>[vector<16xi32>, vector<16xi32>], vector<16xf32>,
      %gather3A_1017 = tpu.vector_load_idx %arg7[%add3A_5, %broadcast_in_dim3A_1003] : memref<64x64xf32, #tpu.memory_space<vmem>>[vector<16xi32>, vector<16xi32>], vector<16xf32>,
      %sub3A_1018 = arith.constant 1.000000e+00 : f32
      %sub3A_1019 = vector.broadcast %sub3A_1018 : f32 to vector<16xf32>
      %sub3A_1020 = arith.subf %sub3A_1019, %convert_element_type3A_1007 : vector<16xf32>
      %mul3A_1021 = arith.mulf %gather3A_1016, %sub3A_1020 : vector<16xf32>
      %mul3A_1022 = arith.mulf %gather3A_1017, %convert_element_type3A_1007 : vector<16xf32>
      %add3A_1023 = arith.addf %mul3A_1021, %mul3A_1022 : vector<16xf32>
      tpu.vector_store_idx %arg8[%broadcast_in_dim3A_1010, %add3A_5], %add3A_1023 : memref<256x64xf32, #tpu.memory_space<vmem>>[vector<16xi32>, vector<16xi32>], vector<16xf32>,
      %gather3A_1024 = arith.constant 7 : i32
      %gather3A_1025 = arith.constant 0 : i32
      %gather3A_1026 = arith.constant 0 : i32
      %gather3A_1027 = tpu.memref_slice %arg6[%gather3A_1024, %gather3A_1025, %gather3A_1026] : memref<8x64x128xf32, #tpu.memory_space<vmem>> -> memref<1x64x128xf32, #tpu.memory_space<vmem>>
      %gather3A_1028 = tpu.memref_squeeze %gather3A_1027 : memref<1x64x128xf32, #tpu.memory_space<vmem>> -> memref<64x128xf32, #tpu.memory_space<vmem>>
      %gather3A_1029 = tpu.vector_load_idx %gather3A_1028[%add3A_9, %broadcast_in_dim3A_1003] : memref<64x128xf32, #tpu.memory_space<vmem>>[vector<16xi32>, vector<16xi32>], vector<16xf32>,
      %gather3A_1030 = tpu.vector_load_idx %arg7[%add3A_9, %broadcast_in_dim3A_1003] : memref<64x64xf32, #tpu.memory_space<vmem>>[vector<16xi32>, vector<16xi32>], vector<16xf32>,
      %sub3A_1031 = arith.constant 1.000000e+00 : f32
      %sub3A_1032 = vector.broadcast %sub3A_1031 : f32 to vector<16xf32>
      %sub3A_1033 = arith.subf %sub3A_1032, %convert_element_type3A_1007 : vector<16xf32>
      %mul3A_1034 = arith.mulf %gather3A_1029, %sub3A_1033 : vector<16xf32>
      %mul3A_1035 = arith.mulf %gather3A_1030, %convert_element_type3A_1007 : vector<16xf32>
      %add3A_1036 = arith.addf %mul3A_1034, %mul3A_1035 : vector<16xf32>
      tpu.vector_store_idx %arg8[%broadcast_in_dim3A_1010, %add3A_9], %add3A_1036 : memref<256x64xf32, #tpu.memory_space<vmem>>[vector<16xi32>, vector<16xi32>], vector<16xf32>,
      %gather3A_1037 = arith.constant 7 : i32
      %gather3A_1038 = arith.constant 0 : i32
      %gather3A_1039 = arith.constant 0 : i32
      %gather3A_1040 = tpu.memref_slice %arg6[%gather3A_1037, %gather3A_1038, %gather3A_1039] : memref<8x64x128xf32, #tpu.memory_space<vmem>> -> memref<1x64x128xf32, #tpu.memory_space<vmem>>
      %gather3A_1041 = tpu.memref_squeeze %gather3A_1040 : memref<1x64x128xf32, #tpu.memory_space<vmem>> -> memref<64x128xf32, #tpu.memory_space<vmem>>
      %gather3A_1042 = tpu.vector_load_idx %gather3A_1041[%add3A_13, %broadcast_in_dim3A_1003] : memref<64x128xf32, #tpu.memory_space<vmem>>[vector<16xi32>, vector<16xi32>], vector<16xf32>,
      %gather3A_1043 = tpu.vector_load_idx %arg7[%add3A_13, %broadcast_in_dim3A_1003] : memref<64x64xf32, #tpu.memory_space<vmem>>[vector<16xi32>, vector<16xi32>], vector<16xf32>,
      %sub3A_1044 = arith.constant 1.000000e+00 : f32
      %sub3A_1045 = vector.broadcast %sub3A_1044 : f32 to vector<16xf32>
      %sub3A_1046 = arith.subf %sub3A_1045, %convert_element_type3A_1007 : vector<16xf32>
      %mul3A_1047 = arith.mulf %gather3A_1042, %sub3A_1046 : vector<16xf32>
      %mul3A_1048 = arith.mulf %gather3A_1043, %convert_element_type3A_1007 : vector<16xf32>
      %add3A_1049 = arith.addf %mul3A_1047, %mul3A_1048 : vector<16xf32>
      tpu.vector_store_idx %arg8[%broadcast_in_dim3A_1010, %add3A_13], %add3A_1049 : memref<256x64xf32, #tpu.memory_space<vmem>>[vector<16xi32>, vector<16xi32>], vector<16xf32>,
      %gather3A_1050 = arith.constant 7 : i32
      %gather3A_1051 = arith.constant 0 : i32
      %gather3A_1052 = arith.constant 0 : i32
      %gather3A_1053 = tpu.memref_slice %arg6[%gather3A_1050, %gather3A_1051, %gather3A_1052] : memref<8x64x128xf32, #tpu.memory_space<vmem>> -> memref<1x64x128xf32, #tpu.memory_space<vmem>>
      %gather3A_1054 = tpu.memref_squeeze %gather3A_1053 : memref<1x64x128xf32, #tpu.memory_space<vmem>> -> memref<64x128xf32, #tpu.memory_space<vmem>>
      %gather3A_1055 = tpu.vector_load_idx %gather3A_1054[%add3A_17, %broadcast_in_dim3A_1003] : memref<64x128xf32, #tpu.memory_space<vmem>>[vector<16xi32>, vector<16xi32>], vector<16xf32>,
      %gather3A_1056 = tpu.vector_load_idx %arg7[%add3A_17, %broadcast_in_dim3A_1003] : memref<64x64xf32, #tpu.memory_space<vmem>>[vector<16xi32>, vector<16xi32>], vector<16xf32>,
      %sub3A_1057 = arith.constant 1.000000e+00 : f32
      %sub3A_1058 = vector.broadcast %sub3A_1057 : f32 to vector<16xf32>
      %sub3A_1059 = arith.subf %sub3A_1058, %convert_element_type3A_1007 : vector<16xf32>
      %mul3A_1060 = arith.mulf %gather3A_1055, %sub3A_1059 : vector<16xf32>
      %mul3A_1061 = arith.mulf %gather3A_1056, %convert_element_type3A_1007 : vector<16xf32>
      %add3A_1062 = arith.addf %mul3A_1060, %mul3A_1061 : vector<16xf32>
      tpu.vector_store_idx %arg8[%broadcast_in_dim3A_1010, %add3A_17], %add3A_1062 : memref<256x64xf32, #tpu.memory_space<vmem>>[vector<16xi32>, vector<16xi32>], vector<16xf32>,
      %slice3A_1063 = vector.extract_strided_slice %min3A_285 {offsets = [15], sizes = [1], strides = [1]} : vector<16xi32> to vector<1xi32>
      %squeeze3A_1064 = vector.extract %slice3A_1063[0] : i32 from vector<1xi32>
      %multiple_of3A_1065 = tpu.assume_multiple %squeeze3A_1064, 128 : i32
      %dma_start3A_1066 = arith.constant 7 : i32
      %dma_start3A_1067 = arith.constant 0 : i32
      %dma_start3A_1068 = arith.constant 0 : i32
      %dma_start3A_1069 = tpu.memref_slice %arg6[%dma_start3A_1066, %dma_start3A_1067, %dma_start3A_1068] : memref<8x64x128xf32, #tpu.memory_space<vmem>> -> memref<1x64x128xf32, #tpu.memory_space<vmem>>
      %dma_start3A_1070 = tpu.memref_squeeze %dma_start3A_1069 : memref<1x64x128xf32, #tpu.memory_space<vmem>> -> memref<64x128xf32, #tpu.memory_space<vmem>>
      %dma_start3A_1071 = arith.constant 0 : i32
      %dma_start3A_1072 = tpu.memref_slice %arg3[%dma_start3A_1071, %multiple_of3A_1065] : memref<64x1000000xf32, #tpu.memory_space<hbm>> -> memref<64x128xf32, #tpu.memory_space<hbm>>
      %dma_start3A_1073 = arith.constant 0 : i32
      %dma_start3A_1074 = arith.constant 0 : i32
      %dma_start3A_1075 = tpu.memref_slice %arg6[%dma_start3A_1066, %dma_start3A_1073, %dma_start3A_1074] : memref<8x64x128xf32, #tpu.memory_space<vmem>> -> memref<1x64x128xf32, #tpu.memory_space<vmem>>
      %dma_start3A_1076 = tpu.memref_squeeze %dma_start3A_1075 : memref<1x64x128xf32, #tpu.memory_space<vmem>> -> memref<64x128xf32, #tpu.memory_space<vmem>>
      %dma_start3A_1077 = arith.constant 0 : i32
      %dma_start3A_1078 = tpu.memref_slice %arg3[%dma_start3A_1077, %multiple_of3A_1065] : memref<64x1000000xf32, #tpu.memory_space<hbm>> -> memref<64x128xf32, #tpu.memory_space<hbm>>
      tpu.enqueue_dma source(%dma_start3A_1078 : memref<64x128xf32, #tpu.memory_space<hbm>>) target(%dma_start3A_1076 : memref<64x128xf32, #tpu.memory_space<vmem>>) target_semaphore(%arg16 : memref<!tpu.dma_semaphore, #tpu.memory_space<semaphore_mem>>)
      %dma_wait3A_1079 = arith.constant 0 : i32
      %dma_wait3A_1080 = arith.constant 0 : i32
      %dma_wait3A_1081 = arith.constant 0 : i32
      %dma_wait3A_1082 = tpu.memref_slice %arg6[%dma_wait3A_1079, %dma_wait3A_1080, %dma_wait3A_1081] : memref<8x64x128xf32, #tpu.memory_space<vmem>> -> memref<1x64x128xf32, #tpu.memory_space<vmem>>
      %dma_wait3A_1083 = tpu.memref_squeeze %dma_wait3A_1082 : memref<1x64x128xf32, #tpu.memory_space<vmem>> -> memref<64x128xf32, #tpu.memory_space<vmem>>
      %dma_wait3A_1084 = arith.constant 0 : i32
      %dma_wait3A_1085 = arith.constant 0 : i32
      %dma_wait3A_1086 = tpu.memref_slice %arg3[%dma_wait3A_1084, %dma_wait3A_1085] : memref<64x1000000xf32, #tpu.memory_space<hbm>> -> memref<64x128xf32, #tpu.memory_space<hbm>>
      %dma_wait3A_1087 = arith.constant 0 : i32
      %dma_wait3A_1088 = arith.constant 0 : i32
      %dma_wait3A_1089 = tpu.memref_slice %arg6[%dma_wait3A_1079, %dma_wait3A_1087, %dma_wait3A_1088] : memref<8x64x128xf32, #tpu.memory_space<vmem>> -> memref<1x64x128xf32, #tpu.memory_space<vmem>>
      %dma_wait3A_1090 = tpu.memref_squeeze %dma_wait3A_1089 : memref<1x64x128xf32, #tpu.memory_space<vmem>> -> memref<64x128xf32, #tpu.memory_space<vmem>>
      %dma_wait3A_1091 = arith.constant 0 : i32
      %dma_wait3A_1092 = arith.constant 0 : i32
      %dma_wait3A_1093 = tpu.memref_slice %arg3[%dma_wait3A_1091, %dma_wait3A_1092] : memref<64x1000000xf32, #tpu.memory_space<hbm>> -> memref<64x128xf32, #tpu.memory_space<hbm>>
      tpu.wait_dma2 semaphore(%arg9 : memref<!tpu.dma_semaphore, #tpu.memory_space<semaphore_mem>>) src(%dma_wait3A_1093 : memref<64x128xf32, #tpu.memory_space<hbm>>) dst(%dma_wait3A_1090 : memref<64x128xf32, #tpu.memory_space<vmem>>)
      %mul3A_1094 = arith.constant 16 : i32
      %mul3A_1095 = arith.muli %scan3A_273, %mul3A_1094 : i32
      %add3A_1096 = arith.constant 8 : i32
      %add3A_1097 = arith.addi %mul3A_1095, %add3A_1096 : i32
      %slice3A_1098 = vector.extract_strided_slice %and3A_288 {offsets = [8], sizes = [1], strides = [1]} : vector<16xi32> to vector<1xi32>
      %squeeze3A_1099 = vector.extract %slice3A_1098[0] : i32 from vector<1xi32>
      %broadcast_in_dim3A_1100 = vector.broadcast %squeeze3A_1099 : i32 to vector<16xi32>
      %slice3A_1101 = vector.extract_strided_slice %convert_element_type3A_291 {offsets = [8], sizes = [1], strides = [1]} : vector<16xi32> to vector<1xi32>
      %squeeze3A_1102 = vector.extract %slice3A_1101[0] : i32 from vector<1xi32>
      %broadcast_in_dim3A_1103 = vector.broadcast %squeeze3A_1102 : i32 to vector<16xi32>
      %convert_element_type3A_1104 = arith.sitofp %broadcast_in_dim3A_1103 : vector<16xi32> to vector<16xf32>
      %and3A_1105 = arith.constant 255 : i32
      %and3A_1106 = arith.andi %add3A_1097, %and3A_1105 : i32
      %broadcast_in_dim3A_1107 = vector.broadcast %and3A_1106 : i32 to vector<16xi32>
      %gather3A_1108 = arith.constant 0 : i32
      %gather3A_1109 = arith.constant 0 : i32
      %gather3A_1110 = arith.constant 0 : i32
      %gather3A_1111 = tpu.memref_slice %arg6[%gather3A_1108, %gather3A_1109, %gather3A_1110] : memref<8x64x128xf32, #tpu.memory_space<vmem>> -> memref<1x64x128xf32, #tpu.memory_space<vmem>>
      %gather3A_1112 = tpu.memref_squeeze %gather3A_1111 : memref<1x64x128xf32, #tpu.memory_space<vmem>> -> memref<64x128xf32, #tpu.memory_space<vmem>>
      %gather3A_1113 = tpu.vector_load_idx %gather3A_1112[%add3A_5, %broadcast_in_dim3A_1100] : memref<64x128xf32, #tpu.memory_space<vmem>>[vector<16xi32>, vector<16xi32>], vector<16xf32>,
      %gather3A_1114 = tpu.vector_load_idx %arg7[%add3A_5, %broadcast_in_dim3A_1100] : memref<64x64xf32, #tpu.memory_space<vmem>>[vector<16xi32>, vector<16xi32>], vector<16xf32>,
      %sub3A_1115 = arith.constant 1.000000e+00 : f32
      %sub3A_1116 = vector.broadcast %sub3A_1115 : f32 to vector<16xf32>
      %sub3A_1117 = arith.subf %sub3A_1116, %convert_element_type3A_1104 : vector<16xf32>
      %mul3A_1118 = arith.mulf %gather3A_1113, %sub3A_1117 : vector<16xf32>
      %mul3A_1119 = arith.mulf %gather3A_1114, %convert_element_type3A_1104 : vector<16xf32>
      %add3A_1120 = arith.addf %mul3A_1118, %mul3A_1119 : vector<16xf32>
      tpu.vector_store_idx %arg8[%broadcast_in_dim3A_1107, %add3A_5], %add3A_1120 : memref<256x64xf32, #tpu.memory_space<vmem>>[vector<16xi32>, vector<16xi32>], vector<16xf32>,
      %gather3A_1121 = arith.constant 0 : i32
      %gather3A_1122 = arith.constant 0 : i32
      %gather3A_1123 = arith.constant 0 : i32
      %gather3A_1124 = tpu.memref_slice %arg6[%gather3A_1121, %gather3A_1122, %gather3A_1123] : memref<8x64x128xf32, #tpu.memory_space<vmem>> -> memref<1x64x128xf32, #tpu.memory_space<vmem>>
      %gather3A_1125 = tpu.memref_squeeze %gather3A_1124 : memref<1x64x128xf32, #tpu.memory_space<vmem>> -> memref<64x128xf32, #tpu.memory_space<vmem>>
      %gather3A_1126 = tpu.vector_load_idx %gather3A_1125[%add3A_9, %broadcast_in_dim3A_1100] : memref<64x128xf32, #tpu.memory_space<vmem>>[vector<16xi32>, vector<16xi32>], vector<16xf32>,
      %gather3A_1127 = tpu.vector_load_idx %arg7[%add3A_9, %broadcast_in_dim3A_1100] : memref<64x64xf32, #tpu.memory_space<vmem>>[vector<16xi32>, vector<16xi32>], vector<16xf32>,
      %sub3A_1128 = arith.constant 1.000000e+00 : f32
      %sub3A_1129 = vector.broadcast %sub3A_1128 : f32 to vector<16xf32>
      %sub3A_1130 = arith.subf %sub3A_1129, %convert_element_type3A_1104 : vector<16xf32>
      %mul3A_1131 = arith.mulf %gather3A_1126, %sub3A_1130 : vector<16xf32>
      %mul3A_1132 = arith.mulf %gather3A_1127, %convert_element_type3A_1104 : vector<16xf32>
      %add3A_1133 = arith.addf %mul3A_1131, %mul3A_1132 : vector<16xf32>
      tpu.vector_store_idx %arg8[%broadcast_in_dim3A_1107, %add3A_9], %add3A_1133 : memref<256x64xf32, #tpu.memory_space<vmem>>[vector<16xi32>, vector<16xi32>], vector<16xf32>,
      %gather3A_1134 = arith.constant 0 : i32
      %gather3A_1135 = arith.constant 0 : i32
      %gather3A_1136 = arith.constant 0 : i32
      %gather3A_1137 = tpu.memref_slice %arg6[%gather3A_1134, %gather3A_1135, %gather3A_1136] : memref<8x64x128xf32, #tpu.memory_space<vmem>> -> memref<1x64x128xf32, #tpu.memory_space<vmem>>
      %gather3A_1138 = tpu.memref_squeeze %gather3A_1137 : memref<1x64x128xf32, #tpu.memory_space<vmem>> -> memref<64x128xf32, #tpu.memory_space<vmem>>
      %gather3A_1139 = tpu.vector_load_idx %gather3A_1138[%add3A_13, %broadcast_in_dim3A_1100] : memref<64x128xf32, #tpu.memory_space<vmem>>[vector<16xi32>, vector<16xi32>], vector<16xf32>,
      %gather3A_1140 = tpu.vector_load_idx %arg7[%add3A_13, %broadcast_in_dim3A_1100] : memref<64x64xf32, #tpu.memory_space<vmem>>[vector<16xi32>, vector<16xi32>], vector<16xf32>,
      %sub3A_1141 = arith.constant 1.000000e+00 : f32
      %sub3A_1142 = vector.broadcast %sub3A_1141 : f32 to vector<16xf32>
      %sub3A_1143 = arith.subf %sub3A_1142, %convert_element_type3A_1104 : vector<16xf32>
      %mul3A_1144 = arith.mulf %gather3A_1139, %sub3A_1143 : vector<16xf32>
      %mul3A_1145 = arith.mulf %gather3A_1140, %convert_element_type3A_1104 : vector<16xf32>
      %add3A_1146 = arith.addf %mul3A_1144, %mul3A_1145 : vector<16xf32>
      tpu.vector_store_idx %arg8[%broadcast_in_dim3A_1107, %add3A_13], %add3A_1146 : memref<256x64xf32, #tpu.memory_space<vmem>>[vector<16xi32>, vector<16xi32>], vector<16xf32>,
      %gather3A_1147 = arith.constant 0 : i32
      %gather3A_1148 = arith.constant 0 : i32
      %gather3A_1149 = arith.constant 0 : i32
      %gather3A_1150 = tpu.memref_slice %arg6[%gather3A_1147, %gather3A_1148, %gather3A_1149] : memref<8x64x128xf32, #tpu.memory_space<vmem>> -> memref<1x64x128xf32, #tpu.memory_space<vmem>>
      %gather3A_1151 = tpu.memref_squeeze %gather3A_1150 : memref<1x64x128xf32, #tpu.memory_space<vmem>> -> memref<64x128xf32, #tpu.memory_space<vmem>>
      %gather3A_1152 = tpu.vector_load_idx %gather3A_1151[%add3A_17, %broadcast_in_dim3A_1100] : memref<64x128xf32, #tpu.memory_space<vmem>>[vector<16xi32>, vector<16xi32>], vector<16xf32>,
      %gather3A_1153 = tpu.vector_load_idx %arg7[%add3A_17, %broadcast_in_dim3A_1100] : memref<64x64xf32, #tpu.memory_space<vmem>>[vector<16xi32>, vector<16xi32>], vector<16xf32>,
      %sub3A_1154 = arith.constant 1.000000e+00 : f32
      %sub3A_1155 = vector.broadcast %sub3A_1154 : f32 to vector<16xf32>
      %sub3A_1156 = arith.subf %sub3A_1155, %convert_element_type3A_1104 : vector<16xf32>
      %mul3A_1157 = arith.mulf %gather3A_1152, %sub3A_1156 : vector<16xf32>
      %mul3A_1158 = arith.mulf %gather3A_1153, %convert_element_type3A_1104 : vector<16xf32>
      %add3A_1159 = arith.addf %mul3A_1157, %mul3A_1158 : vector<16xf32>
      tpu.vector_store_idx %arg8[%broadcast_in_dim3A_1107, %add3A_17], %add3A_1159 : memref<256x64xf32, #tpu.memory_space<vmem>>[vector<16xi32>, vector<16xi32>], vector<16xf32>,
      %slice3A_1160 = vector.extract_strided_slice %min3A_305 {offsets = [0], sizes = [1], strides = [1]} : vector<16xi32> to vector<1xi32>
      %squeeze3A_1161 = vector.extract %slice3A_1160[0] : i32 from vector<1xi32>
      %multiple_of3A_1162 = tpu.assume_multiple %squeeze3A_1161, 128 : i32
      %dma_start3A_1163 = arith.constant 0 : i32
      %dma_start3A_1164 = arith.constant 0 : i32
      %dma_start3A_1165 = arith.constant 0 : i32
      %dma_start3A_1166 = tpu.memref_slice %arg6[%dma_start3A_1163, %dma_start3A_1164, %dma_start3A_1165] : memref<8x64x128xf32, #tpu.memory_space<vmem>> -> memref<1x64x128xf32, #tpu.memory_space<vmem>>
      %dma_start3A_1167 = tpu.memref_squeeze %dma_start3A_1166 : memref<1x64x128xf32, #tpu.memory_space<vmem>> -> memref<64x128xf32, #tpu.memory_space<vmem>>
      %dma_start3A_1168 = arith.constant 0 : i32
      %dma_start3A_1169 = tpu.memref_slice %arg3[%dma_start3A_1168, %multiple_of3A_1162] : memref<64x1000000xf32, #tpu.memory_space<hbm>> -> memref<64x128xf32, #tpu.memory_space<hbm>>
      %dma_start3A_1170 = arith.constant 0 : i32
      %dma_start3A_1171 = arith.constant 0 : i32
      %dma_start3A_1172 = tpu.memref_slice %arg6[%dma_start3A_1163, %dma_start3A_1170, %dma_start3A_1171] : memref<8x64x128xf32, #tpu.memory_space<vmem>> -> memref<1x64x128xf32, #tpu.memory_space<vmem>>
      %dma_start3A_1173 = tpu.memref_squeeze %dma_start3A_1172 : memref<1x64x128xf32, #tpu.memory_space<vmem>> -> memref<64x128xf32, #tpu.memory_space<vmem>>
      %dma_start3A_1174 = arith.constant 0 : i32
      %dma_start3A_1175 = tpu.memref_slice %arg3[%dma_start3A_1174, %multiple_of3A_1162] : memref<64x1000000xf32, #tpu.memory_space<hbm>> -> memref<64x128xf32, #tpu.memory_space<hbm>>
      tpu.enqueue_dma source(%dma_start3A_1175 : memref<64x128xf32, #tpu.memory_space<hbm>>) target(%dma_start3A_1173 : memref<64x128xf32, #tpu.memory_space<vmem>>) target_semaphore(%arg9 : memref<!tpu.dma_semaphore, #tpu.memory_space<semaphore_mem>>)
      %dma_wait3A_1176 = arith.constant 1 : i32
      %dma_wait3A_1177 = arith.constant 0 : i32
      %dma_wait3A_1178 = arith.constant 0 : i32
      %dma_wait3A_1179 = tpu.memref_slice %arg6[%dma_wait3A_1176, %dma_wait3A_1177, %dma_wait3A_1178] : memref<8x64x128xf32, #tpu.memory_space<vmem>> -> memref<1x64x128xf32, #tpu.memory_space<vmem>>
      %dma_wait3A_1180 = tpu.memref_squeeze %dma_wait3A_1179 : memref<1x64x128xf32, #tpu.memory_space<vmem>> -> memref<64x128xf32, #tpu.memory_space<vmem>>
      %dma_wait3A_1181 = arith.constant 0 : i32
      %dma_wait3A_1182 = arith.constant 0 : i32
      %dma_wait3A_1183 = tpu.memref_slice %arg3[%dma_wait3A_1181, %dma_wait3A_1182] : memref<64x1000000xf32, #tpu.memory_space<hbm>> -> memref<64x128xf32, #tpu.memory_space<hbm>>
      %dma_wait3A_1184 = arith.constant 0 : i32
      %dma_wait3A_1185 = arith.constant 0 : i32
      %dma_wait3A_1186 = tpu.memref_slice %arg6[%dma_wait3A_1176, %dma_wait3A_1184, %dma_wait3A_1185] : memref<8x64x128xf32, #tpu.memory_space<vmem>> -> memref<1x64x128xf32, #tpu.memory_space<vmem>>
      %dma_wait3A_1187 = tpu.memref_squeeze %dma_wait3A_1186 : memref<1x64x128xf32, #tpu.memory_space<vmem>> -> memref<64x128xf32, #tpu.memory_space<vmem>>
      %dma_wait3A_1188 = arith.constant 0 : i32
      %dma_wait3A_1189 = arith.constant 0 : i32
      %dma_wait3A_1190 = tpu.memref_slice %arg3[%dma_wait3A_1188, %dma_wait3A_1189] : memref<64x1000000xf32, #tpu.memory_space<hbm>> -> memref<64x128xf32, #tpu.memory_space<hbm>>
      tpu.wait_dma2 semaphore(%arg10 : memref<!tpu.dma_semaphore, #tpu.memory_space<semaphore_mem>>) src(%dma_wait3A_1190 : memref<64x128xf32, #tpu.memory_space<hbm>>) dst(%dma_wait3A_1187 : memref<64x128xf32, #tpu.memory_space<vmem>>)
      %mul3A_1191 = arith.constant 16 : i32
      %mul3A_1192 = arith.muli %scan3A_273, %mul3A_1191 : i32
      %add3A_1193 = arith.constant 9 : i32
      %add3A_1194 = arith.addi %mul3A_1192, %add3A_1193 : i32
      %slice3A_1195 = vector.extract_strided_slice %and3A_288 {offsets = [9], sizes = [1], strides = [1]} : vector<16xi32> to vector<1xi32>
      %squeeze3A_1196 = vector.extract %slice3A_1195[0] : i32 from vector<1xi32>
      %broadcast_in_dim3A_1197 = vector.broadcast %squeeze3A_1196 : i32 to vector<16xi32>
      %slice3A_1198 = vector.extract_strided_slice %convert_element_type3A_291 {offsets = [9], sizes = [1], strides = [1]} : vector<16xi32> to vector<1xi32>
      %squeeze3A_1199 = vector.extract %slice3A_1198[0] : i32 from vector<1xi32>
      %broadcast_in_dim3A_1200 = vector.broadcast %squeeze3A_1199 : i32 to vector<16xi32>
      %convert_element_type3A_1201 = arith.sitofp %broadcast_in_dim3A_1200 : vector<16xi32> to vector<16xf32>
      %and3A_1202 = arith.constant 255 : i32
      %and3A_1203 = arith.andi %add3A_1194, %and3A_1202 : i32
      %broadcast_in_dim3A_1204 = vector.broadcast %and3A_1203 : i32 to vector<16xi32>
      %gather3A_1205 = arith.constant 1 : i32
      %gather3A_1206 = arith.constant 0 : i32
      %gather3A_1207 = arith.constant 0 : i32
      %gather3A_1208 = tpu.memref_slice %arg6[%gather3A_1205, %gather3A_1206, %gather3A_1207] : memref<8x64x128xf32, #tpu.memory_space<vmem>> -> memref<1x64x128xf32, #tpu.memory_space<vmem>>
      %gather3A_1209 = tpu.memref_squeeze %gather3A_1208 : memref<1x64x128xf32, #tpu.memory_space<vmem>> -> memref<64x128xf32, #tpu.memory_space<vmem>>
      %gather3A_1210 = tpu.vector_load_idx %gather3A_1209[%add3A_5, %broadcast_in_dim3A_1197] : memref<64x128xf32, #tpu.memory_space<vmem>>[vector<16xi32>, vector<16xi32>], vector<16xf32>,
      %gather3A_1211 = tpu.vector_load_idx %arg7[%add3A_5, %broadcast_in_dim3A_1197] : memref<64x64xf32, #tpu.memory_space<vmem>>[vector<16xi32>, vector<16xi32>], vector<16xf32>,
      %sub3A_1212 = arith.constant 1.000000e+00 : f32
      %sub3A_1213 = vector.broadcast %sub3A_1212 : f32 to vector<16xf32>
      %sub3A_1214 = arith.subf %sub3A_1213, %convert_element_type3A_1201 : vector<16xf32>
      %mul3A_1215 = arith.mulf %gather3A_1210, %sub3A_1214 : vector<16xf32>
      %mul3A_1216 = arith.mulf %gather3A_1211, %convert_element_type3A_1201 : vector<16xf32>
      %add3A_1217 = arith.addf %mul3A_1215, %mul3A_1216 : vector<16xf32>
      tpu.vector_store_idx %arg8[%broadcast_in_dim3A_1204, %add3A_5], %add3A_1217 : memref<256x64xf32, #tpu.memory_space<vmem>>[vector<16xi32>, vector<16xi32>], vector<16xf32>,
      %gather3A_1218 = arith.constant 1 : i32
      %gather3A_1219 = arith.constant 0 : i32
      %gather3A_1220 = arith.constant 0 : i32
      %gather3A_1221 = tpu.memref_slice %arg6[%gather3A_1218, %gather3A_1219, %gather3A_1220] : memref<8x64x128xf32, #tpu.memory_space<vmem>> -> memref<1x64x128xf32, #tpu.memory_space<vmem>>
      %gather3A_1222 = tpu.memref_squeeze %gather3A_1221 : memref<1x64x128xf32, #tpu.memory_space<vmem>> -> memref<64x128xf32, #tpu.memory_space<vmem>>
      %gather3A_1223 = tpu.vector_load_idx %gather3A_1222[%add3A_9, %broadcast_in_dim3A_1197] : memref<64x128xf32, #tpu.memory_space<vmem>>[vector<16xi32>, vector<16xi32>], vector<16xf32>,
      %gather3A_1224 = tpu.vector_load_idx %arg7[%add3A_9, %broadcast_in_dim3A_1197] : memref<64x64xf32, #tpu.memory_space<vmem>>[vector<16xi32>, vector<16xi32>], vector<16xf32>,
      %sub3A_1225 = arith.constant 1.000000e+00 : f32
      %sub3A_1226 = vector.broadcast %sub3A_1225 : f32 to vector<16xf32>
      %sub3A_1227 = arith.subf %sub3A_1226, %convert_element_type3A_1201 : vector<16xf32>
      %mul3A_1228 = arith.mulf %gather3A_1223, %sub3A_1227 : vector<16xf32>
      %mul3A_1229 = arith.mulf %gather3A_1224, %convert_element_type3A_1201 : vector<16xf32>
      %add3A_1230 = arith.addf %mul3A_1228, %mul3A_1229 : vector<16xf32>
      tpu.vector_store_idx %arg8[%broadcast_in_dim3A_1204, %add3A_9], %add3A_1230 : memref<256x64xf32, #tpu.memory_space<vmem>>[vector<16xi32>, vector<16xi32>], vector<16xf32>,
      %gather3A_1231 = arith.constant 1 : i32
      %gather3A_1232 = arith.constant 0 : i32
      %gather3A_1233 = arith.constant 0 : i32
      %gather3A_1234 = tpu.memref_slice %arg6[%gather3A_1231, %gather3A_1232, %gather3A_1233] : memref<8x64x128xf32, #tpu.memory_space<vmem>> -> memref<1x64x128xf32, #tpu.memory_space<vmem>>
      %gather3A_1235 = tpu.memref_squeeze %gather3A_1234 : memref<1x64x128xf32, #tpu.memory_space<vmem>> -> memref<64x128xf32, #tpu.memory_space<vmem>>
      %gather3A_1236 = tpu.vector_load_idx %gather3A_1235[%add3A_13, %broadcast_in_dim3A_1197] : memref<64x128xf32, #tpu.memory_space<vmem>>[vector<16xi32>, vector<16xi32>], vector<16xf32>,
      %gather3A_1237 = tpu.vector_load_idx %arg7[%add3A_13, %broadcast_in_dim3A_1197] : memref<64x64xf32, #tpu.memory_space<vmem>>[vector<16xi32>, vector<16xi32>], vector<16xf32>,
      %sub3A_1238 = arith.constant 1.000000e+00 : f32
      %sub3A_1239 = vector.broadcast %sub3A_1238 : f32 to vector<16xf32>
      %sub3A_1240 = arith.subf %sub3A_1239, %convert_element_type3A_1201 : vector<16xf32>
      %mul3A_1241 = arith.mulf %gather3A_1236, %sub3A_1240 : vector<16xf32>
      %mul3A_1242 = arith.mulf %gather3A_1237, %convert_element_type3A_1201 : vector<16xf32>
      %add3A_1243 = arith.addf %mul3A_1241, %mul3A_1242 : vector<16xf32>
      tpu.vector_store_idx %arg8[%broadcast_in_dim3A_1204, %add3A_13], %add3A_1243 : memref<256x64xf32, #tpu.memory_space<vmem>>[vector<16xi32>, vector<16xi32>], vector<16xf32>,
      %gather3A_1244 = arith.constant 1 : i32
      %gather3A_1245 = arith.constant 0 : i32
      %gather3A_1246 = arith.constant 0 : i32
      %gather3A_1247 = tpu.memref_slice %arg6[%gather3A_1244, %gather3A_1245, %gather3A_1246] : memref<8x64x128xf32, #tpu.memory_space<vmem>> -> memref<1x64x128xf32, #tpu.memory_space<vmem>>
      %gather3A_1248 = tpu.memref_squeeze %gather3A_1247 : memref<1x64x128xf32, #tpu.memory_space<vmem>> -> memref<64x128xf32, #tpu.memory_space<vmem>>
      %gather3A_1249 = tpu.vector_load_idx %gather3A_1248[%add3A_17, %broadcast_in_dim3A_1197] : memref<64x128xf32, #tpu.memory_space<vmem>>[vector<16xi32>, vector<16xi32>], vector<16xf32>,
      %gather3A_1250 = tpu.vector_load_idx %arg7[%add3A_17, %broadcast_in_dim3A_1197] : memref<64x64xf32, #tpu.memory_space<vmem>>[vector<16xi32>, vector<16xi32>], vector<16xf32>,
      %sub3A_1251 = arith.constant 1.000000e+00 : f32
      %sub3A_1252 = vector.broadcast %sub3A_1251 : f32 to vector<16xf32>
      %sub3A_1253 = arith.subf %sub3A_1252, %convert_element_type3A_1201 : vector<16xf32>
      %mul3A_1254 = arith.mulf %gather3A_1249, %sub3A_1253 : vector<16xf32>
      %mul3A_1255 = arith.mulf %gather3A_1250, %convert_element_type3A_1201 : vector<16xf32>
      %add3A_1256 = arith.addf %mul3A_1254, %mul3A_1255 : vector<16xf32>
      tpu.vector_store_idx %arg8[%broadcast_in_dim3A_1204, %add3A_17], %add3A_1256 : memref<256x64xf32, #tpu.memory_space<vmem>>[vector<16xi32>, vector<16xi32>], vector<16xf32>,
      %slice3A_1257 = vector.extract_strided_slice %min3A_305 {offsets = [1], sizes = [1], strides = [1]} : vector<16xi32> to vector<1xi32>
      %squeeze3A_1258 = vector.extract %slice3A_1257[0] : i32 from vector<1xi32>
      %multiple_of3A_1259 = tpu.assume_multiple %squeeze3A_1258, 128 : i32
      %dma_start3A_1260 = arith.constant 1 : i32
      %dma_start3A_1261 = arith.constant 0 : i32
      %dma_start3A_1262 = arith.constant 0 : i32
      %dma_start3A_1263 = tpu.memref_slice %arg6[%dma_start3A_1260, %dma_start3A_1261, %dma_start3A_1262] : memref<8x64x128xf32, #tpu.memory_space<vmem>> -> memref<1x64x128xf32, #tpu.memory_space<vmem>>
      %dma_start3A_1264 = tpu.memref_squeeze %dma_start3A_1263 : memref<1x64x128xf32, #tpu.memory_space<vmem>> -> memref<64x128xf32, #tpu.memory_space<vmem>>
      %dma_start3A_1265 = arith.constant 0 : i32
      %dma_start3A_1266 = tpu.memref_slice %arg3[%dma_start3A_1265, %multiple_of3A_1259] : memref<64x1000000xf32, #tpu.memory_space<hbm>> -> memref<64x128xf32, #tpu.memory_space<hbm>>
      %dma_start3A_1267 = arith.constant 0 : i32
      %dma_start3A_1268 = arith.constant 0 : i32
      %dma_start3A_1269 = tpu.memref_slice %arg6[%dma_start3A_1260, %dma_start3A_1267, %dma_start3A_1268] : memref<8x64x128xf32, #tpu.memory_space<vmem>> -> memref<1x64x128xf32, #tpu.memory_space<vmem>>
      %dma_start3A_1270 = tpu.memref_squeeze %dma_start3A_1269 : memref<1x64x128xf32, #tpu.memory_space<vmem>> -> memref<64x128xf32, #tpu.memory_space<vmem>>
      %dma_start3A_1271 = arith.constant 0 : i32
      %dma_start3A_1272 = tpu.memref_slice %arg3[%dma_start3A_1271, %multiple_of3A_1259] : memref<64x1000000xf32, #tpu.memory_space<hbm>> -> memref<64x128xf32, #tpu.memory_space<hbm>>
      tpu.enqueue_dma source(%dma_start3A_1272 : memref<64x128xf32, #tpu.memory_space<hbm>>) target(%dma_start3A_1270 : memref<64x128xf32, #tpu.memory_space<vmem>>) target_semaphore(%arg10 : memref<!tpu.dma_semaphore, #tpu.memory_space<semaphore_mem>>)
      %dma_wait3A_1273 = arith.constant 2 : i32
      %dma_wait3A_1274 = arith.constant 0 : i32
      %dma_wait3A_1275 = arith.constant 0 : i32
      %dma_wait3A_1276 = tpu.memref_slice %arg6[%dma_wait3A_1273, %dma_wait3A_1274, %dma_wait3A_1275] : memref<8x64x128xf32, #tpu.memory_space<vmem>> -> memref<1x64x128xf32, #tpu.memory_space<vmem>>
      %dma_wait3A_1277 = tpu.memref_squeeze %dma_wait3A_1276 : memref<1x64x128xf32, #tpu.memory_space<vmem>> -> memref<64x128xf32, #tpu.memory_space<vmem>>
      %dma_wait3A_1278 = arith.constant 0 : i32
      %dma_wait3A_1279 = arith.constant 0 : i32
      %dma_wait3A_1280 = tpu.memref_slice %arg3[%dma_wait3A_1278, %dma_wait3A_1279] : memref<64x1000000xf32, #tpu.memory_space<hbm>> -> memref<64x128xf32, #tpu.memory_space<hbm>>
      %dma_wait3A_1281 = arith.constant 0 : i32
      %dma_wait3A_1282 = arith.constant 0 : i32
      %dma_wait3A_1283 = tpu.memref_slice %arg6[%dma_wait3A_1273, %dma_wait3A_1281, %dma_wait3A_1282] : memref<8x64x128xf32, #tpu.memory_space<vmem>> -> memref<1x64x128xf32, #tpu.memory_space<vmem>>
      %dma_wait3A_1284 = tpu.memref_squeeze %dma_wait3A_1283 : memref<1x64x128xf32, #tpu.memory_space<vmem>> -> memref<64x128xf32, #tpu.memory_space<vmem>>
      %dma_wait3A_1285 = arith.constant 0 : i32
      %dma_wait3A_1286 = arith.constant 0 : i32
      %dma_wait3A_1287 = tpu.memref_slice %arg3[%dma_wait3A_1285, %dma_wait3A_1286] : memref<64x1000000xf32, #tpu.memory_space<hbm>> -> memref<64x128xf32, #tpu.memory_space<hbm>>
      tpu.wait_dma2 semaphore(%arg11 : memref<!tpu.dma_semaphore, #tpu.memory_space<semaphore_mem>>) src(%dma_wait3A_1287 : memref<64x128xf32, #tpu.memory_space<hbm>>) dst(%dma_wait3A_1284 : memref<64x128xf32, #tpu.memory_space<vmem>>)
      %mul3A_1288 = arith.constant 16 : i32
      %mul3A_1289 = arith.muli %scan3A_273, %mul3A_1288 : i32
      %add3A_1290 = arith.constant 10 : i32
      %add3A_1291 = arith.addi %mul3A_1289, %add3A_1290 : i32
      %slice3A_1292 = vector.extract_strided_slice %and3A_288 {offsets = [10], sizes = [1], strides = [1]} : vector<16xi32> to vector<1xi32>
      %squeeze3A_1293 = vector.extract %slice3A_1292[0] : i32 from vector<1xi32>
      %broadcast_in_dim3A_1294 = vector.broadcast %squeeze3A_1293 : i32 to vector<16xi32>
      %slice3A_1295 = vector.extract_strided_slice %convert_element_type3A_291 {offsets = [10], sizes = [1], strides = [1]} : vector<16xi32> to vector<1xi32>
      %squeeze3A_1296 = vector.extract %slice3A_1295[0] : i32 from vector<1xi32>
      %broadcast_in_dim3A_1297 = vector.broadcast %squeeze3A_1296 : i32 to vector<16xi32>
      %convert_element_type3A_1298 = arith.sitofp %broadcast_in_dim3A_1297 : vector<16xi32> to vector<16xf32>
      %and3A_1299 = arith.constant 255 : i32
      %and3A_1300 = arith.andi %add3A_1291, %and3A_1299 : i32
      %broadcast_in_dim3A_1301 = vector.broadcast %and3A_1300 : i32 to vector<16xi32>
      %gather3A_1302 = arith.constant 2 : i32
      %gather3A_1303 = arith.constant 0 : i32
      %gather3A_1304 = arith.constant 0 : i32
      %gather3A_1305 = tpu.memref_slice %arg6[%gather3A_1302, %gather3A_1303, %gather3A_1304] : memref<8x64x128xf32, #tpu.memory_space<vmem>> -> memref<1x64x128xf32, #tpu.memory_space<vmem>>
      %gather3A_1306 = tpu.memref_squeeze %gather3A_1305 : memref<1x64x128xf32, #tpu.memory_space<vmem>> -> memref<64x128xf32, #tpu.memory_space<vmem>>
      %gather3A_1307 = tpu.vector_load_idx %gather3A_1306[%add3A_5, %broadcast_in_dim3A_1294] : memref<64x128xf32, #tpu.memory_space<vmem>>[vector<16xi32>, vector<16xi32>], vector<16xf32>,
      %gather3A_1308 = tpu.vector_load_idx %arg7[%add3A_5, %broadcast_in_dim3A_1294] : memref<64x64xf32, #tpu.memory_space<vmem>>[vector<16xi32>, vector<16xi32>], vector<16xf32>,
      %sub3A_1309 = arith.constant 1.000000e+00 : f32
      %sub3A_1310 = vector.broadcast %sub3A_1309 : f32 to vector<16xf32>
      %sub3A_1311 = arith.subf %sub3A_1310, %convert_element_type3A_1298 : vector<16xf32>
      %mul3A_1312 = arith.mulf %gather3A_1307, %sub3A_1311 : vector<16xf32>
      %mul3A_1313 = arith.mulf %gather3A_1308, %convert_element_type3A_1298 : vector<16xf32>
      %add3A_1314 = arith.addf %mul3A_1312, %mul3A_1313 : vector<16xf32>
      tpu.vector_store_idx %arg8[%broadcast_in_dim3A_1301, %add3A_5], %add3A_1314 : memref<256x64xf32, #tpu.memory_space<vmem>>[vector<16xi32>, vector<16xi32>], vector<16xf32>,
      %gather3A_1315 = arith.constant 2 : i32
      %gather3A_1316 = arith.constant 0 : i32
      %gather3A_1317 = arith.constant 0 : i32
      %gather3A_1318 = tpu.memref_slice %arg6[%gather3A_1315, %gather3A_1316, %gather3A_1317] : memref<8x64x128xf32, #tpu.memory_space<vmem>> -> memref<1x64x128xf32, #tpu.memory_space<vmem>>
      %gather3A_1319 = tpu.memref_squeeze %gather3A_1318 : memref<1x64x128xf32, #tpu.memory_space<vmem>> -> memref<64x128xf32, #tpu.memory_space<vmem>>
      %gather3A_1320 = tpu.vector_load_idx %gather3A_1319[%add3A_9, %broadcast_in_dim3A_1294] : memref<64x128xf32, #tpu.memory_space<vmem>>[vector<16xi32>, vector<16xi32>], vector<16xf32>,
      %gather3A_1321 = tpu.vector_load_idx %arg7[%add3A_9, %broadcast_in_dim3A_1294] : memref<64x64xf32, #tpu.memory_space<vmem>>[vector<16xi32>, vector<16xi32>], vector<16xf32>,
      %sub3A_1322 = arith.constant 1.000000e+00 : f32
      %sub3A_1323 = vector.broadcast %sub3A_1322 : f32 to vector<16xf32>
      %sub3A_1324 = arith.subf %sub3A_1323, %convert_element_type3A_1298 : vector<16xf32>
      %mul3A_1325 = arith.mulf %gather3A_1320, %sub3A_1324 : vector<16xf32>
      %mul3A_1326 = arith.mulf %gather3A_1321, %convert_element_type3A_1298 : vector<16xf32>
      %add3A_1327 = arith.addf %mul3A_1325, %mul3A_1326 : vector<16xf32>
      tpu.vector_store_idx %arg8[%broadcast_in_dim3A_1301, %add3A_9], %add3A_1327 : memref<256x64xf32, #tpu.memory_space<vmem>>[vector<16xi32>, vector<16xi32>], vector<16xf32>,
      %gather3A_1328 = arith.constant 2 : i32
      %gather3A_1329 = arith.constant 0 : i32
      %gather3A_1330 = arith.constant 0 : i32
      %gather3A_1331 = tpu.memref_slice %arg6[%gather3A_1328, %gather3A_1329, %gather3A_1330] : memref<8x64x128xf32, #tpu.memory_space<vmem>> -> memref<1x64x128xf32, #tpu.memory_space<vmem>>
      %gather3A_1332 = tpu.memref_squeeze %gather3A_1331 : memref<1x64x128xf32, #tpu.memory_space<vmem>> -> memref<64x128xf32, #tpu.memory_space<vmem>>
      %gather3A_1333 = tpu.vector_load_idx %gather3A_1332[%add3A_13, %broadcast_in_dim3A_1294] : memref<64x128xf32, #tpu.memory_space<vmem>>[vector<16xi32>, vector<16xi32>], vector<16xf32>,
      %gather3A_1334 = tpu.vector_load_idx %arg7[%add3A_13, %broadcast_in_dim3A_1294] : memref<64x64xf32, #tpu.memory_space<vmem>>[vector<16xi32>, vector<16xi32>], vector<16xf32>,
      %sub3A_1335 = arith.constant 1.000000e+00 : f32
      %sub3A_1336 = vector.broadcast %sub3A_1335 : f32 to vector<16xf32>
      %sub3A_1337 = arith.subf %sub3A_1336, %convert_element_type3A_1298 : vector<16xf32>
      %mul3A_1338 = arith.mulf %gather3A_1333, %sub3A_1337 : vector<16xf32>
      %mul3A_1339 = arith.mulf %gather3A_1334, %convert_element_type3A_1298 : vector<16xf32>
      %add3A_1340 = arith.addf %mul3A_1338, %mul3A_1339 : vector<16xf32>
      tpu.vector_store_idx %arg8[%broadcast_in_dim3A_1301, %add3A_13], %add3A_1340 : memref<256x64xf32, #tpu.memory_space<vmem>>[vector<16xi32>, vector<16xi32>], vector<16xf32>,
      %gather3A_1341 = arith.constant 2 : i32
      %gather3A_1342 = arith.constant 0 : i32
      %gather3A_1343 = arith.constant 0 : i32
      %gather3A_1344 = tpu.memref_slice %arg6[%gather3A_1341, %gather3A_1342, %gather3A_1343] : memref<8x64x128xf32, #tpu.memory_space<vmem>> -> memref<1x64x128xf32, #tpu.memory_space<vmem>>
      %gather3A_1345 = tpu.memref_squeeze %gather3A_1344 : memref<1x64x128xf32, #tpu.memory_space<vmem>> -> memref<64x128xf32, #tpu.memory_space<vmem>>
      %gather3A_1346 = tpu.vector_load_idx %gather3A_1345[%add3A_17, %broadcast_in_dim3A_1294] : memref<64x128xf32, #tpu.memory_space<vmem>>[vector<16xi32>, vector<16xi32>], vector<16xf32>,
      %gather3A_1347 = tpu.vector_load_idx %arg7[%add3A_17, %broadcast_in_dim3A_1294] : memref<64x64xf32, #tpu.memory_space<vmem>>[vector<16xi32>, vector<16xi32>], vector<16xf32>,
      %sub3A_1348 = arith.constant 1.000000e+00 : f32
      %sub3A_1349 = vector.broadcast %sub3A_1348 : f32 to vector<16xf32>
      %sub3A_1350 = arith.subf %sub3A_1349, %convert_element_type3A_1298 : vector<16xf32>
      %mul3A_1351 = arith.mulf %gather3A_1346, %sub3A_1350 : vector<16xf32>
      %mul3A_1352 = arith.mulf %gather3A_1347, %convert_element_type3A_1298 : vector<16xf32>
      %add3A_1353 = arith.addf %mul3A_1351, %mul3A_1352 : vector<16xf32>
      tpu.vector_store_idx %arg8[%broadcast_in_dim3A_1301, %add3A_17], %add3A_1353 : memref<256x64xf32, #tpu.memory_space<vmem>>[vector<16xi32>, vector<16xi32>], vector<16xf32>,
      %slice3A_1354 = vector.extract_strided_slice %min3A_305 {offsets = [2], sizes = [1], strides = [1]} : vector<16xi32> to vector<1xi32>
      %squeeze3A_1355 = vector.extract %slice3A_1354[0] : i32 from vector<1xi32>
      %multiple_of3A_1356 = tpu.assume_multiple %squeeze3A_1355, 128 : i32
      %dma_start3A_1357 = arith.constant 2 : i32
      %dma_start3A_1358 = arith.constant 0 : i32
      %dma_start3A_1359 = arith.constant 0 : i32
      %dma_start3A_1360 = tpu.memref_slice %arg6[%dma_start3A_1357, %dma_start3A_1358, %dma_start3A_1359] : memref<8x64x128xf32, #tpu.memory_space<vmem>> -> memref<1x64x128xf32, #tpu.memory_space<vmem>>
      %dma_start3A_1361 = tpu.memref_squeeze %dma_start3A_1360 : memref<1x64x128xf32, #tpu.memory_space<vmem>> -> memref<64x128xf32, #tpu.memory_space<vmem>>
      %dma_start3A_1362 = arith.constant 0 : i32
      %dma_start3A_1363 = tpu.memref_slice %arg3[%dma_start3A_1362, %multiple_of3A_1356] : memref<64x1000000xf32, #tpu.memory_space<hbm>> -> memref<64x128xf32, #tpu.memory_space<hbm>>
      %dma_start3A_1364 = arith.constant 0 : i32
      %dma_start3A_1365 = arith.constant 0 : i32
      %dma_start3A_1366 = tpu.memref_slice %arg6[%dma_start3A_1357, %dma_start3A_1364, %dma_start3A_1365] : memref<8x64x128xf32, #tpu.memory_space<vmem>> -> memref<1x64x128xf32, #tpu.memory_space<vmem>>
      %dma_start3A_1367 = tpu.memref_squeeze %dma_start3A_1366 : memref<1x64x128xf32, #tpu.memory_space<vmem>> -> memref<64x128xf32, #tpu.memory_space<vmem>>
      %dma_start3A_1368 = arith.constant 0 : i32
      %dma_start3A_1369 = tpu.memref_slice %arg3[%dma_start3A_1368, %multiple_of3A_1356] : memref<64x1000000xf32, #tpu.memory_space<hbm>> -> memref<64x128xf32, #tpu.memory_space<hbm>>
      tpu.enqueue_dma source(%dma_start3A_1369 : memref<64x128xf32, #tpu.memory_space<hbm>>) target(%dma_start3A_1367 : memref<64x128xf32, #tpu.memory_space<vmem>>) target_semaphore(%arg11 : memref<!tpu.dma_semaphore, #tpu.memory_space<semaphore_mem>>)
      %dma_wait3A_1370 = arith.constant 3 : i32
      %dma_wait3A_1371 = arith.constant 0 : i32
      %dma_wait3A_1372 = arith.constant 0 : i32
      %dma_wait3A_1373 = tpu.memref_slice %arg6[%dma_wait3A_1370, %dma_wait3A_1371, %dma_wait3A_1372] : memref<8x64x128xf32, #tpu.memory_space<vmem>> -> memref<1x64x128xf32, #tpu.memory_space<vmem>>
      %dma_wait3A_1374 = tpu.memref_squeeze %dma_wait3A_1373 : memref<1x64x128xf32, #tpu.memory_space<vmem>> -> memref<64x128xf32, #tpu.memory_space<vmem>>
      %dma_wait3A_1375 = arith.constant 0 : i32
      %dma_wait3A_1376 = arith.constant 0 : i32
      %dma_wait3A_1377 = tpu.memref_slice %arg3[%dma_wait3A_1375, %dma_wait3A_1376] : memref<64x1000000xf32, #tpu.memory_space<hbm>> -> memref<64x128xf32, #tpu.memory_space<hbm>>
      %dma_wait3A_1378 = arith.constant 0 : i32
      %dma_wait3A_1379 = arith.constant 0 : i32
      %dma_wait3A_1380 = tpu.memref_slice %arg6[%dma_wait3A_1370, %dma_wait3A_1378, %dma_wait3A_1379] : memref<8x64x128xf32, #tpu.memory_space<vmem>> -> memref<1x64x128xf32, #tpu.memory_space<vmem>>
      %dma_wait3A_1381 = tpu.memref_squeeze %dma_wait3A_1380 : memref<1x64x128xf32, #tpu.memory_space<vmem>> -> memref<64x128xf32, #tpu.memory_space<vmem>>
      %dma_wait3A_1382 = arith.constant 0 : i32
      %dma_wait3A_1383 = arith.constant 0 : i32
      %dma_wait3A_1384 = tpu.memref_slice %arg3[%dma_wait3A_1382, %dma_wait3A_1383] : memref<64x1000000xf32, #tpu.memory_space<hbm>> -> memref<64x128xf32, #tpu.memory_space<hbm>>
      tpu.wait_dma2 semaphore(%arg12 : memref<!tpu.dma_semaphore, #tpu.memory_space<semaphore_mem>>) src(%dma_wait3A_1384 : memref<64x128xf32, #tpu.memory_space<hbm>>) dst(%dma_wait3A_1381 : memref<64x128xf32, #tpu.memory_space<vmem>>)
      %mul3A_1385 = arith.constant 16 : i32
      %mul3A_1386 = arith.muli %scan3A_273, %mul3A_1385 : i32
      %add3A_1387 = arith.constant 11 : i32
      %add3A_1388 = arith.addi %mul3A_1386, %add3A_1387 : i32
      %slice3A_1389 = vector.extract_strided_slice %and3A_288 {offsets = [11], sizes = [1], strides = [1]} : vector<16xi32> to vector<1xi32>
      %squeeze3A_1390 = vector.extract %slice3A_1389[0] : i32 from vector<1xi32>
      %broadcast_in_dim3A_1391 = vector.broadcast %squeeze3A_1390 : i32 to vector<16xi32>
      %slice3A_1392 = vector.extract_strided_slice %convert_element_type3A_291 {offsets = [11], sizes = [1], strides = [1]} : vector<16xi32> to vector<1xi32>
      %squeeze3A_1393 = vector.extract %slice3A_1392[0] : i32 from vector<1xi32>
      %broadcast_in_dim3A_1394 = vector.broadcast %squeeze3A_1393 : i32 to vector<16xi32>
      %convert_element_type3A_1395 = arith.sitofp %broadcast_in_dim3A_1394 : vector<16xi32> to vector<16xf32>
      %and3A_1396 = arith.constant 255 : i32
      %and3A_1397 = arith.andi %add3A_1388, %and3A_1396 : i32
      %broadcast_in_dim3A_1398 = vector.broadcast %and3A_1397 : i32 to vector<16xi32>
      %gather3A_1399 = arith.constant 3 : i32
      %gather3A_1400 = arith.constant 0 : i32
      %gather3A_1401 = arith.constant 0 : i32
      %gather3A_1402 = tpu.memref_slice %arg6[%gather3A_1399, %gather3A_1400, %gather3A_1401] : memref<8x64x128xf32, #tpu.memory_space<vmem>> -> memref<1x64x128xf32, #tpu.memory_space<vmem>>
      %gather3A_1403 = tpu.memref_squeeze %gather3A_1402 : memref<1x64x128xf32, #tpu.memory_space<vmem>> -> memref<64x128xf32, #tpu.memory_space<vmem>>
      %gather3A_1404 = tpu.vector_load_idx %gather3A_1403[%add3A_5, %broadcast_in_dim3A_1391] : memref<64x128xf32, #tpu.memory_space<vmem>>[vector<16xi32>, vector<16xi32>], vector<16xf32>,
      %gather3A_1405 = tpu.vector_load_idx %arg7[%add3A_5, %broadcast_in_dim3A_1391] : memref<64x64xf32, #tpu.memory_space<vmem>>[vector<16xi32>, vector<16xi32>], vector<16xf32>,
      %sub3A_1406 = arith.constant 1.000000e+00 : f32
      %sub3A_1407 = vector.broadcast %sub3A_1406 : f32 to vector<16xf32>
      %sub3A_1408 = arith.subf %sub3A_1407, %convert_element_type3A_1395 : vector<16xf32>
      %mul3A_1409 = arith.mulf %gather3A_1404, %sub3A_1408 : vector<16xf32>
      %mul3A_1410 = arith.mulf %gather3A_1405, %convert_element_type3A_1395 : vector<16xf32>
      %add3A_1411 = arith.addf %mul3A_1409, %mul3A_1410 : vector<16xf32>
      tpu.vector_store_idx %arg8[%broadcast_in_dim3A_1398, %add3A_5], %add3A_1411 : memref<256x64xf32, #tpu.memory_space<vmem>>[vector<16xi32>, vector<16xi32>], vector<16xf32>,
      %gather3A_1412 = arith.constant 3 : i32
      %gather3A_1413 = arith.constant 0 : i32
      %gather3A_1414 = arith.constant 0 : i32
      %gather3A_1415 = tpu.memref_slice %arg6[%gather3A_1412, %gather3A_1413, %gather3A_1414] : memref<8x64x128xf32, #tpu.memory_space<vmem>> -> memref<1x64x128xf32, #tpu.memory_space<vmem>>
      %gather3A_1416 = tpu.memref_squeeze %gather3A_1415 : memref<1x64x128xf32, #tpu.memory_space<vmem>> -> memref<64x128xf32, #tpu.memory_space<vmem>>
      %gather3A_1417 = tpu.vector_load_idx %gather3A_1416[%add3A_9, %broadcast_in_dim3A_1391] : memref<64x128xf32, #tpu.memory_space<vmem>>[vector<16xi32>, vector<16xi32>], vector<16xf32>,
      %gather3A_1418 = tpu.vector_load_idx %arg7[%add3A_9, %broadcast_in_dim3A_1391] : memref<64x64xf32, #tpu.memory_space<vmem>>[vector<16xi32>, vector<16xi32>], vector<16xf32>,
      %sub3A_1419 = arith.constant 1.000000e+00 : f32
      %sub3A_1420 = vector.broadcast %sub3A_1419 : f32 to vector<16xf32>
      %sub3A_1421 = arith.subf %sub3A_1420, %convert_element_type3A_1395 : vector<16xf32>
      %mul3A_1422 = arith.mulf %gather3A_1417, %sub3A_1421 : vector<16xf32>
      %mul3A_1423 = arith.mulf %gather3A_1418, %convert_element_type3A_1395 : vector<16xf32>
      %add3A_1424 = arith.addf %mul3A_1422, %mul3A_1423 : vector<16xf32>
      tpu.vector_store_idx %arg8[%broadcast_in_dim3A_1398, %add3A_9], %add3A_1424 : memref<256x64xf32, #tpu.memory_space<vmem>>[vector<16xi32>, vector<16xi32>], vector<16xf32>,
      %gather3A_1425 = arith.constant 3 : i32
      %gather3A_1426 = arith.constant 0 : i32
      %gather3A_1427 = arith.constant 0 : i32
      %gather3A_1428 = tpu.memref_slice %arg6[%gather3A_1425, %gather3A_1426, %gather3A_1427] : memref<8x64x128xf32, #tpu.memory_space<vmem>> -> memref<1x64x128xf32, #tpu.memory_space<vmem>>
      %gather3A_1429 = tpu.memref_squeeze %gather3A_1428 : memref<1x64x128xf32, #tpu.memory_space<vmem>> -> memref<64x128xf32, #tpu.memory_space<vmem>>
      %gather3A_1430 = tpu.vector_load_idx %gather3A_1429[%add3A_13, %broadcast_in_dim3A_1391] : memref<64x128xf32, #tpu.memory_space<vmem>>[vector<16xi32>, vector<16xi32>], vector<16xf32>,
      %gather3A_1431 = tpu.vector_load_idx %arg7[%add3A_13, %broadcast_in_dim3A_1391] : memref<64x64xf32, #tpu.memory_space<vmem>>[vector<16xi32>, vector<16xi32>], vector<16xf32>,
      %sub3A_1432 = arith.constant 1.000000e+00 : f32
      %sub3A_1433 = vector.broadcast %sub3A_1432 : f32 to vector<16xf32>
      %sub3A_1434 = arith.subf %sub3A_1433, %convert_element_type3A_1395 : vector<16xf32>
      %mul3A_1435 = arith.mulf %gather3A_1430, %sub3A_1434 : vector<16xf32>
      %mul3A_1436 = arith.mulf %gather3A_1431, %convert_element_type3A_1395 : vector<16xf32>
      %add3A_1437 = arith.addf %mul3A_1435, %mul3A_1436 : vector<16xf32>
      tpu.vector_store_idx %arg8[%broadcast_in_dim3A_1398, %add3A_13], %add3A_1437 : memref<256x64xf32, #tpu.memory_space<vmem>>[vector<16xi32>, vector<16xi32>], vector<16xf32>,
      %gather3A_1438 = arith.constant 3 : i32
      %gather3A_1439 = arith.constant 0 : i32
      %gather3A_1440 = arith.constant 0 : i32
      %gather3A_1441 = tpu.memref_slice %arg6[%gather3A_1438, %gather3A_1439, %gather3A_1440] : memref<8x64x128xf32, #tpu.memory_space<vmem>> -> memref<1x64x128xf32, #tpu.memory_space<vmem>>
      %gather3A_1442 = tpu.memref_squeeze %gather3A_1441 : memref<1x64x128xf32, #tpu.memory_space<vmem>> -> memref<64x128xf32, #tpu.memory_space<vmem>>
      %gather3A_1443 = tpu.vector_load_idx %gather3A_1442[%add3A_17, %broadcast_in_dim3A_1391] : memref<64x128xf32, #tpu.memory_space<vmem>>[vector<16xi32>, vector<16xi32>], vector<16xf32>,
      %gather3A_1444 = tpu.vector_load_idx %arg7[%add3A_17, %broadcast_in_dim3A_1391] : memref<64x64xf32, #tpu.memory_space<vmem>>[vector<16xi32>, vector<16xi32>], vector<16xf32>,
      %sub3A_1445 = arith.constant 1.000000e+00 : f32
      %sub3A_1446 = vector.broadcast %sub3A_1445 : f32 to vector<16xf32>
      %sub3A_1447 = arith.subf %sub3A_1446, %convert_element_type3A_1395 : vector<16xf32>
      %mul3A_1448 = arith.mulf %gather3A_1443, %sub3A_1447 : vector<16xf32>
      %mul3A_1449 = arith.mulf %gather3A_1444, %convert_element_type3A_1395 : vector<16xf32>
      %add3A_1450 = arith.addf %mul3A_1448, %mul3A_1449 : vector<16xf32>
      tpu.vector_store_idx %arg8[%broadcast_in_dim3A_1398, %add3A_17], %add3A_1450 : memref<256x64xf32, #tpu.memory_space<vmem>>[vector<16xi32>, vector<16xi32>], vector<16xf32>,
      %slice3A_1451 = vector.extract_strided_slice %min3A_305 {offsets = [3], sizes = [1], strides = [1]} : vector<16xi32> to vector<1xi32>
      %squeeze3A_1452 = vector.extract %slice3A_1451[0] : i32 from vector<1xi32>
      %multiple_of3A_1453 = tpu.assume_multiple %squeeze3A_1452, 128 : i32
      %dma_start3A_1454 = arith.constant 3 : i32
      %dma_start3A_1455 = arith.constant 0 : i32
      %dma_start3A_1456 = arith.constant 0 : i32
      %dma_start3A_1457 = tpu.memref_slice %arg6[%dma_start3A_1454, %dma_start3A_1455, %dma_start3A_1456] : memref<8x64x128xf32, #tpu.memory_space<vmem>> -> memref<1x64x128xf32, #tpu.memory_space<vmem>>
      %dma_start3A_1458 = tpu.memref_squeeze %dma_start3A_1457 : memref<1x64x128xf32, #tpu.memory_space<vmem>> -> memref<64x128xf32, #tpu.memory_space<vmem>>
      %dma_start3A_1459 = arith.constant 0 : i32
      %dma_start3A_1460 = tpu.memref_slice %arg3[%dma_start3A_1459, %multiple_of3A_1453] : memref<64x1000000xf32, #tpu.memory_space<hbm>> -> memref<64x128xf32, #tpu.memory_space<hbm>>
      %dma_start3A_1461 = arith.constant 0 : i32
      %dma_start3A_1462 = arith.constant 0 : i32
      %dma_start3A_1463 = tpu.memref_slice %arg6[%dma_start3A_1454, %dma_start3A_1461, %dma_start3A_1462] : memref<8x64x128xf32, #tpu.memory_space<vmem>> -> memref<1x64x128xf32, #tpu.memory_space<vmem>>
      %dma_start3A_1464 = tpu.memref_squeeze %dma_start3A_1463 : memref<1x64x128xf32, #tpu.memory_space<vmem>> -> memref<64x128xf32, #tpu.memory_space<vmem>>
      %dma_start3A_1465 = arith.constant 0 : i32
      %dma_start3A_1466 = tpu.memref_slice %arg3[%dma_start3A_1465, %multiple_of3A_1453] : memref<64x1000000xf32, #tpu.memory_space<hbm>> -> memref<64x128xf32, #tpu.memory_space<hbm>>
      tpu.enqueue_dma source(%dma_start3A_1466 : memref<64x128xf32, #tpu.memory_space<hbm>>) target(%dma_start3A_1464 : memref<64x128xf32, #tpu.memory_space<vmem>>) target_semaphore(%arg12 : memref<!tpu.dma_semaphore, #tpu.memory_space<semaphore_mem>>)
      %dma_wait3A_1467 = arith.constant 4 : i32
      %dma_wait3A_1468 = arith.constant 0 : i32
      %dma_wait3A_1469 = arith.constant 0 : i32
      %dma_wait3A_1470 = tpu.memref_slice %arg6[%dma_wait3A_1467, %dma_wait3A_1468, %dma_wait3A_1469] : memref<8x64x128xf32, #tpu.memory_space<vmem>> -> memref<1x64x128xf32, #tpu.memory_space<vmem>>
      %dma_wait3A_1471 = tpu.memref_squeeze %dma_wait3A_1470 : memref<1x64x128xf32, #tpu.memory_space<vmem>> -> memref<64x128xf32, #tpu.memory_space<vmem>>
      %dma_wait3A_1472 = arith.constant 0 : i32
      %dma_wait3A_1473 = arith.constant 0 : i32
      %dma_wait3A_1474 = tpu.memref_slice %arg3[%dma_wait3A_1472, %dma_wait3A_1473] : memref<64x1000000xf32, #tpu.memory_space<hbm>> -> memref<64x128xf32, #tpu.memory_space<hbm>>
      %dma_wait3A_1475 = arith.constant 0 : i32
      %dma_wait3A_1476 = arith.constant 0 : i32
      %dma_wait3A_1477 = tpu.memref_slice %arg6[%dma_wait3A_1467, %dma_wait3A_1475, %dma_wait3A_1476] : memref<8x64x128xf32, #tpu.memory_space<vmem>> -> memref<1x64x128xf32, #tpu.memory_space<vmem>>
      %dma_wait3A_1478 = tpu.memref_squeeze %dma_wait3A_1477 : memref<1x64x128xf32, #tpu.memory_space<vmem>> -> memref<64x128xf32, #tpu.memory_space<vmem>>
      %dma_wait3A_1479 = arith.constant 0 : i32
      %dma_wait3A_1480 = arith.constant 0 : i32
      %dma_wait3A_1481 = tpu.memref_slice %arg3[%dma_wait3A_1479, %dma_wait3A_1480] : memref<64x1000000xf32, #tpu.memory_space<hbm>> -> memref<64x128xf32, #tpu.memory_space<hbm>>
      tpu.wait_dma2 semaphore(%arg13 : memref<!tpu.dma_semaphore, #tpu.memory_space<semaphore_mem>>) src(%dma_wait3A_1481 : memref<64x128xf32, #tpu.memory_space<hbm>>) dst(%dma_wait3A_1478 : memref<64x128xf32, #tpu.memory_space<vmem>>)
      %mul3A_1482 = arith.constant 16 : i32
      %mul3A_1483 = arith.muli %scan3A_273, %mul3A_1482 : i32
      %add3A_1484 = arith.constant 12 : i32
      %add3A_1485 = arith.addi %mul3A_1483, %add3A_1484 : i32
      %slice3A_1486 = vector.extract_strided_slice %and3A_288 {offsets = [12], sizes = [1], strides = [1]} : vector<16xi32> to vector<1xi32>
      %squeeze3A_1487 = vector.extract %slice3A_1486[0] : i32 from vector<1xi32>
      %broadcast_in_dim3A_1488 = vector.broadcast %squeeze3A_1487 : i32 to vector<16xi32>
      %slice3A_1489 = vector.extract_strided_slice %convert_element_type3A_291 {offsets = [12], sizes = [1], strides = [1]} : vector<16xi32> to vector<1xi32>
      %squeeze3A_1490 = vector.extract %slice3A_1489[0] : i32 from vector<1xi32>
      %broadcast_in_dim3A_1491 = vector.broadcast %squeeze3A_1490 : i32 to vector<16xi32>
      %convert_element_type3A_1492 = arith.sitofp %broadcast_in_dim3A_1491 : vector<16xi32> to vector<16xf32>
      %and3A_1493 = arith.constant 255 : i32
      %and3A_1494 = arith.andi %add3A_1485, %and3A_1493 : i32
      %broadcast_in_dim3A_1495 = vector.broadcast %and3A_1494 : i32 to vector<16xi32>
      %gather3A_1496 = arith.constant 4 : i32
      %gather3A_1497 = arith.constant 0 : i32
      %gather3A_1498 = arith.constant 0 : i32
      %gather3A_1499 = tpu.memref_slice %arg6[%gather3A_1496, %gather3A_1497, %gather3A_1498] : memref<8x64x128xf32, #tpu.memory_space<vmem>> -> memref<1x64x128xf32, #tpu.memory_space<vmem>>
      %gather3A_1500 = tpu.memref_squeeze %gather3A_1499 : memref<1x64x128xf32, #tpu.memory_space<vmem>> -> memref<64x128xf32, #tpu.memory_space<vmem>>
      %gather3A_1501 = tpu.vector_load_idx %gather3A_1500[%add3A_5, %broadcast_in_dim3A_1488] : memref<64x128xf32, #tpu.memory_space<vmem>>[vector<16xi32>, vector<16xi32>], vector<16xf32>,
      %gather3A_1502 = tpu.vector_load_idx %arg7[%add3A_5, %broadcast_in_dim3A_1488] : memref<64x64xf32, #tpu.memory_space<vmem>>[vector<16xi32>, vector<16xi32>], vector<16xf32>,
      %sub3A_1503 = arith.constant 1.000000e+00 : f32
      %sub3A_1504 = vector.broadcast %sub3A_1503 : f32 to vector<16xf32>
      %sub3A_1505 = arith.subf %sub3A_1504, %convert_element_type3A_1492 : vector<16xf32>
      %mul3A_1506 = arith.mulf %gather3A_1501, %sub3A_1505 : vector<16xf32>
      %mul3A_1507 = arith.mulf %gather3A_1502, %convert_element_type3A_1492 : vector<16xf32>
      %add3A_1508 = arith.addf %mul3A_1506, %mul3A_1507 : vector<16xf32>
      tpu.vector_store_idx %arg8[%broadcast_in_dim3A_1495, %add3A_5], %add3A_1508 : memref<256x64xf32, #tpu.memory_space<vmem>>[vector<16xi32>, vector<16xi32>], vector<16xf32>,
      %gather3A_1509 = arith.constant 4 : i32
      %gather3A_1510 = arith.constant 0 : i32
      %gather3A_1511 = arith.constant 0 : i32
      %gather3A_1512 = tpu.memref_slice %arg6[%gather3A_1509, %gather3A_1510, %gather3A_1511] : memref<8x64x128xf32, #tpu.memory_space<vmem>> -> memref<1x64x128xf32, #tpu.memory_space<vmem>>
      %gather3A_1513 = tpu.memref_squeeze %gather3A_1512 : memref<1x64x128xf32, #tpu.memory_space<vmem>> -> memref<64x128xf32, #tpu.memory_space<vmem>>
      %gather3A_1514 = tpu.vector_load_idx %gather3A_1513[%add3A_9, %broadcast_in_dim3A_1488] : memref<64x128xf32, #tpu.memory_space<vmem>>[vector<16xi32>, vector<16xi32>], vector<16xf32>,
      %gather3A_1515 = tpu.vector_load_idx %arg7[%add3A_9, %broadcast_in_dim3A_1488] : memref<64x64xf32, #tpu.memory_space<vmem>>[vector<16xi32>, vector<16xi32>], vector<16xf32>,
      %sub3A_1516 = arith.constant 1.000000e+00 : f32
      %sub3A_1517 = vector.broadcast %sub3A_1516 : f32 to vector<16xf32>
      %sub3A_1518 = arith.subf %sub3A_1517, %convert_element_type3A_1492 : vector<16xf32>
      %mul3A_1519 = arith.mulf %gather3A_1514, %sub3A_1518 : vector<16xf32>
      %mul3A_1520 = arith.mulf %gather3A_1515, %convert_element_type3A_1492 : vector<16xf32>
      %add3A_1521 = arith.addf %mul3A_1519, %mul3A_1520 : vector<16xf32>
      tpu.vector_store_idx %arg8[%broadcast_in_dim3A_1495, %add3A_9], %add3A_1521 : memref<256x64xf32, #tpu.memory_space<vmem>>[vector<16xi32>, vector<16xi32>], vector<16xf32>,
      %gather3A_1522 = arith.constant 4 : i32
      %gather3A_1523 = arith.constant 0 : i32
      %gather3A_1524 = arith.constant 0 : i32
      %gather3A_1525 = tpu.memref_slice %arg6[%gather3A_1522, %gather3A_1523, %gather3A_1524] : memref<8x64x128xf32, #tpu.memory_space<vmem>> -> memref<1x64x128xf32, #tpu.memory_space<vmem>>
      %gather3A_1526 = tpu.memref_squeeze %gather3A_1525 : memref<1x64x128xf32, #tpu.memory_space<vmem>> -> memref<64x128xf32, #tpu.memory_space<vmem>>
      %gather3A_1527 = tpu.vector_load_idx %gather3A_1526[%add3A_13, %broadcast_in_dim3A_1488] : memref<64x128xf32, #tpu.memory_space<vmem>>[vector<16xi32>, vector<16xi32>], vector<16xf32>,
      %gather3A_1528 = tpu.vector_load_idx %arg7[%add3A_13, %broadcast_in_dim3A_1488] : memref<64x64xf32, #tpu.memory_space<vmem>>[vector<16xi32>, vector<16xi32>], vector<16xf32>,
      %sub3A_1529 = arith.constant 1.000000e+00 : f32
      %sub3A_1530 = vector.broadcast %sub3A_1529 : f32 to vector<16xf32>
      %sub3A_1531 = arith.subf %sub3A_1530, %convert_element_type3A_1492 : vector<16xf32>
      %mul3A_1532 = arith.mulf %gather3A_1527, %sub3A_1531 : vector<16xf32>
      %mul3A_1533 = arith.mulf %gather3A_1528, %convert_element_type3A_1492 : vector<16xf32>
      %add3A_1534 = arith.addf %mul3A_1532, %mul3A_1533 : vector<16xf32>
      tpu.vector_store_idx %arg8[%broadcast_in_dim3A_1495, %add3A_13], %add3A_1534 : memref<256x64xf32, #tpu.memory_space<vmem>>[vector<16xi32>, vector<16xi32>], vector<16xf32>,
      %gather3A_1535 = arith.constant 4 : i32
      %gather3A_1536 = arith.constant 0 : i32
      %gather3A_1537 = arith.constant 0 : i32
      %gather3A_1538 = tpu.memref_slice %arg6[%gather3A_1535, %gather3A_1536, %gather3A_1537] : memref<8x64x128xf32, #tpu.memory_space<vmem>> -> memref<1x64x128xf32, #tpu.memory_space<vmem>>
      %gather3A_1539 = tpu.memref_squeeze %gather3A_1538 : memref<1x64x128xf32, #tpu.memory_space<vmem>> -> memref<64x128xf32, #tpu.memory_space<vmem>>
      %gather3A_1540 = tpu.vector_load_idx %gather3A_1539[%add3A_17, %broadcast_in_dim3A_1488] : memref<64x128xf32, #tpu.memory_space<vmem>>[vector<16xi32>, vector<16xi32>], vector<16xf32>,
      %gather3A_1541 = tpu.vector_load_idx %arg7[%add3A_17, %broadcast_in_dim3A_1488] : memref<64x64xf32, #tpu.memory_space<vmem>>[vector<16xi32>, vector<16xi32>], vector<16xf32>,
      %sub3A_1542 = arith.constant 1.000000e+00 : f32
      %sub3A_1543 = vector.broadcast %sub3A_1542 : f32 to vector<16xf32>
      %sub3A_1544 = arith.subf %sub3A_1543, %convert_element_type3A_1492 : vector<16xf32>
      %mul3A_1545 = arith.mulf %gather3A_1540, %sub3A_1544 : vector<16xf32>
      %mul3A_1546 = arith.mulf %gather3A_1541, %convert_element_type3A_1492 : vector<16xf32>
      %add3A_1547 = arith.addf %mul3A_1545, %mul3A_1546 : vector<16xf32>
      tpu.vector_store_idx %arg8[%broadcast_in_dim3A_1495, %add3A_17], %add3A_1547 : memref<256x64xf32, #tpu.memory_space<vmem>>[vector<16xi32>, vector<16xi32>], vector<16xf32>,
      %slice3A_1548 = vector.extract_strided_slice %min3A_305 {offsets = [4], sizes = [1], strides = [1]} : vector<16xi32> to vector<1xi32>
      %squeeze3A_1549 = vector.extract %slice3A_1548[0] : i32 from vector<1xi32>
      %multiple_of3A_1550 = tpu.assume_multiple %squeeze3A_1549, 128 : i32
      %dma_start3A_1551 = arith.constant 4 : i32
      %dma_start3A_1552 = arith.constant 0 : i32
      %dma_start3A_1553 = arith.constant 0 : i32
      %dma_start3A_1554 = tpu.memref_slice %arg6[%dma_start3A_1551, %dma_start3A_1552, %dma_start3A_1553] : memref<8x64x128xf32, #tpu.memory_space<vmem>> -> memref<1x64x128xf32, #tpu.memory_space<vmem>>
      %dma_start3A_1555 = tpu.memref_squeeze %dma_start3A_1554 : memref<1x64x128xf32, #tpu.memory_space<vmem>> -> memref<64x128xf32, #tpu.memory_space<vmem>>
      %dma_start3A_1556 = arith.constant 0 : i32
      %dma_start3A_1557 = tpu.memref_slice %arg3[%dma_start3A_1556, %multiple_of3A_1550] : memref<64x1000000xf32, #tpu.memory_space<hbm>> -> memref<64x128xf32, #tpu.memory_space<hbm>>
      %dma_start3A_1558 = arith.constant 0 : i32
      %dma_start3A_1559 = arith.constant 0 : i32
      %dma_start3A_1560 = tpu.memref_slice %arg6[%dma_start3A_1551, %dma_start3A_1558, %dma_start3A_1559] : memref<8x64x128xf32, #tpu.memory_space<vmem>> -> memref<1x64x128xf32, #tpu.memory_space<vmem>>
      %dma_start3A_1561 = tpu.memref_squeeze %dma_start3A_1560 : memref<1x64x128xf32, #tpu.memory_space<vmem>> -> memref<64x128xf32, #tpu.memory_space<vmem>>
      %dma_start3A_1562 = arith.constant 0 : i32
      %dma_start3A_1563 = tpu.memref_slice %arg3[%dma_start3A_1562, %multiple_of3A_1550] : memref<64x1000000xf32, #tpu.memory_space<hbm>> -> memref<64x128xf32, #tpu.memory_space<hbm>>
      tpu.enqueue_dma source(%dma_start3A_1563 : memref<64x128xf32, #tpu.memory_space<hbm>>) target(%dma_start3A_1561 : memref<64x128xf32, #tpu.memory_space<vmem>>) target_semaphore(%arg13 : memref<!tpu.dma_semaphore, #tpu.memory_space<semaphore_mem>>)
      %dma_wait3A_1564 = arith.constant 5 : i32
      %dma_wait3A_1565 = arith.constant 0 : i32
      %dma_wait3A_1566 = arith.constant 0 : i32
      %dma_wait3A_1567 = tpu.memref_slice %arg6[%dma_wait3A_1564, %dma_wait3A_1565, %dma_wait3A_1566] : memref<8x64x128xf32, #tpu.memory_space<vmem>> -> memref<1x64x128xf32, #tpu.memory_space<vmem>>
      %dma_wait3A_1568 = tpu.memref_squeeze %dma_wait3A_1567 : memref<1x64x128xf32, #tpu.memory_space<vmem>> -> memref<64x128xf32, #tpu.memory_space<vmem>>
      %dma_wait3A_1569 = arith.constant 0 : i32
      %dma_wait3A_1570 = arith.constant 0 : i32
      %dma_wait3A_1571 = tpu.memref_slice %arg3[%dma_wait3A_1569, %dma_wait3A_1570] : memref<64x1000000xf32, #tpu.memory_space<hbm>> -> memref<64x128xf32, #tpu.memory_space<hbm>>
      %dma_wait3A_1572 = arith.constant 0 : i32
      %dma_wait3A_1573 = arith.constant 0 : i32
      %dma_wait3A_1574 = tpu.memref_slice %arg6[%dma_wait3A_1564, %dma_wait3A_1572, %dma_wait3A_1573] : memref<8x64x128xf32, #tpu.memory_space<vmem>> -> memref<1x64x128xf32, #tpu.memory_space<vmem>>
      %dma_wait3A_1575 = tpu.memref_squeeze %dma_wait3A_1574 : memref<1x64x128xf32, #tpu.memory_space<vmem>> -> memref<64x128xf32, #tpu.memory_space<vmem>>
      %dma_wait3A_1576 = arith.constant 0 : i32
      %dma_wait3A_1577 = arith.constant 0 : i32
      %dma_wait3A_1578 = tpu.memref_slice %arg3[%dma_wait3A_1576, %dma_wait3A_1577] : memref<64x1000000xf32, #tpu.memory_space<hbm>> -> memref<64x128xf32, #tpu.memory_space<hbm>>
      tpu.wait_dma2 semaphore(%arg14 : memref<!tpu.dma_semaphore, #tpu.memory_space<semaphore_mem>>) src(%dma_wait3A_1578 : memref<64x128xf32, #tpu.memory_space<hbm>>) dst(%dma_wait3A_1575 : memref<64x128xf32, #tpu.memory_space<vmem>>)
      %mul3A_1579 = arith.constant 16 : i32
      %mul3A_1580 = arith.muli %scan3A_273, %mul3A_1579 : i32
      %add3A_1581 = arith.constant 13 : i32
      %add3A_1582 = arith.addi %mul3A_1580, %add3A_1581 : i32
      %slice3A_1583 = vector.extract_strided_slice %and3A_288 {offsets = [13], sizes = [1], strides = [1]} : vector<16xi32> to vector<1xi32>
      %squeeze3A_1584 = vector.extract %slice3A_1583[0] : i32 from vector<1xi32>
      %broadcast_in_dim3A_1585 = vector.broadcast %squeeze3A_1584 : i32 to vector<16xi32>
      %slice3A_1586 = vector.extract_strided_slice %convert_element_type3A_291 {offsets = [13], sizes = [1], strides = [1]} : vector<16xi32> to vector<1xi32>
      %squeeze3A_1587 = vector.extract %slice3A_1586[0] : i32 from vector<1xi32>
      %broadcast_in_dim3A_1588 = vector.broadcast %squeeze3A_1587 : i32 to vector<16xi32>
      %convert_element_type3A_1589 = arith.sitofp %broadcast_in_dim3A_1588 : vector<16xi32> to vector<16xf32>
      %and3A_1590 = arith.constant 255 : i32
      %and3A_1591 = arith.andi %add3A_1582, %and3A_1590 : i32
      %broadcast_in_dim3A_1592 = vector.broadcast %and3A_1591 : i32 to vector<16xi32>
      %gather3A_1593 = arith.constant 5 : i32
      %gather3A_1594 = arith.constant 0 : i32
      %gather3A_1595 = arith.constant 0 : i32
      %gather3A_1596 = tpu.memref_slice %arg6[%gather3A_1593, %gather3A_1594, %gather3A_1595] : memref<8x64x128xf32, #tpu.memory_space<vmem>> -> memref<1x64x128xf32, #tpu.memory_space<vmem>>
      %gather3A_1597 = tpu.memref_squeeze %gather3A_1596 : memref<1x64x128xf32, #tpu.memory_space<vmem>> -> memref<64x128xf32, #tpu.memory_space<vmem>>
      %gather3A_1598 = tpu.vector_load_idx %gather3A_1597[%add3A_5, %broadcast_in_dim3A_1585] : memref<64x128xf32, #tpu.memory_space<vmem>>[vector<16xi32>, vector<16xi32>], vector<16xf32>,
      %gather3A_1599 = tpu.vector_load_idx %arg7[%add3A_5, %broadcast_in_dim3A_1585] : memref<64x64xf32, #tpu.memory_space<vmem>>[vector<16xi32>, vector<16xi32>], vector<16xf32>,
      %sub3A_1600 = arith.constant 1.000000e+00 : f32
      %sub3A_1601 = vector.broadcast %sub3A_1600 : f32 to vector<16xf32>
      %sub3A_1602 = arith.subf %sub3A_1601, %convert_element_type3A_1589 : vector<16xf32>
      %mul3A_1603 = arith.mulf %gather3A_1598, %sub3A_1602 : vector<16xf32>
      %mul3A_1604 = arith.mulf %gather3A_1599, %convert_element_type3A_1589 : vector<16xf32>
      %add3A_1605 = arith.addf %mul3A_1603, %mul3A_1604 : vector<16xf32>
      tpu.vector_store_idx %arg8[%broadcast_in_dim3A_1592, %add3A_5], %add3A_1605 : memref<256x64xf32, #tpu.memory_space<vmem>>[vector<16xi32>, vector<16xi32>], vector<16xf32>,
      %gather3A_1606 = arith.constant 5 : i32
      %gather3A_1607 = arith.constant 0 : i32
      %gather3A_1608 = arith.constant 0 : i32
      %gather3A_1609 = tpu.memref_slice %arg6[%gather3A_1606, %gather3A_1607, %gather3A_1608] : memref<8x64x128xf32, #tpu.memory_space<vmem>> -> memref<1x64x128xf32, #tpu.memory_space<vmem>>
      %gather3A_1610 = tpu.memref_squeeze %gather3A_1609 : memref<1x64x128xf32, #tpu.memory_space<vmem>> -> memref<64x128xf32, #tpu.memory_space<vmem>>
      %gather3A_1611 = tpu.vector_load_idx %gather3A_1610[%add3A_9, %broadcast_in_dim3A_1585] : memref<64x128xf32, #tpu.memory_space<vmem>>[vector<16xi32>, vector<16xi32>], vector<16xf32>,
      %gather3A_1612 = tpu.vector_load_idx %arg7[%add3A_9, %broadcast_in_dim3A_1585] : memref<64x64xf32, #tpu.memory_space<vmem>>[vector<16xi32>, vector<16xi32>], vector<16xf32>,
      %sub3A_1613 = arith.constant 1.000000e+00 : f32
      %sub3A_1614 = vector.broadcast %sub3A_1613 : f32 to vector<16xf32>
      %sub3A_1615 = arith.subf %sub3A_1614, %convert_element_type3A_1589 : vector<16xf32>
      %mul3A_1616 = arith.mulf %gather3A_1611, %sub3A_1615 : vector<16xf32>
      %mul3A_1617 = arith.mulf %gather3A_1612, %convert_element_type3A_1589 : vector<16xf32>
      %add3A_1618 = arith.addf %mul3A_1616, %mul3A_1617 : vector<16xf32>
      tpu.vector_store_idx %arg8[%broadcast_in_dim3A_1592, %add3A_9], %add3A_1618 : memref<256x64xf32, #tpu.memory_space<vmem>>[vector<16xi32>, vector<16xi32>], vector<16xf32>,
      %gather3A_1619 = arith.constant 5 : i32
      %gather3A_1620 = arith.constant 0 : i32
      %gather3A_1621 = arith.constant 0 : i32
      %gather3A_1622 = tpu.memref_slice %arg6[%gather3A_1619, %gather3A_1620, %gather3A_1621] : memref<8x64x128xf32, #tpu.memory_space<vmem>> -> memref<1x64x128xf32, #tpu.memory_space<vmem>>
      %gather3A_1623 = tpu.memref_squeeze %gather3A_1622 : memref<1x64x128xf32, #tpu.memory_space<vmem>> -> memref<64x128xf32, #tpu.memory_space<vmem>>
      %gather3A_1624 = tpu.vector_load_idx %gather3A_1623[%add3A_13, %broadcast_in_dim3A_1585] : memref<64x128xf32, #tpu.memory_space<vmem>>[vector<16xi32>, vector<16xi32>], vector<16xf32>,
      %gather3A_1625 = tpu.vector_load_idx %arg7[%add3A_13, %broadcast_in_dim3A_1585] : memref<64x64xf32, #tpu.memory_space<vmem>>[vector<16xi32>, vector<16xi32>], vector<16xf32>,
      %sub3A_1626 = arith.constant 1.000000e+00 : f32
      %sub3A_1627 = vector.broadcast %sub3A_1626 : f32 to vector<16xf32>
      %sub3A_1628 = arith.subf %sub3A_1627, %convert_element_type3A_1589 : vector<16xf32>
      %mul3A_1629 = arith.mulf %gather3A_1624, %sub3A_1628 : vector<16xf32>
      %mul3A_1630 = arith.mulf %gather3A_1625, %convert_element_type3A_1589 : vector<16xf32>
      %add3A_1631 = arith.addf %mul3A_1629, %mul3A_1630 : vector<16xf32>
      tpu.vector_store_idx %arg8[%broadcast_in_dim3A_1592, %add3A_13], %add3A_1631 : memref<256x64xf32, #tpu.memory_space<vmem>>[vector<16xi32>, vector<16xi32>], vector<16xf32>,
      %gather3A_1632 = arith.constant 5 : i32
      %gather3A_1633 = arith.constant 0 : i32
      %gather3A_1634 = arith.constant 0 : i32
      %gather3A_1635 = tpu.memref_slice %arg6[%gather3A_1632, %gather3A_1633, %gather3A_1634] : memref<8x64x128xf32, #tpu.memory_space<vmem>> -> memref<1x64x128xf32, #tpu.memory_space<vmem>>
      %gather3A_1636 = tpu.memref_squeeze %gather3A_1635 : memref<1x64x128xf32, #tpu.memory_space<vmem>> -> memref<64x128xf32, #tpu.memory_space<vmem>>
      %gather3A_1637 = tpu.vector_load_idx %gather3A_1636[%add3A_17, %broadcast_in_dim3A_1585] : memref<64x128xf32, #tpu.memory_space<vmem>>[vector<16xi32>, vector<16xi32>], vector<16xf32>,
      %gather3A_1638 = tpu.vector_load_idx %arg7[%add3A_17, %broadcast_in_dim3A_1585] : memref<64x64xf32, #tpu.memory_space<vmem>>[vector<16xi32>, vector<16xi32>], vector<16xf32>,
      %sub3A_1639 = arith.constant 1.000000e+00 : f32
      %sub3A_1640 = vector.broadcast %sub3A_1639 : f32 to vector<16xf32>
      %sub3A_1641 = arith.subf %sub3A_1640, %convert_element_type3A_1589 : vector<16xf32>
      %mul3A_1642 = arith.mulf %gather3A_1637, %sub3A_1641 : vector<16xf32>
      %mul3A_1643 = arith.mulf %gather3A_1638, %convert_element_type3A_1589 : vector<16xf32>
      %add3A_1644 = arith.addf %mul3A_1642, %mul3A_1643 : vector<16xf32>
      tpu.vector_store_idx %arg8[%broadcast_in_dim3A_1592, %add3A_17], %add3A_1644 : memref<256x64xf32, #tpu.memory_space<vmem>>[vector<16xi32>, vector<16xi32>], vector<16xf32>,
      %slice3A_1645 = vector.extract_strided_slice %min3A_305 {offsets = [5], sizes = [1], strides = [1]} : vector<16xi32> to vector<1xi32>
      %squeeze3A_1646 = vector.extract %slice3A_1645[0] : i32 from vector<1xi32>
      %multiple_of3A_1647 = tpu.assume_multiple %squeeze3A_1646, 128 : i32
      %dma_start3A_1648 = arith.constant 5 : i32
      %dma_start3A_1649 = arith.constant 0 : i32
      %dma_start3A_1650 = arith.constant 0 : i32
      %dma_start3A_1651 = tpu.memref_slice %arg6[%dma_start3A_1648, %dma_start3A_1649, %dma_start3A_1650] : memref<8x64x128xf32, #tpu.memory_space<vmem>> -> memref<1x64x128xf32, #tpu.memory_space<vmem>>
      %dma_start3A_1652 = tpu.memref_squeeze %dma_start3A_1651 : memref<1x64x128xf32, #tpu.memory_space<vmem>> -> memref<64x128xf32, #tpu.memory_space<vmem>>
      %dma_start3A_1653 = arith.constant 0 : i32
      %dma_start3A_1654 = tpu.memref_slice %arg3[%dma_start3A_1653, %multiple_of3A_1647] : memref<64x1000000xf32, #tpu.memory_space<hbm>> -> memref<64x128xf32, #tpu.memory_space<hbm>>
      %dma_start3A_1655 = arith.constant 0 : i32
      %dma_start3A_1656 = arith.constant 0 : i32
      %dma_start3A_1657 = tpu.memref_slice %arg6[%dma_start3A_1648, %dma_start3A_1655, %dma_start3A_1656] : memref<8x64x128xf32, #tpu.memory_space<vmem>> -> memref<1x64x128xf32, #tpu.memory_space<vmem>>
      %dma_start3A_1658 = tpu.memref_squeeze %dma_start3A_1657 : memref<1x64x128xf32, #tpu.memory_space<vmem>> -> memref<64x128xf32, #tpu.memory_space<vmem>>
      %dma_start3A_1659 = arith.constant 0 : i32
      %dma_start3A_1660 = tpu.memref_slice %arg3[%dma_start3A_1659, %multiple_of3A_1647] : memref<64x1000000xf32, #tpu.memory_space<hbm>> -> memref<64x128xf32, #tpu.memory_space<hbm>>
      tpu.enqueue_dma source(%dma_start3A_1660 : memref<64x128xf32, #tpu.memory_space<hbm>>) target(%dma_start3A_1658 : memref<64x128xf32, #tpu.memory_space<vmem>>) target_semaphore(%arg14 : memref<!tpu.dma_semaphore, #tpu.memory_space<semaphore_mem>>)
      %dma_wait3A_1661 = arith.constant 6 : i32
      %dma_wait3A_1662 = arith.constant 0 : i32
      %dma_wait3A_1663 = arith.constant 0 : i32
      %dma_wait3A_1664 = tpu.memref_slice %arg6[%dma_wait3A_1661, %dma_wait3A_1662, %dma_wait3A_1663] : memref<8x64x128xf32, #tpu.memory_space<vmem>> -> memref<1x64x128xf32, #tpu.memory_space<vmem>>
      %dma_wait3A_1665 = tpu.memref_squeeze %dma_wait3A_1664 : memref<1x64x128xf32, #tpu.memory_space<vmem>> -> memref<64x128xf32, #tpu.memory_space<vmem>>
      %dma_wait3A_1666 = arith.constant 0 : i32
      %dma_wait3A_1667 = arith.constant 0 : i32
      %dma_wait3A_1668 = tpu.memref_slice %arg3[%dma_wait3A_1666, %dma_wait3A_1667] : memref<64x1000000xf32, #tpu.memory_space<hbm>> -> memref<64x128xf32, #tpu.memory_space<hbm>>
      %dma_wait3A_1669 = arith.constant 0 : i32
      %dma_wait3A_1670 = arith.constant 0 : i32
      %dma_wait3A_1671 = tpu.memref_slice %arg6[%dma_wait3A_1661, %dma_wait3A_1669, %dma_wait3A_1670] : memref<8x64x128xf32, #tpu.memory_space<vmem>> -> memref<1x64x128xf32, #tpu.memory_space<vmem>>
      %dma_wait3A_1672 = tpu.memref_squeeze %dma_wait3A_1671 : memref<1x64x128xf32, #tpu.memory_space<vmem>> -> memref<64x128xf32, #tpu.memory_space<vmem>>
      %dma_wait3A_1673 = arith.constant 0 : i32
      %dma_wait3A_1674 = arith.constant 0 : i32
      %dma_wait3A_1675 = tpu.memref_slice %arg3[%dma_wait3A_1673, %dma_wait3A_1674] : memref<64x1000000xf32, #tpu.memory_space<hbm>> -> memref<64x128xf32, #tpu.memory_space<hbm>>
      tpu.wait_dma2 semaphore(%arg15 : memref<!tpu.dma_semaphore, #tpu.memory_space<semaphore_mem>>) src(%dma_wait3A_1675 : memref<64x128xf32, #tpu.memory_space<hbm>>) dst(%dma_wait3A_1672 : memref<64x128xf32, #tpu.memory_space<vmem>>)
      %mul3A_1676 = arith.constant 16 : i32
      %mul3A_1677 = arith.muli %scan3A_273, %mul3A_1676 : i32
      %add3A_1678 = arith.constant 14 : i32
      %add3A_1679 = arith.addi %mul3A_1677, %add3A_1678 : i32
      %slice3A_1680 = vector.extract_strided_slice %and3A_288 {offsets = [14], sizes = [1], strides = [1]} : vector<16xi32> to vector<1xi32>
      %squeeze3A_1681 = vector.extract %slice3A_1680[0] : i32 from vector<1xi32>
      %broadcast_in_dim3A_1682 = vector.broadcast %squeeze3A_1681 : i32 to vector<16xi32>
      %slice3A_1683 = vector.extract_strided_slice %convert_element_type3A_291 {offsets = [14], sizes = [1], strides = [1]} : vector<16xi32> to vector<1xi32>
      %squeeze3A_1684 = vector.extract %slice3A_1683[0] : i32 from vector<1xi32>
      %broadcast_in_dim3A_1685 = vector.broadcast %squeeze3A_1684 : i32 to vector<16xi32>
      %convert_element_type3A_1686 = arith.sitofp %broadcast_in_dim3A_1685 : vector<16xi32> to vector<16xf32>
      %and3A_1687 = arith.constant 255 : i32
      %and3A_1688 = arith.andi %add3A_1679, %and3A_1687 : i32
      %broadcast_in_dim3A_1689 = vector.broadcast %and3A_1688 : i32 to vector<16xi32>
      %gather3A_1690 = arith.constant 6 : i32
      %gather3A_1691 = arith.constant 0 : i32
      %gather3A_1692 = arith.constant 0 : i32
      %gather3A_1693 = tpu.memref_slice %arg6[%gather3A_1690, %gather3A_1691, %gather3A_1692] : memref<8x64x128xf32, #tpu.memory_space<vmem>> -> memref<1x64x128xf32, #tpu.memory_space<vmem>>
      %gather3A_1694 = tpu.memref_squeeze %gather3A_1693 : memref<1x64x128xf32, #tpu.memory_space<vmem>> -> memref<64x128xf32, #tpu.memory_space<vmem>>
      %gather3A_1695 = tpu.vector_load_idx %gather3A_1694[%add3A_5, %broadcast_in_dim3A_1682] : memref<64x128xf32, #tpu.memory_space<vmem>>[vector<16xi32>, vector<16xi32>], vector<16xf32>,
      %gather3A_1696 = tpu.vector_load_idx %arg7[%add3A_5, %broadcast_in_dim3A_1682] : memref<64x64xf32, #tpu.memory_space<vmem>>[vector<16xi32>, vector<16xi32>], vector<16xf32>,
      %sub3A_1697 = arith.constant 1.000000e+00 : f32
      %sub3A_1698 = vector.broadcast %sub3A_1697 : f32 to vector<16xf32>
      %sub3A_1699 = arith.subf %sub3A_1698, %convert_element_type3A_1686 : vector<16xf32>
      %mul3A_1700 = arith.mulf %gather3A_1695, %sub3A_1699 : vector<16xf32>
      %mul3A_1701 = arith.mulf %gather3A_1696, %convert_element_type3A_1686 : vector<16xf32>
      %add3A_1702 = arith.addf %mul3A_1700, %mul3A_1701 : vector<16xf32>
      tpu.vector_store_idx %arg8[%broadcast_in_dim3A_1689, %add3A_5], %add3A_1702 : memref<256x64xf32, #tpu.memory_space<vmem>>[vector<16xi32>, vector<16xi32>], vector<16xf32>,
      %gather3A_1703 = arith.constant 6 : i32
      %gather3A_1704 = arith.constant 0 : i32
      %gather3A_1705 = arith.constant 0 : i32
      %gather3A_1706 = tpu.memref_slice %arg6[%gather3A_1703, %gather3A_1704, %gather3A_1705] : memref<8x64x128xf32, #tpu.memory_space<vmem>> -> memref<1x64x128xf32, #tpu.memory_space<vmem>>
      %gather3A_1707 = tpu.memref_squeeze %gather3A_1706 : memref<1x64x128xf32, #tpu.memory_space<vmem>> -> memref<64x128xf32, #tpu.memory_space<vmem>>
      %gather3A_1708 = tpu.vector_load_idx %gather3A_1707[%add3A_9, %broadcast_in_dim3A_1682] : memref<64x128xf32, #tpu.memory_space<vmem>>[vector<16xi32>, vector<16xi32>], vector<16xf32>,
      %gather3A_1709 = tpu.vector_load_idx %arg7[%add3A_9, %broadcast_in_dim3A_1682] : memref<64x64xf32, #tpu.memory_space<vmem>>[vector<16xi32>, vector<16xi32>], vector<16xf32>,
      %sub3A_1710 = arith.constant 1.000000e+00 : f32
      %sub3A_1711 = vector.broadcast %sub3A_1710 : f32 to vector<16xf32>
      %sub3A_1712 = arith.subf %sub3A_1711, %convert_element_type3A_1686 : vector<16xf32>
      %mul3A_1713 = arith.mulf %gather3A_1708, %sub3A_1712 : vector<16xf32>
      %mul3A_1714 = arith.mulf %gather3A_1709, %convert_element_type3A_1686 : vector<16xf32>
      %add3A_1715 = arith.addf %mul3A_1713, %mul3A_1714 : vector<16xf32>
      tpu.vector_store_idx %arg8[%broadcast_in_dim3A_1689, %add3A_9], %add3A_1715 : memref<256x64xf32, #tpu.memory_space<vmem>>[vector<16xi32>, vector<16xi32>], vector<16xf32>,
      %gather3A_1716 = arith.constant 6 : i32
      %gather3A_1717 = arith.constant 0 : i32
      %gather3A_1718 = arith.constant 0 : i32
      %gather3A_1719 = tpu.memref_slice %arg6[%gather3A_1716, %gather3A_1717, %gather3A_1718] : memref<8x64x128xf32, #tpu.memory_space<vmem>> -> memref<1x64x128xf32, #tpu.memory_space<vmem>>
      %gather3A_1720 = tpu.memref_squeeze %gather3A_1719 : memref<1x64x128xf32, #tpu.memory_space<vmem>> -> memref<64x128xf32, #tpu.memory_space<vmem>>
      %gather3A_1721 = tpu.vector_load_idx %gather3A_1720[%add3A_13, %broadcast_in_dim3A_1682] : memref<64x128xf32, #tpu.memory_space<vmem>>[vector<16xi32>, vector<16xi32>], vector<16xf32>,
      %gather3A_1722 = tpu.vector_load_idx %arg7[%add3A_13, %broadcast_in_dim3A_1682] : memref<64x64xf32, #tpu.memory_space<vmem>>[vector<16xi32>, vector<16xi32>], vector<16xf32>,
      %sub3A_1723 = arith.constant 1.000000e+00 : f32
      %sub3A_1724 = vector.broadcast %sub3A_1723 : f32 to vector<16xf32>
      %sub3A_1725 = arith.subf %sub3A_1724, %convert_element_type3A_1686 : vector<16xf32>
      %mul3A_1726 = arith.mulf %gather3A_1721, %sub3A_1725 : vector<16xf32>
      %mul3A_1727 = arith.mulf %gather3A_1722, %convert_element_type3A_1686 : vector<16xf32>
      %add3A_1728 = arith.addf %mul3A_1726, %mul3A_1727 : vector<16xf32>
      tpu.vector_store_idx %arg8[%broadcast_in_dim3A_1689, %add3A_13], %add3A_1728 : memref<256x64xf32, #tpu.memory_space<vmem>>[vector<16xi32>, vector<16xi32>], vector<16xf32>,
      %gather3A_1729 = arith.constant 6 : i32
      %gather3A_1730 = arith.constant 0 : i32
      %gather3A_1731 = arith.constant 0 : i32
      %gather3A_1732 = tpu.memref_slice %arg6[%gather3A_1729, %gather3A_1730, %gather3A_1731] : memref<8x64x128xf32, #tpu.memory_space<vmem>> -> memref<1x64x128xf32, #tpu.memory_space<vmem>>
      %gather3A_1733 = tpu.memref_squeeze %gather3A_1732 : memref<1x64x128xf32, #tpu.memory_space<vmem>> -> memref<64x128xf32, #tpu.memory_space<vmem>>
      %gather3A_1734 = tpu.vector_load_idx %gather3A_1733[%add3A_17, %broadcast_in_dim3A_1682] : memref<64x128xf32, #tpu.memory_space<vmem>>[vector<16xi32>, vector<16xi32>], vector<16xf32>,
      %gather3A_1735 = tpu.vector_load_idx %arg7[%add3A_17, %broadcast_in_dim3A_1682] : memref<64x64xf32, #tpu.memory_space<vmem>>[vector<16xi32>, vector<16xi32>], vector<16xf32>,
      %sub3A_1736 = arith.constant 1.000000e+00 : f32
      %sub3A_1737 = vector.broadcast %sub3A_1736 : f32 to vector<16xf32>
      %sub3A_1738 = arith.subf %sub3A_1737, %convert_element_type3A_1686 : vector<16xf32>
      %mul3A_1739 = arith.mulf %gather3A_1734, %sub3A_1738 : vector<16xf32>
      %mul3A_1740 = arith.mulf %gather3A_1735, %convert_element_type3A_1686 : vector<16xf32>
      %add3A_1741 = arith.addf %mul3A_1739, %mul3A_1740 : vector<16xf32>
      tpu.vector_store_idx %arg8[%broadcast_in_dim3A_1689, %add3A_17], %add3A_1741 : memref<256x64xf32, #tpu.memory_space<vmem>>[vector<16xi32>, vector<16xi32>], vector<16xf32>,
      %slice3A_1742 = vector.extract_strided_slice %min3A_305 {offsets = [6], sizes = [1], strides = [1]} : vector<16xi32> to vector<1xi32>
      %squeeze3A_1743 = vector.extract %slice3A_1742[0] : i32 from vector<1xi32>
      %multiple_of3A_1744 = tpu.assume_multiple %squeeze3A_1743, 128 : i32
      %dma_start3A_1745 = arith.constant 6 : i32
      %dma_start3A_1746 = arith.constant 0 : i32
      %dma_start3A_1747 = arith.constant 0 : i32
      %dma_start3A_1748 = tpu.memref_slice %arg6[%dma_start3A_1745, %dma_start3A_1746, %dma_start3A_1747] : memref<8x64x128xf32, #tpu.memory_space<vmem>> -> memref<1x64x128xf32, #tpu.memory_space<vmem>>
      %dma_start3A_1749 = tpu.memref_squeeze %dma_start3A_1748 : memref<1x64x128xf32, #tpu.memory_space<vmem>> -> memref<64x128xf32, #tpu.memory_space<vmem>>
      %dma_start3A_1750 = arith.constant 0 : i32
      %dma_start3A_1751 = tpu.memref_slice %arg3[%dma_start3A_1750, %multiple_of3A_1744] : memref<64x1000000xf32, #tpu.memory_space<hbm>> -> memref<64x128xf32, #tpu.memory_space<hbm>>
      %dma_start3A_1752 = arith.constant 0 : i32
      %dma_start3A_1753 = arith.constant 0 : i32
      %dma_start3A_1754 = tpu.memref_slice %arg6[%dma_start3A_1745, %dma_start3A_1752, %dma_start3A_1753] : memref<8x64x128xf32, #tpu.memory_space<vmem>> -> memref<1x64x128xf32, #tpu.memory_space<vmem>>
      %dma_start3A_1755 = tpu.memref_squeeze %dma_start3A_1754 : memref<1x64x128xf32, #tpu.memory_space<vmem>> -> memref<64x128xf32, #tpu.memory_space<vmem>>
      %dma_start3A_1756 = arith.constant 0 : i32
      %dma_start3A_1757 = tpu.memref_slice %arg3[%dma_start3A_1756, %multiple_of3A_1744] : memref<64x1000000xf32, #tpu.memory_space<hbm>> -> memref<64x128xf32, #tpu.memory_space<hbm>>
      tpu.enqueue_dma source(%dma_start3A_1757 : memref<64x128xf32, #tpu.memory_space<hbm>>) target(%dma_start3A_1755 : memref<64x128xf32, #tpu.memory_space<vmem>>) target_semaphore(%arg15 : memref<!tpu.dma_semaphore, #tpu.memory_space<semaphore_mem>>)
      %dma_wait3A_1758 = arith.constant 7 : i32
      %dma_wait3A_1759 = arith.constant 0 : i32
      %dma_wait3A_1760 = arith.constant 0 : i32
      %dma_wait3A_1761 = tpu.memref_slice %arg6[%dma_wait3A_1758, %dma_wait3A_1759, %dma_wait3A_1760] : memref<8x64x128xf32, #tpu.memory_space<vmem>> -> memref<1x64x128xf32, #tpu.memory_space<vmem>>
      %dma_wait3A_1762 = tpu.memref_squeeze %dma_wait3A_1761 : memref<1x64x128xf32, #tpu.memory_space<vmem>> -> memref<64x128xf32, #tpu.memory_space<vmem>>
      %dma_wait3A_1763 = arith.constant 0 : i32
      %dma_wait3A_1764 = arith.constant 0 : i32
      %dma_wait3A_1765 = tpu.memref_slice %arg3[%dma_wait3A_1763, %dma_wait3A_1764] : memref<64x1000000xf32, #tpu.memory_space<hbm>> -> memref<64x128xf32, #tpu.memory_space<hbm>>
      %dma_wait3A_1766 = arith.constant 0 : i32
      %dma_wait3A_1767 = arith.constant 0 : i32
      %dma_wait3A_1768 = tpu.memref_slice %arg6[%dma_wait3A_1758, %dma_wait3A_1766, %dma_wait3A_1767] : memref<8x64x128xf32, #tpu.memory_space<vmem>> -> memref<1x64x128xf32, #tpu.memory_space<vmem>>
      %dma_wait3A_1769 = tpu.memref_squeeze %dma_wait3A_1768 : memref<1x64x128xf32, #tpu.memory_space<vmem>> -> memref<64x128xf32, #tpu.memory_space<vmem>>
      %dma_wait3A_1770 = arith.constant 0 : i32
      %dma_wait3A_1771 = arith.constant 0 : i32
      %dma_wait3A_1772 = tpu.memref_slice %arg3[%dma_wait3A_1770, %dma_wait3A_1771] : memref<64x1000000xf32, #tpu.memory_space<hbm>> -> memref<64x128xf32, #tpu.memory_space<hbm>>
      tpu.wait_dma2 semaphore(%arg16 : memref<!tpu.dma_semaphore, #tpu.memory_space<semaphore_mem>>) src(%dma_wait3A_1772 : memref<64x128xf32, #tpu.memory_space<hbm>>) dst(%dma_wait3A_1769 : memref<64x128xf32, #tpu.memory_space<vmem>>)
      %mul3A_1773 = arith.constant 16 : i32
      %mul3A_1774 = arith.muli %scan3A_273, %mul3A_1773 : i32
      %add3A_1775 = arith.constant 15 : i32
      %add3A_1776 = arith.addi %mul3A_1774, %add3A_1775 : i32
      %slice3A_1777 = vector.extract_strided_slice %and3A_288 {offsets = [15], sizes = [1], strides = [1]} : vector<16xi32> to vector<1xi32>
      %squeeze3A_1778 = vector.extract %slice3A_1777[0] : i32 from vector<1xi32>
      %broadcast_in_dim3A_1779 = vector.broadcast %squeeze3A_1778 : i32 to vector<16xi32>
      %slice3A_1780 = vector.extract_strided_slice %convert_element_type3A_291 {offsets = [15], sizes = [1], strides = [1]} : vector<16xi32> to vector<1xi32>
      %squeeze3A_1781 = vector.extract %slice3A_1780[0] : i32 from vector<1xi32>
      %broadcast_in_dim3A_1782 = vector.broadcast %squeeze3A_1781 : i32 to vector<16xi32>
      %convert_element_type3A_1783 = arith.sitofp %broadcast_in_dim3A_1782 : vector<16xi32> to vector<16xf32>
      %and3A_1784 = arith.constant 255 : i32
      %and3A_1785 = arith.andi %add3A_1776, %and3A_1784 : i32
      %broadcast_in_dim3A_1786 = vector.broadcast %and3A_1785 : i32 to vector<16xi32>
      %gather3A_1787 = arith.constant 7 : i32
      %gather3A_1788 = arith.constant 0 : i32
      %gather3A_1789 = arith.constant 0 : i32
      %gather3A_1790 = tpu.memref_slice %arg6[%gather3A_1787, %gather3A_1788, %gather3A_1789] : memref<8x64x128xf32, #tpu.memory_space<vmem>> -> memref<1x64x128xf32, #tpu.memory_space<vmem>>
      %gather3A_1791 = tpu.memref_squeeze %gather3A_1790 : memref<1x64x128xf32, #tpu.memory_space<vmem>> -> memref<64x128xf32, #tpu.memory_space<vmem>>
      %gather3A_1792 = tpu.vector_load_idx %gather3A_1791[%add3A_5, %broadcast_in_dim3A_1779] : memref<64x128xf32, #tpu.memory_space<vmem>>[vector<16xi32>, vector<16xi32>], vector<16xf32>,
      %gather3A_1793 = tpu.vector_load_idx %arg7[%add3A_5, %broadcast_in_dim3A_1779] : memref<64x64xf32, #tpu.memory_space<vmem>>[vector<16xi32>, vector<16xi32>], vector<16xf32>,
      %sub3A_1794 = arith.constant 1.000000e+00 : f32
      %sub3A_1795 = vector.broadcast %sub3A_1794 : f32 to vector<16xf32>
      %sub3A_1796 = arith.subf %sub3A_1795, %convert_element_type3A_1783 : vector<16xf32>
      %mul3A_1797 = arith.mulf %gather3A_1792, %sub3A_1796 : vector<16xf32>
      %mul3A_1798 = arith.mulf %gather3A_1793, %convert_element_type3A_1783 : vector<16xf32>
      %add3A_1799 = arith.addf %mul3A_1797, %mul3A_1798 : vector<16xf32>
      tpu.vector_store_idx %arg8[%broadcast_in_dim3A_1786, %add3A_5], %add3A_1799 : memref<256x64xf32, #tpu.memory_space<vmem>>[vector<16xi32>, vector<16xi32>], vector<16xf32>,
      %gather3A_1800 = arith.constant 7 : i32
      %gather3A_1801 = arith.constant 0 : i32
      %gather3A_1802 = arith.constant 0 : i32
      %gather3A_1803 = tpu.memref_slice %arg6[%gather3A_1800, %gather3A_1801, %gather3A_1802] : memref<8x64x128xf32, #tpu.memory_space<vmem>> -> memref<1x64x128xf32, #tpu.memory_space<vmem>>
      %gather3A_1804 = tpu.memref_squeeze %gather3A_1803 : memref<1x64x128xf32, #tpu.memory_space<vmem>> -> memref<64x128xf32, #tpu.memory_space<vmem>>
      %gather3A_1805 = tpu.vector_load_idx %gather3A_1804[%add3A_9, %broadcast_in_dim3A_1779] : memref<64x128xf32, #tpu.memory_space<vmem>>[vector<16xi32>, vector<16xi32>], vector<16xf32>,
      %gather3A_1806 = tpu.vector_load_idx %arg7[%add3A_9, %broadcast_in_dim3A_1779] : memref<64x64xf32, #tpu.memory_space<vmem>>[vector<16xi32>, vector<16xi32>], vector<16xf32>,
      %sub3A_1807 = arith.constant 1.000000e+00 : f32
      %sub3A_1808 = vector.broadcast %sub3A_1807 : f32 to vector<16xf32>
      %sub3A_1809 = arith.subf %sub3A_1808, %convert_element_type3A_1783 : vector<16xf32>
      %mul3A_1810 = arith.mulf %gather3A_1805, %sub3A_1809 : vector<16xf32>
      %mul3A_1811 = arith.mulf %gather3A_1806, %convert_element_type3A_1783 : vector<16xf32>
      %add3A_1812 = arith.addf %mul3A_1810, %mul3A_1811 : vector<16xf32>
      tpu.vector_store_idx %arg8[%broadcast_in_dim3A_1786, %add3A_9], %add3A_1812 : memref<256x64xf32, #tpu.memory_space<vmem>>[vector<16xi32>, vector<16xi32>], vector<16xf32>,
      %gather3A_1813 = arith.constant 7 : i32
      %gather3A_1814 = arith.constant 0 : i32
      %gather3A_1815 = arith.constant 0 : i32
      %gather3A_1816 = tpu.memref_slice %arg6[%gather3A_1813, %gather3A_1814, %gather3A_1815] : memref<8x64x128xf32, #tpu.memory_space<vmem>> -> memref<1x64x128xf32, #tpu.memory_space<vmem>>
      %gather3A_1817 = tpu.memref_squeeze %gather3A_1816 : memref<1x64x128xf32, #tpu.memory_space<vmem>> -> memref<64x128xf32, #tpu.memory_space<vmem>>
      %gather3A_1818 = tpu.vector_load_idx %gather3A_1817[%add3A_13, %broadcast_in_dim3A_1779] : memref<64x128xf32, #tpu.memory_space<vmem>>[vector<16xi32>, vector<16xi32>], vector<16xf32>,
      %gather3A_1819 = tpu.vector_load_idx %arg7[%add3A_13, %broadcast_in_dim3A_1779] : memref<64x64xf32, #tpu.memory_space<vmem>>[vector<16xi32>, vector<16xi32>], vector<16xf32>,
      %sub3A_1820 = arith.constant 1.000000e+00 : f32
      %sub3A_1821 = vector.broadcast %sub3A_1820 : f32 to vector<16xf32>
      %sub3A_1822 = arith.subf %sub3A_1821, %convert_element_type3A_1783 : vector<16xf32>
      %mul3A_1823 = arith.mulf %gather3A_1818, %sub3A_1822 : vector<16xf32>
      %mul3A_1824 = arith.mulf %gather3A_1819, %convert_element_type3A_1783 : vector<16xf32>
      %add3A_1825 = arith.addf %mul3A_1823, %mul3A_1824 : vector<16xf32>
      tpu.vector_store_idx %arg8[%broadcast_in_dim3A_1786, %add3A_13], %add3A_1825 : memref<256x64xf32, #tpu.memory_space<vmem>>[vector<16xi32>, vector<16xi32>], vector<16xf32>,
      %gather3A_1826 = arith.constant 7 : i32
      %gather3A_1827 = arith.constant 0 : i32
      %gather3A_1828 = arith.constant 0 : i32
      %gather3A_1829 = tpu.memref_slice %arg6[%gather3A_1826, %gather3A_1827, %gather3A_1828] : memref<8x64x128xf32, #tpu.memory_space<vmem>> -> memref<1x64x128xf32, #tpu.memory_space<vmem>>
      %gather3A_1830 = tpu.memref_squeeze %gather3A_1829 : memref<1x64x128xf32, #tpu.memory_space<vmem>> -> memref<64x128xf32, #tpu.memory_space<vmem>>
      %gather3A_1831 = tpu.vector_load_idx %gather3A_1830[%add3A_17, %broadcast_in_dim3A_1779] : memref<64x128xf32, #tpu.memory_space<vmem>>[vector<16xi32>, vector<16xi32>], vector<16xf32>,
      %gather3A_1832 = tpu.vector_load_idx %arg7[%add3A_17, %broadcast_in_dim3A_1779] : memref<64x64xf32, #tpu.memory_space<vmem>>[vector<16xi32>, vector<16xi32>], vector<16xf32>,
      %sub3A_1833 = arith.constant 1.000000e+00 : f32
      %sub3A_1834 = vector.broadcast %sub3A_1833 : f32 to vector<16xf32>
      %sub3A_1835 = arith.subf %sub3A_1834, %convert_element_type3A_1783 : vector<16xf32>
      %mul3A_1836 = arith.mulf %gather3A_1831, %sub3A_1835 : vector<16xf32>
      %mul3A_1837 = arith.mulf %gather3A_1832, %convert_element_type3A_1783 : vector<16xf32>
      %add3A_1838 = arith.addf %mul3A_1836, %mul3A_1837 : vector<16xf32>
      tpu.vector_store_idx %arg8[%broadcast_in_dim3A_1786, %add3A_17], %add3A_1838 : memref<256x64xf32, #tpu.memory_space<vmem>>[vector<16xi32>, vector<16xi32>], vector<16xf32>,
      %slice3A_1839 = vector.extract_strided_slice %min3A_305 {offsets = [7], sizes = [1], strides = [1]} : vector<16xi32> to vector<1xi32>
      %squeeze3A_1840 = vector.extract %slice3A_1839[0] : i32 from vector<1xi32>
      %multiple_of3A_1841 = tpu.assume_multiple %squeeze3A_1840, 128 : i32
      %dma_start3A_1842 = arith.constant 7 : i32
      %dma_start3A_1843 = arith.constant 0 : i32
      %dma_start3A_1844 = arith.constant 0 : i32
      %dma_start3A_1845 = tpu.memref_slice %arg6[%dma_start3A_1842, %dma_start3A_1843, %dma_start3A_1844] : memref<8x64x128xf32, #tpu.memory_space<vmem>> -> memref<1x64x128xf32, #tpu.memory_space<vmem>>
      %dma_start3A_1846 = tpu.memref_squeeze %dma_start3A_1845 : memref<1x64x128xf32, #tpu.memory_space<vmem>> -> memref<64x128xf32, #tpu.memory_space<vmem>>
      %dma_start3A_1847 = arith.constant 0 : i32
      %dma_start3A_1848 = tpu.memref_slice %arg3[%dma_start3A_1847, %multiple_of3A_1841] : memref<64x1000000xf32, #tpu.memory_space<hbm>> -> memref<64x128xf32, #tpu.memory_space<hbm>>
      %dma_start3A_1849 = arith.constant 0 : i32
      %dma_start3A_1850 = arith.constant 0 : i32
      %dma_start3A_1851 = tpu.memref_slice %arg6[%dma_start3A_1842, %dma_start3A_1849, %dma_start3A_1850] : memref<8x64x128xf32, #tpu.memory_space<vmem>> -> memref<1x64x128xf32, #tpu.memory_space<vmem>>
      %dma_start3A_1852 = tpu.memref_squeeze %dma_start3A_1851 : memref<1x64x128xf32, #tpu.memory_space<vmem>> -> memref<64x128xf32, #tpu.memory_space<vmem>>
      %dma_start3A_1853 = arith.constant 0 : i32
      %dma_start3A_1854 = tpu.memref_slice %arg3[%dma_start3A_1853, %multiple_of3A_1841] : memref<64x1000000xf32, #tpu.memory_space<hbm>> -> memref<64x128xf32, #tpu.memory_space<hbm>>
      tpu.enqueue_dma source(%dma_start3A_1854 : memref<64x128xf32, #tpu.memory_space<hbm>>) target(%dma_start3A_1852 : memref<64x128xf32, #tpu.memory_space<vmem>>) target_semaphore(%arg16 : memref<!tpu.dma_semaphore, #tpu.memory_space<semaphore_mem>>)
    }
    %scan3A_151 = arith.constant 32 : i32
    %dma_wait3A = arith.constant 0 : i32
    %dma_wait3A_152 = arith.constant 0 : i32
    %dma_wait3A_153 = arith.constant 0 : i32
    %dma_wait3A_154 = tpu.memref_slice %arg6[%dma_wait3A, %dma_wait3A_152, %dma_wait3A_153] : memref<8x64x128xf32, #tpu.memory_space<vmem>> -> memref<1x64x128xf32, #tpu.memory_space<vmem>>
    %dma_wait3A_155 = tpu.memref_squeeze %dma_wait3A_154 : memref<1x64x128xf32, #tpu.memory_space<vmem>> -> memref<64x128xf32, #tpu.memory_space<vmem>>
    %dma_wait3A_156 = arith.constant 0 : i32
    %dma_wait3A_157 = arith.constant 0 : i32
    %dma_wait3A_158 = tpu.memref_slice %arg3[%dma_wait3A_156, %dma_wait3A_157] : memref<64x1000000xf32, #tpu.memory_space<hbm>> -> memref<64x128xf32, #tpu.memory_space<hbm>>
    %dma_wait3A_159 = arith.constant 0 : i32
    %dma_wait3A_160 = arith.constant 0 : i32
    %dma_wait3A_161 = tpu.memref_slice %arg6[%dma_wait3A, %dma_wait3A_159, %dma_wait3A_160] : memref<8x64x128xf32, #tpu.memory_space<vmem>> -> memref<1x64x128xf32, #tpu.memory_space<vmem>>
    %dma_wait3A_162 = tpu.memref_squeeze %dma_wait3A_161 : memref<1x64x128xf32, #tpu.memory_space<vmem>> -> memref<64x128xf32, #tpu.memory_space<vmem>>
    %dma_wait3A_163 = arith.constant 0 : i32
    %dma_wait3A_164 = arith.constant 0 : i32
    %dma_wait3A_165 = tpu.memref_slice %arg3[%dma_wait3A_163, %dma_wait3A_164] : memref<64x1000000xf32, #tpu.memory_space<hbm>> -> memref<64x128xf32, #tpu.memory_space<hbm>>
    tpu.wait_dma2 semaphore(%arg9 : memref<!tpu.dma_semaphore, #tpu.memory_space<semaphore_mem>>) src(%dma_wait3A_165 : memref<64x128xf32, #tpu.memory_space<hbm>>) dst(%dma_wait3A_162 : memref<64x128xf32, #tpu.memory_space<vmem>>)
    %dma_wait3A_166 = arith.constant 1 : i32
    %dma_wait3A_167 = arith.constant 0 : i32
    %dma_wait3A_168 = arith.constant 0 : i32
    %dma_wait3A_169 = tpu.memref_slice %arg6[%dma_wait3A_166, %dma_wait3A_167, %dma_wait3A_168] : memref<8x64x128xf32, #tpu.memory_space<vmem>> -> memref<1x64x128xf32, #tpu.memory_space<vmem>>
    %dma_wait3A_170 = tpu.memref_squeeze %dma_wait3A_169 : memref<1x64x128xf32, #tpu.memory_space<vmem>> -> memref<64x128xf32, #tpu.memory_space<vmem>>
    %dma_wait3A_171 = arith.constant 0 : i32
    %dma_wait3A_172 = arith.constant 0 : i32
    %dma_wait3A_173 = tpu.memref_slice %arg3[%dma_wait3A_171, %dma_wait3A_172] : memref<64x1000000xf32, #tpu.memory_space<hbm>> -> memref<64x128xf32, #tpu.memory_space<hbm>>
    %dma_wait3A_174 = arith.constant 0 : i32
    %dma_wait3A_175 = arith.constant 0 : i32
    %dma_wait3A_176 = tpu.memref_slice %arg6[%dma_wait3A_166, %dma_wait3A_174, %dma_wait3A_175] : memref<8x64x128xf32, #tpu.memory_space<vmem>> -> memref<1x64x128xf32, #tpu.memory_space<vmem>>
    %dma_wait3A_177 = tpu.memref_squeeze %dma_wait3A_176 : memref<1x64x128xf32, #tpu.memory_space<vmem>> -> memref<64x128xf32, #tpu.memory_space<vmem>>
    %dma_wait3A_178 = arith.constant 0 : i32
    %dma_wait3A_179 = arith.constant 0 : i32
    %dma_wait3A_180 = tpu.memref_slice %arg3[%dma_wait3A_178, %dma_wait3A_179] : memref<64x1000000xf32, #tpu.memory_space<hbm>> -> memref<64x128xf32, #tpu.memory_space<hbm>>
    tpu.wait_dma2 semaphore(%arg10 : memref<!tpu.dma_semaphore, #tpu.memory_space<semaphore_mem>>) src(%dma_wait3A_180 : memref<64x128xf32, #tpu.memory_space<hbm>>) dst(%dma_wait3A_177 : memref<64x128xf32, #tpu.memory_space<vmem>>)
    %dma_wait3A_181 = arith.constant 2 : i32
    %dma_wait3A_182 = arith.constant 0 : i32
    %dma_wait3A_183 = arith.constant 0 : i32
    %dma_wait3A_184 = tpu.memref_slice %arg6[%dma_wait3A_181, %dma_wait3A_182, %dma_wait3A_183] : memref<8x64x128xf32, #tpu.memory_space<vmem>> -> memref<1x64x128xf32, #tpu.memory_space<vmem>>
    %dma_wait3A_185 = tpu.memref_squeeze %dma_wait3A_184 : memref<1x64x128xf32, #tpu.memory_space<vmem>> -> memref<64x128xf32, #tpu.memory_space<vmem>>
    %dma_wait3A_186 = arith.constant 0 : i32
    %dma_wait3A_187 = arith.constant 0 : i32
    %dma_wait3A_188 = tpu.memref_slice %arg3[%dma_wait3A_186, %dma_wait3A_187] : memref<64x1000000xf32, #tpu.memory_space<hbm>> -> memref<64x128xf32, #tpu.memory_space<hbm>>
    %dma_wait3A_189 = arith.constant 0 : i32
    %dma_wait3A_190 = arith.constant 0 : i32
    %dma_wait3A_191 = tpu.memref_slice %arg6[%dma_wait3A_181, %dma_wait3A_189, %dma_wait3A_190] : memref<8x64x128xf32, #tpu.memory_space<vmem>> -> memref<1x64x128xf32, #tpu.memory_space<vmem>>
    %dma_wait3A_192 = tpu.memref_squeeze %dma_wait3A_191 : memref<1x64x128xf32, #tpu.memory_space<vmem>> -> memref<64x128xf32, #tpu.memory_space<vmem>>
    %dma_wait3A_193 = arith.constant 0 : i32
    %dma_wait3A_194 = arith.constant 0 : i32
    %dma_wait3A_195 = tpu.memref_slice %arg3[%dma_wait3A_193, %dma_wait3A_194] : memref<64x1000000xf32, #tpu.memory_space<hbm>> -> memref<64x128xf32, #tpu.memory_space<hbm>>
    tpu.wait_dma2 semaphore(%arg11 : memref<!tpu.dma_semaphore, #tpu.memory_space<semaphore_mem>>) src(%dma_wait3A_195 : memref<64x128xf32, #tpu.memory_space<hbm>>) dst(%dma_wait3A_192 : memref<64x128xf32, #tpu.memory_space<vmem>>)
    %dma_wait3A_196 = arith.constant 3 : i32
    %dma_wait3A_197 = arith.constant 0 : i32
    %dma_wait3A_198 = arith.constant 0 : i32
    %dma_wait3A_199 = tpu.memref_slice %arg6[%dma_wait3A_196, %dma_wait3A_197, %dma_wait3A_198] : memref<8x64x128xf32, #tpu.memory_space<vmem>> -> memref<1x64x128xf32, #tpu.memory_space<vmem>>
    %dma_wait3A_200 = tpu.memref_squeeze %dma_wait3A_199 : memref<1x64x128xf32, #tpu.memory_space<vmem>> -> memref<64x128xf32, #tpu.memory_space<vmem>>
    %dma_wait3A_201 = arith.constant 0 : i32
    %dma_wait3A_202 = arith.constant 0 : i32
    %dma_wait3A_203 = tpu.memref_slice %arg3[%dma_wait3A_201, %dma_wait3A_202] : memref<64x1000000xf32, #tpu.memory_space<hbm>> -> memref<64x128xf32, #tpu.memory_space<hbm>>
    %dma_wait3A_204 = arith.constant 0 : i32
    %dma_wait3A_205 = arith.constant 0 : i32
    %dma_wait3A_206 = tpu.memref_slice %arg6[%dma_wait3A_196, %dma_wait3A_204, %dma_wait3A_205] : memref<8x64x128xf32, #tpu.memory_space<vmem>> -> memref<1x64x128xf32, #tpu.memory_space<vmem>>
    %dma_wait3A_207 = tpu.memref_squeeze %dma_wait3A_206 : memref<1x64x128xf32, #tpu.memory_space<vmem>> -> memref<64x128xf32, #tpu.memory_space<vmem>>
    %dma_wait3A_208 = arith.constant 0 : i32
    %dma_wait3A_209 = arith.constant 0 : i32
    %dma_wait3A_210 = tpu.memref_slice %arg3[%dma_wait3A_208, %dma_wait3A_209] : memref<64x1000000xf32, #tpu.memory_space<hbm>> -> memref<64x128xf32, #tpu.memory_space<hbm>>
    tpu.wait_dma2 semaphore(%arg12 : memref<!tpu.dma_semaphore, #tpu.memory_space<semaphore_mem>>) src(%dma_wait3A_210 : memref<64x128xf32, #tpu.memory_space<hbm>>) dst(%dma_wait3A_207 : memref<64x128xf32, #tpu.memory_space<vmem>>)
    %dma_wait3A_211 = arith.constant 4 : i32
    %dma_wait3A_212 = arith.constant 0 : i32
    %dma_wait3A_213 = arith.constant 0 : i32
    %dma_wait3A_214 = tpu.memref_slice %arg6[%dma_wait3A_211, %dma_wait3A_212, %dma_wait3A_213] : memref<8x64x128xf32, #tpu.memory_space<vmem>> -> memref<1x64x128xf32, #tpu.memory_space<vmem>>
    %dma_wait3A_215 = tpu.memref_squeeze %dma_wait3A_214 : memref<1x64x128xf32, #tpu.memory_space<vmem>> -> memref<64x128xf32, #tpu.memory_space<vmem>>
    %dma_wait3A_216 = arith.constant 0 : i32
    %dma_wait3A_217 = arith.constant 0 : i32
    %dma_wait3A_218 = tpu.memref_slice %arg3[%dma_wait3A_216, %dma_wait3A_217] : memref<64x1000000xf32, #tpu.memory_space<hbm>> -> memref<64x128xf32, #tpu.memory_space<hbm>>
    %dma_wait3A_219 = arith.constant 0 : i32
    %dma_wait3A_220 = arith.constant 0 : i32
    %dma_wait3A_221 = tpu.memref_slice %arg6[%dma_wait3A_211, %dma_wait3A_219, %dma_wait3A_220] : memref<8x64x128xf32, #tpu.memory_space<vmem>> -> memref<1x64x128xf32, #tpu.memory_space<vmem>>
    %dma_wait3A_222 = tpu.memref_squeeze %dma_wait3A_221 : memref<1x64x128xf32, #tpu.memory_space<vmem>> -> memref<64x128xf32, #tpu.memory_space<vmem>>
    %dma_wait3A_223 = arith.constant 0 : i32
    %dma_wait3A_224 = arith.constant 0 : i32
    %dma_wait3A_225 = tpu.memref_slice %arg3[%dma_wait3A_223, %dma_wait3A_224] : memref<64x1000000xf32, #tpu.memory_space<hbm>> -> memref<64x128xf32, #tpu.memory_space<hbm>>
    tpu.wait_dma2 semaphore(%arg13 : memref<!tpu.dma_semaphore, #tpu.memory_space<semaphore_mem>>) src(%dma_wait3A_225 : memref<64x128xf32, #tpu.memory_space<hbm>>) dst(%dma_wait3A_222 : memref<64x128xf32, #tpu.memory_space<vmem>>)
    %dma_wait3A_226 = arith.constant 5 : i32
    %dma_wait3A_227 = arith.constant 0 : i32
    %dma_wait3A_228 = arith.constant 0 : i32
    %dma_wait3A_229 = tpu.memref_slice %arg6[%dma_wait3A_226, %dma_wait3A_227, %dma_wait3A_228] : memref<8x64x128xf32, #tpu.memory_space<vmem>> -> memref<1x64x128xf32, #tpu.memory_space<vmem>>
    %dma_wait3A_230 = tpu.memref_squeeze %dma_wait3A_229 : memref<1x64x128xf32, #tpu.memory_space<vmem>> -> memref<64x128xf32, #tpu.memory_space<vmem>>
    %dma_wait3A_231 = arith.constant 0 : i32
    %dma_wait3A_232 = arith.constant 0 : i32
    %dma_wait3A_233 = tpu.memref_slice %arg3[%dma_wait3A_231, %dma_wait3A_232] : memref<64x1000000xf32, #tpu.memory_space<hbm>> -> memref<64x128xf32, #tpu.memory_space<hbm>>
    %dma_wait3A_234 = arith.constant 0 : i32
    %dma_wait3A_235 = arith.constant 0 : i32
    %dma_wait3A_236 = tpu.memref_slice %arg6[%dma_wait3A_226, %dma_wait3A_234, %dma_wait3A_235] : memref<8x64x128xf32, #tpu.memory_space<vmem>> -> memref<1x64x128xf32, #tpu.memory_space<vmem>>
    %dma_wait3A_237 = tpu.memref_squeeze %dma_wait3A_236 : memref<1x64x128xf32, #tpu.memory_space<vmem>> -> memref<64x128xf32, #tpu.memory_space<vmem>>
    %dma_wait3A_238 = arith.constant 0 : i32
    %dma_wait3A_239 = arith.constant 0 : i32
    %dma_wait3A_240 = tpu.memref_slice %arg3[%dma_wait3A_238, %dma_wait3A_239] : memref<64x1000000xf32, #tpu.memory_space<hbm>> -> memref<64x128xf32, #tpu.memory_space<hbm>>
    tpu.wait_dma2 semaphore(%arg14 : memref<!tpu.dma_semaphore, #tpu.memory_space<semaphore_mem>>) src(%dma_wait3A_240 : memref<64x128xf32, #tpu.memory_space<hbm>>) dst(%dma_wait3A_237 : memref<64x128xf32, #tpu.memory_space<vmem>>)
    %dma_wait3A_241 = arith.constant 6 : i32
    %dma_wait3A_242 = arith.constant 0 : i32
    %dma_wait3A_243 = arith.constant 0 : i32
    %dma_wait3A_244 = tpu.memref_slice %arg6[%dma_wait3A_241, %dma_wait3A_242, %dma_wait3A_243] : memref<8x64x128xf32, #tpu.memory_space<vmem>> -> memref<1x64x128xf32, #tpu.memory_space<vmem>>
    %dma_wait3A_245 = tpu.memref_squeeze %dma_wait3A_244 : memref<1x64x128xf32, #tpu.memory_space<vmem>> -> memref<64x128xf32, #tpu.memory_space<vmem>>
    %dma_wait3A_246 = arith.constant 0 : i32
    %dma_wait3A_247 = arith.constant 0 : i32
    %dma_wait3A_248 = tpu.memref_slice %arg3[%dma_wait3A_246, %dma_wait3A_247] : memref<64x1000000xf32, #tpu.memory_space<hbm>> -> memref<64x128xf32, #tpu.memory_space<hbm>>
    %dma_wait3A_249 = arith.constant 0 : i32
    %dma_wait3A_250 = arith.constant 0 : i32
    %dma_wait3A_251 = tpu.memref_slice %arg6[%dma_wait3A_241, %dma_wait3A_249, %dma_wait3A_250] : memref<8x64x128xf32, #tpu.memory_space<vmem>> -> memref<1x64x128xf32, #tpu.memory_space<vmem>>
    %dma_wait3A_252 = tpu.memref_squeeze %dma_wait3A_251 : memref<1x64x128xf32, #tpu.memory_space<vmem>> -> memref<64x128xf32, #tpu.memory_space<vmem>>
    %dma_wait3A_253 = arith.constant 0 : i32
    %dma_wait3A_254 = arith.constant 0 : i32
    %dma_wait3A_255 = tpu.memref_slice %arg3[%dma_wait3A_253, %dma_wait3A_254] : memref<64x1000000xf32, #tpu.memory_space<hbm>> -> memref<64x128xf32, #tpu.memory_space<hbm>>
    tpu.wait_dma2 semaphore(%arg15 : memref<!tpu.dma_semaphore, #tpu.memory_space<semaphore_mem>>) src(%dma_wait3A_255 : memref<64x128xf32, #tpu.memory_space<hbm>>) dst(%dma_wait3A_252 : memref<64x128xf32, #tpu.memory_space<vmem>>)
    %dma_wait3A_256 = arith.constant 7 : i32
    %dma_wait3A_257 = arith.constant 0 : i32
    %dma_wait3A_258 = arith.constant 0 : i32
    %dma_wait3A_259 = tpu.memref_slice %arg6[%dma_wait3A_256, %dma_wait3A_257, %dma_wait3A_258] : memref<8x64x128xf32, #tpu.memory_space<vmem>> -> memref<1x64x128xf32, #tpu.memory_space<vmem>>
    %dma_wait3A_260 = tpu.memref_squeeze %dma_wait3A_259 : memref<1x64x128xf32, #tpu.memory_space<vmem>> -> memref<64x128xf32, #tpu.memory_space<vmem>>
    %dma_wait3A_261 = arith.constant 0 : i32
    %dma_wait3A_262 = arith.constant 0 : i32
    %dma_wait3A_263 = tpu.memref_slice %arg3[%dma_wait3A_261, %dma_wait3A_262] : memref<64x1000000xf32, #tpu.memory_space<hbm>> -> memref<64x128xf32, #tpu.memory_space<hbm>>
    %dma_wait3A_264 = arith.constant 0 : i32
    %dma_wait3A_265 = arith.constant 0 : i32
    %dma_wait3A_266 = tpu.memref_slice %arg6[%dma_wait3A_256, %dma_wait3A_264, %dma_wait3A_265] : memref<8x64x128xf32, #tpu.memory_space<vmem>> -> memref<1x64x128xf32, #tpu.memory_space<vmem>>
    %dma_wait3A_267 = tpu.memref_squeeze %dma_wait3A_266 : memref<1x64x128xf32, #tpu.memory_space<vmem>> -> memref<64x128xf32, #tpu.memory_space<vmem>>
    %dma_wait3A_268 = arith.constant 0 : i32
    %dma_wait3A_269 = arith.constant 0 : i32
    %dma_wait3A_270 = tpu.memref_slice %arg3[%dma_wait3A_268, %dma_wait3A_269] : memref<64x1000000xf32, #tpu.memory_space<hbm>> -> memref<64x128xf32, #tpu.memory_space<hbm>>
    tpu.wait_dma2 semaphore(%arg16 : memref<!tpu.dma_semaphore, #tpu.memory_space<semaphore_mem>>) src(%dma_wait3A_270 : memref<64x128xf32, #tpu.memory_space<hbm>>) dst(%dma_wait3A_267 : memref<64x128xf32, #tpu.memory_space<vmem>>)
    %add3A_271 = arith.constant 256 : i32
    %add3A_272 = arith.addi %mul3A_2, %add3A_271 : i32
    "tpu.region"() ({
      %run_scoped3A = tpu.sem_alloc : memref<!tpu.dma_semaphore, #tpu.memory_space<semaphore_mem>>
      %dma_start3A_273 = arith.constant 0 : i32
      %dma_start3A_274 = tpu.memref_slice %arg4[%add3A_272, %dma_start3A_273] : memref<16384x64xf32, #tpu.memory_space<hbm>> -> memref<256x64xf32, #tpu.memory_space<hbm>>
      %dma_start3A_275 = arith.constant 0 : i32
      %dma_start3A_276 = tpu.memref_slice %arg4[%add3A_272, %dma_start3A_275] : memref<16384x64xf32, #tpu.memory_space<hbm>> -> memref<256x64xf32, #tpu.memory_space<hbm>>
      tpu.enqueue_dma source(%arg8 : memref<256x64xf32, #tpu.memory_space<vmem>>) target(%dma_start3A_276 : memref<256x64xf32, #tpu.memory_space<hbm>>) target_semaphore(%run_scoped3A : memref<!tpu.dma_semaphore, #tpu.memory_space<semaphore_mem>>)
      %dma_wait3A_277 = arith.constant 0 : i32
      %dma_wait3A_278 = tpu.memref_slice %arg4[%add3A_272, %dma_wait3A_277] : memref<16384x64xf32, #tpu.memory_space<hbm>> -> memref<256x64xf32, #tpu.memory_space<hbm>>
      %dma_wait3A_279 = arith.constant 0 : i32
      %dma_wait3A_280 = tpu.memref_slice %arg4[%add3A_272, %dma_wait3A_279] : memref<16384x64xf32, #tpu.memory_space<hbm>> -> memref<256x64xf32, #tpu.memory_space<hbm>>
      tpu.wait_dma2 semaphore(%run_scoped3A : memref<!tpu.dma_semaphore, #tpu.memory_space<semaphore_mem>>) src(%arg8 : memref<256x64xf32, #tpu.memory_space<vmem>>) dst(%dma_wait3A_280 : memref<256x64xf32, #tpu.memory_space<hbm>>)
      tpu.yield
    }) : () -> ()
    return
  }
}

module attributes {stable_mosaic.version = 14 : i64} {
  func.func @_mm_body(%arg0: i32, %arg1: memref<4096x64xf32, #tpu.memory_space<vmem>>, %arg2: memref<64x40xf32, #tpu.memory_space<vmem>>, %arg3: memref<1x40xf32, #tpu.memory_space<vmem>>, %arg4: memref<4096x40xf32, #tpu.memory_space<vmem>>) attributes {dimension_semantics = [#tpu.dimension_semantics<arbitrary>], iteration_bounds = array<i64: 4>, scalar_prefetch = 0 : i64, scratch_operands = 0 : i64, tpu.core_type = #tpu.core_type<tc>, window_params = [{transform_indices = @transform_0, window_bounds = array<i64: 4096, 64>}, {pipeline_mode = #tpu.pipeline_mode<synchronous>, transform_indices = @transform_1, window_bounds = array<i64: 64, 40>}, {pipeline_mode = #tpu.pipeline_mode<synchronous>, transform_indices = @transform_2, window_bounds = array<i64: 1, 40>}, {transform_indices = @transform_3, window_bounds = array<i64: 4096, 40>}]} {
    %get3A = arith.constant 0 : index
    %get3A_0 = arith.constant 0 : index
    %get3A_1 = vector.load %arg1[%get3A, %get3A_0] : memref<4096x64xf32, #tpu.memory_space<vmem>>, vector<4096x64xf32>
    %get3A_2 = arith.constant 0 : index
    %get3A_3 = arith.constant 0 : index
    %get3A_4 = vector.load %arg2[%get3A_2, %get3A_3] : memref<64x40xf32, #tpu.memory_space<vmem>>, vector<64x40xf32>
    %dot_general3A = arith.constant dense<0.000000e+00> : vector<4096x40xf32>
    %dot_general3A_5 = tpu.matmul %get3A_1, %get3A_4, %dot_general3A {dimension_numbers = #tpu.dot_dimension_numbers<[1], [0], [0], [1], [0, 0, 1, 1], [], []>, transpose_lhs_hint = false} : vector<4096x64xf32>, vector<64x40xf32>, vector<4096x40xf32> -> vector<4096x40xf32>
    %get3A_6 = arith.constant 0 : index
    %get3A_7 = arith.constant 0 : index
    %get3A_8 = vector.load %arg3[%get3A_6, %get3A_7] : memref<1x40xf32, #tpu.memory_space<vmem>>, vector<1x40xf32>
    %add3A = vector.broadcast %get3A_8 : vector<1x40xf32> to vector<4096x40xf32>
    %add3A_9 = arith.addf %dot_general3A_5, %add3A : vector<4096x40xf32>
    %swap3A = arith.constant 0 : index
    %swap3A_10 = arith.constant 0 : index
    %swap3A_11 = vector.load %arg4[%swap3A, %swap3A_10] : memref<4096x40xf32, #tpu.memory_space<vmem>>, vector<4096x40xf32>
    tpu.vector_store %arg4[%swap3A, %swap3A_10], %add3A_9 {strides = array<i32>} : memref<4096x40xf32, #tpu.memory_space<vmem>>, vector<4096x40xf32>,
    return
  }
  func.func @transform_0(%arg0: i32) -> (i32, i32) {
    %c0_i32 = arith.constant 0 : i32
    %c0_i32_0 = arith.constant 0 : i32
    return %arg0, %c0_i32 : i32, i32
  }
  func.func @transform_1(%arg0: i32) -> (i32, i32) {
    %c0_i32 = arith.constant 0 : i32
    %c0_i32_0 = arith.constant 0 : i32
    %c0_i32_1 = arith.constant 0 : i32
    return %c0_i32, %c0_i32_0 : i32, i32
  }
  func.func @transform_2(%arg0: i32) -> (i32, i32) {
    %c0_i32 = arith.constant 0 : i32
    %c0_i32_0 = arith.constant 0 : i32
    %c0_i32_1 = arith.constant 0 : i32
    return %c0_i32, %c0_i32_0 : i32, i32
  }
  func.func @transform_3(%arg0: i32) -> (i32, i32) {
    %c0_i32 = arith.constant 0 : i32
    %c0_i32_0 = arith.constant 0 : i32
    return %arg0, %c0_i32 : i32, i32
  }
}

</mosaic_0001>

<sc_bundles>
// kernel: kernel.4.cloned.1.call-start
scs
__scs_entry_jumppad:
0x0: {  	(pc) =	sbr.rel $0x88, $3  }
0x1: {  	(tag) =	ssettag $0x0;
	lr =	simm.s32 $0x1  }
0x2: {  	[smem:$0x3F9D] =	sst lr;
	_ =	strace $0xD0000000  }
0x3: {  	_ = 	snop  }
0x4: {  	_ = 	snop  }
0x5: {  	_ = 	snop  }
0x6: {  	_ = 	snop  }
0x7: {  	_ = 	snop  }
__scs_overlays_trampoline_lowered:
0x8: {  	[smem:$0x3FAC] =	sst s0  }
0x9: {  	[smem:$0x3FAD] =	sst s1  }
0xa: {  	[smem:$0x3FAE] =	sst s2  }
0xb: {  	[smem:$0x3FAF] =	sst s3  }
0xc: {  	[smem:$0x3FB0] =	sst s4  }
0xd: {  	[smem:$0x3FB1] =	sst s5  }
0xe: {  	[smem:$0x3FB2] =	sst s6  }
0xf: {  	[smem:$0x3FB3] =	sst s7  }
0x10: {  	[smem:$0x3FB4] =	sst s8  }
0x11: {  	[smem:$0x3FB5] =	sst s9;
	s0 =	simm.s32 @!p0 $0x0  }
0x12: {  	s1 =	sld [smem:$0x3F9B];
	s0 =	simm.s32 @p0 $0x1  }
0x13: {  	[smem:$0x3FB6] =	sst s0;
	s0 =	simm.s32 @!p1 $0x0  }
0x14: {  	s2 =	sld [smem:$0x3F9A];
	s0 =	simm.s32 @p1 $0x1  }
0x15: {  	[smem:$0x3FB7] =	sst s0;
	s0 =	simm.s32 @!p2 $0x0  }
0x16: {  	s3 =	sld [smem:$0x3FDB];
	s0 =	simm.s32 @p2 $0x1  }
0x17: {  	s4 =	simm.s32 $0x1BF5;
	[smem:$0x3FB9] =	sst s0  }
0x18: {  	s0 =	sld [smem:$0x3F9C];
	_ =	swait.ge [sflag:s4], $0x0  }
0x19: {  	s7 =	sld [smem:$0x3F9D]  }
0x1a: {  	s8 =	sadd.s32 $0xFFFFE003, lr  }
0x1b: {  	s9 =	sadd.s32 $0xFFFFFEF7, lr;
	s5 =	simm.s32 $0xFFFFFFFF;
	p2 =	slt.u32 s8, $0xFFFFF086  }
0x1c: {  	p1 =	slt.u32 s9, $0xF7A;
	s5 =	simm.s32 @!p2 $0x0  }
0x1d: {  	s5 =	simm.s32 @p1 $0x1;
	p0 =	seq.s32 s7, s2  }
0x1e: {  	s7 =	smul.u32 @!p0 $0xF7A, s2;
	p2 =	seq.s32 @!p0 s5, $0x0  }
0x1f: {  	s9 =	smul.u32 $0xF7A, s1;
	s8 =	simm.s32 @!p0 $0x1BF5;
	p2 =	por !p2, p0  }
0x20: {  	[sflag:s8] =	ssyncset.s32 @!p0 $0xFFFFF086;
	s6 =	sadd.s32 @!p0 s3, s7;
	s7 =	simm.s32 @!p0 $0x108  }
0x21: {  	s3 =	sadd.s32 s3, s9;
	s6 =	sadd.s32 @!p0 $0x88, s6;
	s7 =	simm.s32 @p2 $0x1082  }
0x22: {  	[simem:s7], [sflag:s8] =	dma.local @!p0 [hbm:s6], $0xF7A  }
0x23: {  	s9 =	sor.u32 $0xD0000000, s2;
	s6 =	simm.s32 $0x108;
	_ =	swait.ge @!p0 [sflag:s8], $0x0  }
0x24: {  	s3 =	sadd.s32 $0x88, s3;
	s6 =	simm.s32 @!p1 $0x1082;
	[sflag:s4] =	ssyncset.s32 $0xFFFFF086  }
0x25: {  	[simem:s6], [sflag:s4] =	dma.local [hbm:s3], $0xF7A  }
0x26: {  	[smem:$0x3F9D] =	sst s1;
	(tag) =	ssettag s2;
	_ =	strace s9  }
0x27: {  	s1 =	sld [smem:$0x3FAD]  }
0x28: {  	s2 =	sld [smem:$0x3FAE]  }
0x29: {  	s4 =	sld [smem:$0x3FB0]  }
0x2a: {  	p0 =	seq.s32 s5, $0x0;
	s5 =	sld [smem:$0x3FB1]  }
0x2b: {  	s6 =	sld [smem:$0x3FB2]  }
0x2c: {  	s7 =	sld [smem:$0x3FB3]  }
0x2d: {  	s3 =	simm.s32 $0x108;
	s8 =	sld [smem:$0x3FB4]  }
0x2e: {  	s3 =	simm.s32 @!p0 $0x1082;
	s9 =	sld [smem:$0x3FB5]  }
0x2f: {  	lr =	sadd.s32 s0, s3;
	s0 =	sld [smem:$0x3FAC]  }
0x30: {  	s3 =	sld [smem:$0x3FAF]  }
0x31: {  	[smem:$0x3FB8] =	sst s10  }
0x32: {  	s10 =	sld [smem:$0x3FB6];
	_ =	sdelay $0x3  }
0x33: {  	p0 =	seq.s32 s10, $0x1;
	s10 =	sld [smem:$0x3FB8];
	_ =	sdelay $0x3  }
0x34: {  	[smem:$0x3FB8] =	sst s10  }
0x35: {  	s10 =	sld [smem:$0x3FB7];
	_ =	sdelay $0x3  }
0x36: {  	p1 =	seq.s32 s10, $0x1;
	s10 =	sld [smem:$0x3FB8];
	_ =	sdelay $0x3  }
0x37: {  	[smem:$0x3FB8] =	sst s10  }
0x38: {  	s10 =	sld [smem:$0x3FB9]  }
0x39: {  	_ = 	snop;
	(pc) =	sbr.ind lr, $3  }
0x3a: {  	_ = 	snop  }
0x3b: {  	_ = 	snop  }
0x3c: {  	p2 =	seq.s32 s10, $0x1;
	s10 =	sld [smem:$0x3FB8]  }
0x3d: {  	_ =	shalt  }
0x3e: {  	_ =	shalt  }
0x3f: {  	_ =	shalt  }
0x40: {  	_ =	shalt  }
0x41: {  	_ =	shalt  }
0x42: {  	_ =	shalt  }
0x43: {  	_ =	shalt  }
0x44: {  	_ =	shalt  }
0x45: {  	_ =	shalt  }
0x46: {  	_ =	shalt  }
0x47: {  	_ =	shalt  }
0x48: {  	_ =	shalt  }
0x49: {  	_ =	shalt  }
0x4a: {  	_ =	shalt  }
0x4b: {  	_ =	shalt  }
0x4c: {  	_ =	shalt  }
0x4d: {  	_ =	shalt  }
0x4e: {  	_ =	shalt  }
0x4f: {  	_ =	shalt  }
0x50: {  	_ =	shalt  }
0x51: {  	_ =	shalt  }
0x52: {  	_ =	shalt  }
0x53: {  	_ =	shalt  }
0x54: {  	_ =	shalt  }
0x55: {  	_ =	shalt  }
0x56: {  	_ =	shalt  }
0x57: {  	_ =	shalt  }
0x58: {  	_ =	shalt  }
0x59: {  	_ =	shalt  }
0x5a: {  	_ =	shalt  }
0x5b: {  	_ =	shalt  }
0x5c: {  	_ =	shalt  }
0x5d: {  	_ =	shalt  }
0x5e: {  	_ =	shalt  }
0x5f: {  	_ =	shalt  }
0x60: {  	_ =	shalt  }
0x61: {  	_ =	shalt  }
0x62: {  	_ =	shalt  }
0x63: {  	_ =	shalt  }
0x64: {  	_ =	shalt  }
0x65: {  	_ =	shalt  }
0x66: {  	_ =	shalt  }
0x67: {  	_ =	shalt  }
0x68: {  	_ =	shalt  }
0x69: {  	_ =	shalt  }
0x6a: {  	_ =	shalt  }
0x6b: {  	_ =	shalt  }
0x6c: {  	_ =	shalt  }
0x6d: {  	_ =	shalt  }
0x6e: {  	_ =	shalt  }
0x6f: {  	_ =	shalt  }
0x70: {  	_ =	shalt  }
0x71: {  	_ =	shalt  }
0x72: {  	_ =	shalt  }
0x73: {  	_ =	shalt  }
0x74: {  	_ =	shalt  }
0x75: {  	_ =	shalt  }
0x76: {  	_ =	shalt  }
0x77: {  	_ =	shalt  }
0x78: {  	_ =	shalt  }
0x79: {  	_ =	shalt  }
0x7a: {  	_ =	shalt  }
0x7b: {  	_ =	shalt  }
0x7c: {  	_ =	shalt  }
0x7d: {  	_ =	shalt  }
0x7e: {  	_ =	shalt  }
0x7f: {  	_ =	shalt  }
0x80: {  	_ =	shalt  }
0x81: {  	_ =	shalt  }
0x82: {  	_ =	shalt  }
0x83: {  	_ =	shalt  }
0x84: {  	_ =	shalt  }
0x85: {  	_ =	shalt  }
0x86: {  	_ =	shalt  }
0x87: {  	_ =	shalt  }
.Lfunc_end0:
.L_simem_size_0:
called_computation_lowered:
.L_overlay_start_0:
0x88: {  	s2 =	sld [smem:$0x3FD9]  }
0x89: {  	s3 =	sld [smem:$0x3FFE];
	_ =	sdelay $0x1  }
0x8a: {  	s1 =	srdreg.scid  }
0x8b: {  	s0 =	sand.u32 $0x1, s1  }
0x8c: {  	s17 =	sshll.u32 s0, $0xA;
	s2 =	sadd.s32 s3, s2  }
0x8d: {  	s2 =	sadd.s32 s2, s17  }
0x8e: {  	[smem:$0x3FC4] =	sst s2  }
0x8f: {  	_ = 	snop  }
0x90: {  	s2 =	sld [smem:$0x3FC9]  }
0x91: {  	s18 =	sld [smem:$0x3FC8];
	(tm) =	ssettm $0x1  }
0x92: {  	s4 =	sld [smem:$0x3FFB];
	_ =	sdelay $0x3  }
0x93: {  	_ =	strace s4  }
0x94: {  	s4 =	sld [smem:$0x3FFC];
	_ =	sdelay $0x3  }
0x95: {  	_ =	strace s4  }
0x96: {  	s4 =	sld [smem:$0x3FFD];
	_ =	sdelay $0x3  }
0x97: {  	_ =	strace s4  }
0x98: {  	_ =	strace $0x8FFFFFFF  }
0x99: {  	s19 =	sld [smem:$0x3FDB];
	_ =	sdelay $0x1  }
0x9a: {  	s5 =	simm.s32 $_scs_section_size  }
0x9b: {  	s6 =	simm.s32 $_size__tile_overlayer_lowered;
	s7 =	simm.s32 $_tile_overlayer_lowered  }
0x9c: {  	s22 =	simm.s32 $0x1BFF;
	s21 =	sshll.u32 s7, $0x1;
	s4 =	sadd.s32 s5, s19  }
0x9d: {  	s8 =	simm.s32 $0x0;
	s20 =	sshll.u32 s6, $0x1;
	s6 =	sadd.s32 s21, s4  }
0x9e: {  	[timem:s8], [sflag:s22] =	dma.local [hbm:s6], s20  }
0x9f: {  	_ =	swait.ge [sflag:s22], s20  }
0xa0: {  	s5 =	ssub.s32 $0x0, s20;
	[sflag:s22] =	ssyncset.done $0x0  }
0xa1: {  	[sflag:s22] =	ssyncadd.s32 s5;
	_ =	sdelay $0x1  }
0xa2: {  	s23 =	simm.s32 $0x1B8B  }
0xa3: {  	_ =	swait.ge [sflag:s23], $0x1  }
0xa4: {  	[sflag:s23] =	ssyncset.done $0x0  }
0xa5: {  	s25 =	simm.s32 $0x1B8E;
	s24 =	sld [smem:$0x3FFE];
	[sflag:s23] =	ssyncadd.s32 $0xFFFFFFFF  }
0xa6: {  	s26 =	simm.s32 $execute0_lowered;
	[smem:$0x3FD2] =	sst s25  }
0xa7: {  	s6 =	sshll.u32 s26, $0x1;
	_ =	strace $0x80000046;
	[dreg:$0x1] =	wrdreg $0xFFFFFFFF  }
0xa8: {  	s28 =	simm.s32 $_size_execute0_lowered;
	s4 =	sadd.s32 s4, s6;
	[dreg:$0x0] =	wrdreg $0x0  }
0xa9: {  	s6 =	sshll.u32 s28, $0x1;
	[dreg:$0x2] =	wrdreg s4  }
0xaa: {  	[dreg:$0x3] =	wrdreg s6  }
0xab: {  	[dreg:$0x4] =	wrdreg $0xC0  }
0xac: {  	_ =	task [dreg:s8], $0x5FFFF  }
0xad: {  	[dreg:$0x1] =	wrdreg $0xFFFFFFFF  }
0xae: {  	[dreg:$0x0] =	wrdreg $0x60  }
0xaf: {  	[dreg:$0x2] =	wrdreg s2  }
0xb0: {  	[dreg:$0x3] =	wrdreg s18  }
0xb1: {  	[dreg:$0x4] =	wrdreg s24  }
0xb2: {  	[dreg:$0x5] =	wrdreg $0x9  }
0xb3: {  	_ =	task.clear_ibuf [dreg:s8], $0x6FFFF;
	_ =	strace $0x90000046  }
0xb4: {  	s29 =	simm.s32 $0x9;
	_ =	strace $0x80000048  }
0xb5: {  	_ =	swait.ge [sflag:s29], $0x1  }
0xb6: {  	[sflag:s29] =	ssyncadd.s32 $0xFFFFFFFF  }
0xb7: {  	_ =	strace $0x90000048  }
0xb8: {  	_ =	sfence  }
0xb9: {  	s30 =	sld [smem:$0x0];
	_ =	sdelay $0x2  }
0xba: {  	s31 =	sshll.u32 s1, $0xD;
	s1 =	sshrl.u32 s1, $0x2  }
0xbb: {  	s3 =	sand.u32 $0x4000, s31;
	s1 =	sadd.s32 s1, s30  }
0xbc: {  	s0 =	sor.u32 s3, s0;
	s1 =	sshll.u32 s1, $0x11  }
0xbd: {  	s0 =	sor.u32 s1, s0  }
0xbe: {  	s0 =	sadd.s32 $0x8F2B, s0  }
0xbf: {  	[sflag:s0] =	ssyncadd.remote.s32 $0x1  }
0xc0: {  	_ =	sfence.sel $0xFFFF  }
0xc1: {  	[dreg:$0x0] =	wrdreg $0xFFFFFFFF;
	(pc) =	sbr.abs _section_cstart, $3  }
0xc2: {  	[dreg:$0x1] =	wrdreg $0xFFFFFFFF  }
0xc3: {  	_ =	task.clear_ibuf [dreg:s8], $0x2FFFF;
	_ =	strace $0x9FFFFFFF  }
0xc4: {  	(tm) =	ssettm $0x7FFFFFFF  }
0xc5: {  	_ =	shalt  }
tec
execute0_lowered:
.L_overlay_start_1:
0x0: {  	(tag) =	ssettag $0x1  }
0x1: {  	s0 =	rddreg [dreg:$0x0]  }
0x2: {  	s1 =	srdreg.scid;
	s2 =	rddreg [dreg:$0x1]  }
0x3: {  	s4 =	stileid.u32;
	s3 =	rddreg [dreg:$0x2];
	s31 =	simm.s32 $0x0  }
0x4: {  	s8 =	simm.s32 $0x9;
	s9 =	simm.s32 $0x400;
	s10 =	simm.s32 $0x7A1400  }
0x5: {  	s11 =	simm.s32 $0x10200;
	s12 =	simm.s32 $0x200;
	s13 =	simm.s32 $0x2200  }
0x6: {  	s14 =	simm.s32 $0x4200;
	s15 =	simm.s32 $0x6200;
	s16 =	simm.s32 $0x8200  }
0x7: {  	s17 =	simm.s32 $0xA200;
	s18 =	simm.s32 $0xC200;
	s19 =	simm.s32 $0xE200  }
0x8: {  	s20 =	simm.s32 $0x1;
	s21 =	simm.s32 $0x12200;
	s22 =	simm.s32 $0x2  }
0x9: {  	s23 =	simm.s32 $0x3;
	s24 =	simm.s32 $0x4;
	s28 =	simm.s32 $0x7  }
0xa: {  	s29 =	simm.s32 $0x8;
	s30 =	simm.s32 $0x0;
	s1 =	sand.u32 $0x1, s1  }
0xb: {  	s4 =	sshll.u32 s4, $0xA;
	[smem:$0x7FF] =	sst s31;
	s26 =	sadd.s32 $0xF4200, s2  }
0xc: {  	s5 =	sshll.u32 s1, $0x9;
	s1 =	ssub.s32 $0x2, s1;
	_ =	strace $0x80000047  }
0xd: {  	[dreg:$0x6] =	wrdreg s26;
	s26 =	simm.s32 $0x6;
	s4 =	sor.u32 s5, s4  }
0xe: {  	v0 =	vlaneseq.u32;
	s25 =	sshrl.u32 s1, $0x1;
	s5 =	sshll.u32 s4, $0x4;
	s4 =	sshrl.u32 s4, $0x3  }
0xf: {  	v2 =	vimm.s32 $0x0;
	v1 =	vmul.u32 $0x80, v0;
	s1 =	ssub.s32 s1, s25;
	s3 =	sadd.s32 s5, s3;
	s0 =	sadd.s32 s0, s4  }
0x10: {  	v4 =	vor.u32 $0x10, v0;
	v6 =	vor.u32 $0x20, v0;
	v8 =	vor.u32 $0x30, v0;
	s25 =	simm.s32 $0x5;
	s6 =	sadd.s32 $0xA00, s3;
	[dreg:$0x5] =	wrdreg s0  }
0x11: {  	v3 =	vor.u32 $0x800, v1;
	v5 =	vor.u32 $0x1000, v1;
	v7 =	vor.u32 $0x1800, v1;
	s7 =	smax.u32 s1, $0x1;
	[dreg:$0x4] =	wrdreg s6;
	s6 =	sadd.s32 $0x1A00, s3  }
.LBB2_1:
0x12: {  	s0 =	rddreg [dreg:$0x5]  }
0x13: {  	[tilespmem:s31], [sflag:$0x9] =	stream.linear.gather [hbm4b:s0+s31], $0x200, $0x38;
	[tilespmem:$0x1A200] =	vst v63  }
0x14: {  	_ =	swait.ge [sflag:s8], $0x200  }
0x15: {  	[sflag:s8] =	ssyncset.done $0x0  }
0x16: {  	s5 =	rddreg [dreg:$0x6];
	[sflag:s8] =	ssyncadd.s32 $0xFFFFFE00  }
0x17: {  	[tilespmem:s11], [sflag:$0x9] =	stream.strided.gather [hbm4b:s5+s9], $0x2000, s10, s9, $0x38;
	[tilespmem:$0x1A200] =	vst v63  }
0x18: {  	_ =	swait.ge [sflag:s8], $0x2000  }
0x19: {  	[sflag:s8] =	ssyncset.done $0x0  }
0x1a: {  	[sflag:s8] =	ssyncadd.s32 $0xFFFFE000  }
0x1b: {  	v9 =	vld [tilespmem:$0x0];
	_ =	sdelay $0x4  }
0x1c: {  	v9 =	vand.u32 $0xFFFFFF80, v9  }
0x1d: {  	vm0 =	vlt.s32 v9, $0xF4180  }
0x1e: {  	v9 =	vnsel vm0, $0xF4180, v9  }
0x1f: {  	v9 =	vadd.s32 s2, v9  }
0x20: {  	(v2sf) =	vpush v9, $0x0;
	_ =	sdelay $0x1  }
0x21: {  	(v2sf) =	vpush v9, $0x1;
	_ =	sdelay $0x1  }
0x22: {  	(v2sf) =	vpush v9, $0x2;
	_ =	sdelay $0x1  }
0x23: {  	(v2sf) =	vpush v9, $0x3;
	_ =	sdelay $0x1  }
0x24: {  	(v2sf) =	vpush v9, $0x4;
	_ =	sdelay $0x1  }
0x25: {  	(v2sf) =	vpush v9, $0x5;
	_ =	sdelay $0x1  }
0x26: {  	(v2sf) =	vpush v9, $0x6;
	_ =	sdelay $0x1  }
0x27: {  	(v2sf) =	vpush v9, $0x7  }
0x28: {  	s1 =	spop (v2sf)  }
0x29: {  	[tilespmem:s12], [sflag:$0x1] =	stream.strided.gather [hbm4b:s1+s9], $0x2000, s10, s9, $0x38;
	[tilespmem:$0x1A200] =	vst v63  }
0x2a: {  	s3 =	spop (v2sf)  }
0x2b: {  	[tilespmem:s13], [sflag:$0x2] =	stream.strided.gather [hbm4b:s3+s9], $0x2000, s10, s9, $0x38;
	[tilespmem:$0x1A200] =	vst v63  }
0x2c: {  	s4 =	spop (v2sf)  }
0x2d: {  	[tilespmem:s14], [sflag:$0x3] =	stream.strided.gather [hbm4b:s4+s9], $0x2000, s10, s9, $0x38;
	[tilespmem:$0x1A200] =	vst v63  }
0x2e: {  	s5 =	spop (v2sf)  }
0x2f: {  	[tilespmem:s15], [sflag:$0x4] =	stream.strided.gather [hbm4b:s5+s9], $0x2000, s10, s9, $0x38;
	[tilespmem:$0x1A200] =	vst v63  }
0x30: {  	s1 =	spop (v2sf)  }
0x31: {  	[tilespmem:s16], [sflag:$0x5] =	stream.strided.gather [hbm4b:s1+s9], $0x2000, s10, s9, $0x38;
	[tilespmem:$0x1A200] =	vst v63  }
0x32: {  	s3 =	spop (v2sf)  }
0x33: {  	[tilespmem:s17], [sflag:$0x6] =	stream.strided.gather [hbm4b:s3+s9], $0x2000, s10, s9, $0x38;
	[tilespmem:$0x1A200] =	vst v63  }
0x34: {  	s31 =	simm.s32 $0x0;
	s4 =	spop (v2sf)  }
0x35: {  	[tilespmem:s18], [sflag:$0x7] =	stream.strided.gather [hbm4b:s4+s9], $0x2000, s10, s9, $0x38;
	[tilespmem:$0x1A200] =	vst v63  }
0x36: {  	s0 =	simm.s32 $0x0;
	s5 =	spop (v2sf);
	s1 =	simm.s32 $0x1  }
0x37: {  	[tilespmem:s19], [sflag:$0x8] =	stream.strided.gather [hbm4b:s5+s9], $0x2000, s10, s9, $0x38;
	[tilespmem:$0x1A200] =	vst v63  }
.LBB2_2:
0x38: {  	p0 =	sne.s32 s1, $0x11  }
0x39: {  	s3 =	rddreg [dreg:$0x4];
	s4 =	simm.s32 @!p0 $0x0;
	s5 =	simm.s32 @!p0 $0x12200  }
0x3a: {  	[hbm4b:s3+s4] =	stream.linear.scatter @!p0 [tilespmem:s5], [sflag:$0x9], $0x8000, $0x38;
	[tilespmem:$0x1A200] =	vst v63  }
0x3b: {  	s3 =	simm.s32 @!p0 $0x9  }
0x3c: {  	_ =	swait.ge @!p0 [sflag:s3], $0x8000  }
0x3d: {  	[sflag:s3] =	ssyncset.done @!p0 $0x0  }
0x3e: {  	[sflag:s3] =	ssyncadd.s32 @!p0 $0xFFFF8000  }
0x3f: {  	v12 =	vld [tilespmem:s31+$0x0];
	_ =	sdelay $0x4  }
0x40: {  	v9 =	vand.u32 $0x7F, v12  }
0x41: {  	v13 =	vbroadcast v9, $0x0;
	_ =	sdelay $0x1  }
0x42: {  	s5 =	smin.u32 s1, $0x1F;
	v14 =	vor.u32 v1, v13  }
0x43: {  	s3 =	sshll.u32 s5, $0x4  }
0x44: {  	v11 =	vld [tilespmem:s3+$0x0];
	_ =	swait.ge [sflag:s20], $0x2000  }
0x45: {  	[sflag:s20] =	ssyncset.done $0x0  }
0x46: {  	[sflag:s20] =	ssyncadd.s32 $0xFFFFE000  }
0x47: {  	vm0 =	vgt.s32 v12, $0xF41FF;
	v15 =	vld.idx.msk [tilespmem:v14+s12+$0x0], $0xffff  }
0x48: {  	v10 =	vsel vm0, $0x3F800000, v2;
	v14 =	vld.idx.msk [tilespmem:v14+s11+$0x0], $0xffff  }
0x49: {  	v16 =	vbroadcast v10, $0x0  }
0x4a: {  	s4 =	sshll.u32 s0, $0x7  }
0x4b: {  	s3 =	sand.u32 $0x7800, s4;
	v17 =	vsub.f32 $1.000000000e+00, v16  }
0x4c: {  	v18 =	vor.u32 s3, v0  }
0x4d: {  	v19 =	vor.u32 v3, v13;
	v15 =	vmul.f32 v15, v17;
	v14 =	vmul.f32 v14, v16;
	_ =	sdelay $0x1  }
0x4e: {  	v14 =	vadd.f32 v14, v15;
	_ =	sdelay $0x1  }
0x4f: {  	[tilespmem:v18+s21+$0x0] =	vst.idx.msk $0xffff, v14  }
0x50: {  	v14 =	vld.idx.msk [tilespmem:v19+s12+$0x0], $0xffff  }
0x51: {  	v37 =	vld.idx.msk [tilespmem:v19+s11+$0x0], $0xffff;
	_ =	sdelay $0x3  }
0x52: {  	v38 =	vor.u32 s3, v4  }
0x53: {  	v39 =	vor.u32 v5, v13;
	v14 =	vmul.f32 v14, v17;
	v15 =	vmul.f32 v37, v16;
	_ =	sdelay $0x1  }
0x54: {  	v14 =	vadd.f32 v15, v14;
	_ =	sdelay $0x1  }
0x55: {  	[tilespmem:v38+s21+$0x0] =	vst.idx.msk $0xffff, v14  }
0x56: {  	v14 =	vld.idx.msk [tilespmem:v39+s12+$0x0], $0xffff  }
0x57: {  	v40 =	vld.idx.msk [tilespmem:v39+s11+$0x0], $0xffff  }
0x58: {  	v12 =	vand.u32 $0xFFFFFF80, v12  }
0x59: {  	vm1 =	vlt.s32 v12, $0xF4180  }
0x5a: {  	v12 =	vnsel vm1, $0xF4180, v12  }
0x5b: {  	v41 =	vor.u32 s3, v6;
	v12 =	vadd.s32 s2, v12;
	v13 =	vor.u32 v7, v13  }
0x5c: {  	(v2sf) =	vpush v12, $0x8;
	v14 =	vmul.f32 v14, v17;
	v15 =	vmul.f32 v40, v16;
	_ =	sdelay $0x1  }
0x5d: {  	v14 =	vadd.f32 v15, v14;
	_ =	sdelay $0x1  }
0x5e: {  	[tilespmem:v41+s21+$0x0] =	vst.idx.msk $0xffff, v14  }
0x5f: {  	v14 =	vld.idx.msk [tilespmem:v13+s12+$0x0], $0xffff  }
0x60: {  	v13 =	vld.idx.msk [tilespmem:v13+s11+$0x0], $0xffff;
	_ =	sdelay $0x3  }
0x61: {  	v42 =	vor.u32 s3, v8  }
0x62: {  	v14 =	vmul.f32 v14, v17;
	v13 =	vmul.f32 v13, v16;
	_ =	sdelay $0x1  }
0x63: {  	v43 =	vbroadcast v9, $0x1;
	v13 =	vadd.f32 v13, v14;
	_ =	sdelay $0x1  }
0x64: {  	v44 =	vor.u32 v1, v43;
	s5 =	spop (v2sf);
	[tilespmem:v42+s21+$0x0] =	vst.idx.msk $0xffff, v13  }
0x65: {  	[tilespmem:s12], [sflag:$0x1] =	stream.strided.gather [hbm4b:s5+s9], $0x2000, s10, s9, $0x38;
	[tilespmem:$0x1A200] =	vst v63  }
0x66: {  	_ =	swait.ge [sflag:s22], $0x2000  }
0x67: {  	[sflag:s22] =	ssyncset.done $0x0  }
0x68: {  	[sflag:s22] =	ssyncadd.s32 $0xFFFFE000  }
0x69: {  	v45 =	vld.idx.msk [tilespmem:v44+s13+$0x0], $0xffff  }
0x6a: {  	v13 =	vld.idx.msk [tilespmem:v44+s11+$0x0], $0xffff  }
0x6b: {  	v46 =	vbroadcast v10, $0x1;
	_ =	sdelay $0x1  }
0x6c: {  	v47 =	vsub.f32 $1.000000000e+00, v46;
	s5 =	sor.u32 $0x80, s3  }
0x6d: {  	v48 =	vor.u32 s5, v0  }
0x6e: {  	v49 =	vor.u32 v3, v43;
	v15 =	vmul.f32 v45, v47;
	v13 =	vmul.f32 v13, v46;
	_ =	sdelay $0x1  }
0x6f: {  	v13 =	vadd.f32 v13, v15;
	_ =	sdelay $0x1  }
0x70: {  	[tilespmem:v48+s21+$0x0] =	vst.idx.msk $0xffff, v13  }
0x71: {  	v13 =	vld.idx.msk [tilespmem:v49+s13+$0x0], $0xffff  }
0x72: {  	v50 =	vld.idx.msk [tilespmem:v49+s11+$0x0], $0xffff;
	_ =	sdelay $0x3  }
0x73: {  	v51 =	vor.u32 s5, v4  }
0x74: {  	v52 =	vor.u32 v5, v43;
	v13 =	vmul.f32 v13, v47;
	v15 =	vmul.f32 v50, v46;
	_ =	sdelay $0x1  }
0x75: {  	v13 =	vadd.f32 v15, v13;
	_ =	sdelay $0x1  }
0x76: {  	[tilespmem:v51+s21+$0x0] =	vst.idx.msk $0xffff, v13  }
0x77: {  	v13 =	vld.idx.msk [tilespmem:v52+s13+$0x0], $0xffff  }
0x78: {  	v53 =	vld.idx.msk [tilespmem:v52+s11+$0x0], $0xffff;
	_ =	sdelay $0x3  }
0x79: {  	v14 =	vor.u32 v7, v43;
	v54 =	vor.u32 s5, v6  }
0x7a: {  	(v2sf) =	vpush v12, $0x9;
	v13 =	vmul.f32 v13, v47;
	v15 =	vmul.f32 v53, v46;
	_ =	sdelay $0x1  }
0x7b: {  	v13 =	vadd.f32 v15, v13;
	_ =	sdelay $0x1  }
0x7c: {  	[tilespmem:v54+s21+$0x0] =	vst.idx.msk $0xffff, v13  }
0x7d: {  	v13 =	vld.idx.msk [tilespmem:v14+s13+$0x0], $0xffff  }
0x7e: {  	v14 =	vld.idx.msk [tilespmem:v14+s11+$0x0], $0xffff;
	_ =	sdelay $0x3  }
0x7f: {  	v55 =	vor.u32 s5, v8  }
0x80: {  	v13 =	vmul.f32 v13, v47;
	v14 =	vmul.f32 v14, v46;
	_ =	sdelay $0x1  }
0x81: {  	v56 =	vbroadcast v9, $0x2;
	v13 =	vadd.f32 v14, v13;
	_ =	sdelay $0x1  }
0x82: {  	v57 =	vor.u32 v1, v56;
	s5 =	spop (v2sf);
	[tilespmem:v55+s21+$0x0] =	vst.idx.msk $0xffff, v13  }
0x83: {  	[tilespmem:s13], [sflag:$0x2] =	stream.strided.gather [hbm4b:s5+s9], $0x2000, s10, s9, $0x38;
	[tilespmem:$0x1A200] =	vst v63  }
0x84: {  	_ =	swait.ge [sflag:s23], $0x2000  }
0x85: {  	[sflag:s23] =	ssyncset.done $0x0  }
0x86: {  	[sflag:s23] =	ssyncadd.s32 $0xFFFFE000  }
0x87: {  	v58 =	vld.idx.msk [tilespmem:v57+s14+$0x0], $0xffff  }
0x88: {  	v13 =	vld.idx.msk [tilespmem:v57+s11+$0x0], $0xffff  }
0x89: {  	v59 =	vbroadcast v10, $0x2;
	_ =	sdelay $0x1  }
0x8a: {  	v60 =	vsub.f32 $1.000000000e+00, v59;
	s5 =	sor.u32 $0x100, s3  }
0x8b: {  	v61 =	vor.u32 s5, v0  }
0x8c: {  	v62 =	vor.u32 v3, v56;
	v15 =	vmul.f32 v58, v60;
	v13 =	vmul.f32 v13, v59;
	_ =	sdelay $0x1  }
0x8d: {  	v13 =	vadd.f32 v13, v15;
	_ =	sdelay $0x1  }
0x8e: {  	[tilespmem:v61+s21+$0x0] =	vst.idx.msk $0xffff, v13  }
0x8f: {  	v13 =	vld.idx.msk [tilespmem:v62+s14+$0x0], $0xffff  }
0x90: {  	v63 =	vld.idx.msk [tilespmem:v62+s11+$0x0], $0xffff;
	_ =	sdelay $0x3  }
0x91: {  	v21 =	vor.u32 s5, v4  }
0x92: {  	v22 =	vor.u32 v5, v56;
	v13 =	vmul.f32 v13, v60;
	v15 =	vmul.f32 v63, v59;
	_ =	sdelay $0x1  }
0x93: {  	v13 =	vadd.f32 v15, v13;
	_ =	sdelay $0x1  }
0x94: {  	[tilespmem:v21+s21+$0x0] =	vst.idx.msk $0xffff, v13  }
0x95: {  	v13 =	vld.idx.msk [tilespmem:v22+s14+$0x0], $0xffff  }
0x96: {  	v23 =	vld.idx.msk [tilespmem:v22+s11+$0x0], $0xffff;
	_ =	sdelay $0x3  }
0x97: {  	v14 =	vor.u32 v7, v56;
	v24 =	vor.u32 s5, v6  }
0x98: {  	(v2sf) =	vpush v12, $0xA;
	v13 =	vmul.f32 v13, v60;
	v15 =	vmul.f32 v23, v59;
	_ =	sdelay $0x1  }
0x99: {  	v13 =	vadd.f32 v15, v13;
	_ =	sdelay $0x1  }
0x9a: {  	[tilespmem:v24+s21+$0x0] =	vst.idx.msk $0xffff, v13  }
0x9b: {  	v13 =	vld.idx.msk [tilespmem:v14+s14+$0x0], $0xffff  }
0x9c: {  	v14 =	vld.idx.msk [tilespmem:v14+s11+$0x0], $0xffff;
	_ =	sdelay $0x3  }
0x9d: {  	v25 =	vor.u32 s5, v8  }
0x9e: {  	v13 =	vmul.f32 v13, v60;
	v14 =	vmul.f32 v14, v59;
	_ =	sdelay $0x1  }
0x9f: {  	v26 =	vbroadcast v9, $0x3;
	v13 =	vadd.f32 v14, v13;
	_ =	sdelay $0x1  }
0xa0: {  	v27 =	vor.u32 v1, v26;
	s5 =	spop (v2sf);
	[tilespmem:v25+s21+$0x0] =	vst.idx.msk $0xffff, v13  }
0xa1: {  	[tilespmem:s14], [sflag:$0x3] =	stream.strided.gather [hbm4b:s5+s9], $0x2000, s10, s9, $0x38;
	[tilespmem:$0x1A200] =	vst v63  }
0xa2: {  	_ =	swait.ge [sflag:s24], $0x2000  }
0xa3: {  	[sflag:s24] =	ssyncset.done $0x0  }
0xa4: {  	[sflag:s24] =	ssyncadd.s32 $0xFFFFE000  }
0xa5: {  	v28 =	vld.idx.msk [tilespmem:v27+s15+$0x0], $0xffff  }
0xa6: {  	v13 =	vld.idx.msk [tilespmem:v27+s11+$0x0], $0xffff  }
0xa7: {  	v29 =	vbroadcast v10, $0x3;
	_ =	sdelay $0x1  }
0xa8: {  	v30 =	vsub.f32 $1.000000000e+00, v29;
	s5 =	sor.u32 $0x180, s3  }
0xa9: {  	v31 =	vor.u32 s5, v0  }
0xaa: {  	v32 =	vor.u32 v3, v26;
	v15 =	vmul.f32 v28, v30;
	v13 =	vmul.f32 v13, v29;
	_ =	sdelay $0x1  }
0xab: {  	v13 =	vadd.f32 v13, v15;
	_ =	sdelay $0x1  }
0xac: {  	[tilespmem:v31+s21+$0x0] =	vst.idx.msk $0xffff, v13  }
0xad: {  	v13 =	vld.idx.msk [tilespmem:v32+s15+$0x0], $0xffff  }
0xae: {  	v33 =	vld.idx.msk [tilespmem:v32+s11+$0x0], $0xffff;
	_ =	sdelay $0x3  }
0xaf: {  	v34 =	vor.u32 s5, v4  }
0xb0: {  	v35 =	vor.u32 v5, v26;
	v13 =	vmul.f32 v13, v30;
	v15 =	vmul.f32 v33, v29;
	_ =	sdelay $0x1  }
0xb1: {  	v13 =	vadd.f32 v15, v13;
	_ =	sdelay $0x1  }
0xb2: {  	[tilespmem:v34+s21+$0x0] =	vst.idx.msk $0xffff, v13  }
0xb3: {  	v13 =	vld.idx.msk [tilespmem:v35+s15+$0x0], $0xffff  }
0xb4: {  	v36 =	vld.idx.msk [tilespmem:v35+s11+$0x0], $0xffff;
	_ =	sdelay $0x3  }
0xb5: {  	v14 =	vor.u32 v7, v26;
	v37 =	vor.u32 s5, v6  }
0xb6: {  	(v2sf) =	vpush v12, $0xB;
	v13 =	vmul.f32 v13, v30;
	v15 =	vmul.f32 v36, v29;
	_ =	sdelay $0x1  }
0xb7: {  	v13 =	vadd.f32 v15, v13;
	_ =	sdelay $0x1  }
0xb8: {  	[tilespmem:v37+s21+$0x0] =	vst.idx.msk $0xffff, v13  }
0xb9: {  	v13 =	vld.idx.msk [tilespmem:v14+s15+$0x0], $0xffff  }
0xba: {  	v14 =	vld.idx.msk [tilespmem:v14+s11+$0x0], $0xffff;
	_ =	sdelay $0x3  }
0xbb: {  	v38 =	vor.u32 s5, v8  }
0xbc: {  	v13 =	vmul.f32 v13, v30;
	v14 =	vmul.f32 v14, v29;
	_ =	sdelay $0x1  }
0xbd: {  	v39 =	vbroadcast v9, $0x4;
	v13 =	vadd.f32 v14, v13;
	_ =	sdelay $0x1  }
0xbe: {  	v40 =	vor.u32 v1, v39;
	s5 =	spop (v2sf);
	[tilespmem:v38+s21+$0x0] =	vst.idx.msk $0xffff, v13  }
0xbf: {  	[tilespmem:s15], [sflag:$0x4] =	stream.strided.gather [hbm4b:s5+s9], $0x2000, s10, s9, $0x38;
	[tilespmem:$0x1A200] =	vst v63  }
0xc0: {  	_ =	swait.ge [sflag:s25], $0x2000  }
0xc1: {  	[sflag:s25] =	ssyncset.done $0x0  }
0xc2: {  	[sflag:s25] =	ssyncadd.s32 $0xFFFFE000  }
0xc3: {  	v41 =	vld.idx.msk [tilespmem:v40+s16+$0x0], $0xffff  }
0xc4: {  	v13 =	vld.idx.msk [tilespmem:v40+s11+$0x0], $0xffff  }
0xc5: {  	v42 =	vbroadcast v10, $0x4;
	_ =	sdelay $0x1  }
0xc6: {  	v43 =	vsub.f32 $1.000000000e+00, v42;
	s5 =	sor.u32 $0x200, s3  }
0xc7: {  	v44 =	vor.u32 s5, v0  }
0xc8: {  	v45 =	vor.u32 v3, v39;
	v15 =	vmul.f32 v41, v43;
	v13 =	vmul.f32 v13, v42;
	_ =	sdelay $0x1  }
0xc9: {  	v13 =	vadd.f32 v13, v15;
	_ =	sdelay $0x1  }
0xca: {  	[tilespmem:v44+s21+$0x0] =	vst.idx.msk $0xffff, v13  }
0xcb: {  	v13 =	vld.idx.msk [tilespmem:v45+s16+$0x0], $0xffff  }
0xcc: {  	v46 =	vld.idx.msk [tilespmem:v45+s11+$0x0], $0xffff;
	_ =	sdelay $0x3  }
0xcd: {  	v47 =	vor.u32 s5, v4  }
0xce: {  	v48 =	vor.u32 v5, v39;
	v13 =	vmul.f32 v13, v43;
	v15 =	vmul.f32 v46, v42;
	_ =	sdelay $0x1  }
0xcf: {  	v13 =	vadd.f32 v15, v13;
	_ =	sdelay $0x1  }
0xd0: {  	[tilespmem:v47+s21+$0x0] =	vst.idx.msk $0xffff, v13  }
0xd1: {  	v13 =	vld.idx.msk [tilespmem:v48+s16+$0x0], $0xffff  }
0xd2: {  	v49 =	vld.idx.msk [tilespmem:v48+s11+$0x0], $0xffff;
	_ =	sdelay $0x3  }
0xd3: {  	v14 =	vor.u32 v7, v39;
	v50 =	vor.u32 s5, v6  }
0xd4: {  	(v2sf) =	vpush v12, $0xC;
	v13 =	vmul.f32 v13, v43;
	v15 =	vmul.f32 v49, v42;
	_ =	sdelay $0x1  }
0xd5: {  	v13 =	vadd.f32 v15, v13;
	_ =	sdelay $0x1  }
0xd6: {  	[tilespmem:v50+s21+$0x0] =	vst.idx.msk $0xffff, v13  }
0xd7: {  	v13 =	vld.idx.msk [tilespmem:v14+s16+$0x0], $0xffff  }
0xd8: {  	v14 =	vld.idx.msk [tilespmem:v14+s11+$0x0], $0xffff;
	_ =	sdelay $0x3  }
0xd9: {  	v51 =	vor.u32 s5, v8  }
0xda: {  	v13 =	vmul.f32 v13, v43;
	v14 =	vmul.f32 v14, v42;
	_ =	sdelay $0x1  }
0xdb: {  	v52 =	vbroadcast v9, $0x5;
	v13 =	vadd.f32 v14, v13;
	_ =	sdelay $0x1  }
0xdc: {  	v53 =	vor.u32 v1, v52;
	s5 =	spop (v2sf);
	[tilespmem:v51+s21+$0x0] =	vst.idx.msk $0xffff, v13  }
0xdd: {  	[tilespmem:s16], [sflag:$0x5] =	stream.strided.gather [hbm4b:s5+s9], $0x2000, s10, s9, $0x38;
	[tilespmem:$0x1A200] =	vst v63  }
0xde: {  	_ =	swait.ge [sflag:s26], $0x2000  }
0xdf: {  	[sflag:s26] =	ssyncset.done $0x0  }
0xe0: {  	[sflag:s26] =	ssyncadd.s32 $0xFFFFE000  }
0xe1: {  	v54 =	vld.idx.msk [tilespmem:v53+s17+$0x0], $0xffff  }
0xe2: {  	v13 =	vld.idx.msk [tilespmem:v53+s11+$0x0], $0xffff  }
0xe3: {  	v55 =	vbroadcast v10, $0x5;
	_ =	sdelay $0x1  }
0xe4: {  	v56 =	vsub.f32 $1.000000000e+00, v55;
	s5 =	sor.u32 $0x280, s3  }
0xe5: {  	v57 =	vor.u32 s5, v0  }
0xe6: {  	v58 =	vor.u32 v3, v52;
	v15 =	vmul.f32 v54, v56;
	v13 =	vmul.f32 v13, v55;
	_ =	sdelay $0x1  }
0xe7: {  	v13 =	vadd.f32 v13, v15;
	_ =	sdelay $0x1  }
0xe8: {  	[tilespmem:v57+s21+$0x0] =	vst.idx.msk $0xffff, v13  }
0xe9: {  	v13 =	vld.idx.msk [tilespmem:v58+s17+$0x0], $0xffff  }
0xea: {  	v59 =	vld.idx.msk [tilespmem:v58+s11+$0x0], $0xffff;
	_ =	sdelay $0x3  }
0xeb: {  	v60 =	vor.u32 s5, v4  }
0xec: {  	v61 =	vor.u32 v5, v52;
	v13 =	vmul.f32 v13, v56;
	v15 =	vmul.f32 v59, v55;
	_ =	sdelay $0x1  }
0xed: {  	v13 =	vadd.f32 v15, v13;
	_ =	sdelay $0x1  }
0xee: {  	[tilespmem:v60+s21+$0x0] =	vst.idx.msk $0xffff, v13  }
0xef: {  	v13 =	vld.idx.msk [tilespmem:v61+s17+$0x0], $0xffff  }
0xf0: {  	v62 =	vld.idx.msk [tilespmem:v61+s11+$0x0], $0xffff;
	_ =	sdelay $0x3  }
0xf1: {  	v14 =	vor.u32 v7, v52;
	v63 =	vor.u32 s5, v6  }
0xf2: {  	(v2sf) =	vpush v12, $0xD;
	v13 =	vmul.f32 v13, v56;
	v15 =	vmul.f32 v62, v55;
	_ =	sdelay $0x1  }
0xf3: {  	v13 =	vadd.f32 v15, v13;
	_ =	sdelay $0x1  }
0xf4: {  	[tilespmem:v63+s21+$0x0] =	vst.idx.msk $0xffff, v13  }
0xf5: {  	v13 =	vld.idx.msk [tilespmem:v14+s17+$0x0], $0xffff  }
0xf6: {  	v14 =	vld.idx.msk [tilespmem:v14+s11+$0x0], $0xffff;
	_ =	sdelay $0x3  }
0xf7: {  	v21 =	vor.u32 s5, v8  }
0xf8: {  	v13 =	vmul.f32 v13, v56;
	v14 =	vmul.f32 v14, v55;
	_ =	sdelay $0x1  }
0xf9: {  	v22 =	vbroadcast v9, $0x6;
	v13 =	vadd.f32 v14, v13;
	_ =	sdelay $0x1  }
0xfa: {  	v23 =	vor.u32 v1, v22;
	s5 =	spop (v2sf);
	[tilespmem:v21+s21+$0x0] =	vst.idx.msk $0xffff, v13  }
0xfb: {  	[tilespmem:s17], [sflag:$0x6] =	stream.strided.gather [hbm4b:s5+s9], $0x2000, s10, s9, $0x38;
	[tilespmem:$0x1A200] =	vst v63  }
0xfc: {  	_ =	swait.ge [sflag:s28], $0x2000  }
0xfd: {  	[sflag:s28] =	ssyncset.done $0x0  }
0xfe: {  	[sflag:s28] =	ssyncadd.s32 $0xFFFFE000  }
0xff: {  	v24 =	vld.idx.msk [tilespmem:v23+s18+$0x0], $0xffff  }
0x100: {  	v13 =	vld.idx.msk [tilespmem:v23+s11+$0x0], $0xffff  }
0x101: {  	v25 =	vbroadcast v10, $0x6;
	_ =	sdelay $0x1  }
0x102: {  	v26 =	vsub.f32 $1.000000000e+00, v25;
	s5 =	sor.u32 $0x300, s3  }
0x103: {  	v27 =	vor.u32 s5, v0  }
0x104: {  	v28 =	vor.u32 v3, v22;
	v15 =	vmul.f32 v24, v26;
	v13 =	vmul.f32 v13, v25;
	_ =	sdelay $0x1  }
0x105: {  	v13 =	vadd.f32 v13, v15;
	_ =	sdelay $0x1  }
0x106: {  	[tilespmem:v27+s21+$0x0] =	vst.idx.msk $0xffff, v13  }
0x107: {  	v13 =	vld.idx.msk [tilespmem:v28+s18+$0x0], $0xffff  }
0x108: {  	v29 =	vld.idx.msk [tilespmem:v28+s11+$0x0], $0xffff;
	_ =	sdelay $0x3  }
0x109: {  	v30 =	vor.u32 s5, v4  }
0x10a: {  	v31 =	vor.u32 v5, v22;
	v13 =	vmul.f32 v13, v26;
	v15 =	vmul.f32 v29, v25;
	_ =	sdelay $0x1  }
0x10b: {  	v13 =	vadd.f32 v15, v13;
	_ =	sdelay $0x1  }
0x10c: {  	[tilespmem:v30+s21+$0x0] =	vst.idx.msk $0xffff, v13  }
0x10d: {  	v13 =	vld.idx.msk [tilespmem:v31+s18+$0x0], $0xffff  }
0x10e: {  	v32 =	vld.idx.msk [tilespmem:v31+s11+$0x0], $0xffff;
	_ =	sdelay $0x3  }
0x10f: {  	v14 =	vor.u32 v7, v22;
	v33 =	vor.u32 s5, v6  }
0x110: {  	(v2sf) =	vpush v12, $0xE;
	v13 =	vmul.f32 v13, v26;
	v15 =	vmul.f32 v32, v25;
	_ =	sdelay $0x1  }
0x111: {  	v13 =	vadd.f32 v15, v13;
	_ =	sdelay $0x1  }
0x112: {  	[tilespmem:v33+s21+$0x0] =	vst.idx.msk $0xffff, v13  }
0x113: {  	v13 =	vld.idx.msk [tilespmem:v14+s18+$0x0], $0xffff  }
0x114: {  	v14 =	vld.idx.msk [tilespmem:v14+s11+$0x0], $0xffff;
	_ =	sdelay $0x3  }
0x115: {  	v34 =	vor.u32 s5, v8  }
0x116: {  	v13 =	vmul.f32 v13, v26;
	v14 =	vmul.f32 v14, v25;
	_ =	sdelay $0x1  }
0x117: {  	v35 =	vbroadcast v9, $0x7;
	v13 =	vadd.f32 v14, v13;
	_ =	sdelay $0x1  }
0x118: {  	v36 =	vor.u32 v1, v35;
	s5 =	spop (v2sf);
	[tilespmem:v34+s21+$0x0] =	vst.idx.msk $0xffff, v13  }
0x119: {  	[tilespmem:s18], [sflag:$0x7] =	stream.strided.gather [hbm4b:s5+s9], $0x2000, s10, s9, $0x38;
	[tilespmem:$0x1A200] =	vst v63  }
0x11a: {  	_ =	swait.ge [sflag:s29], $0x2000  }
0x11b: {  	[sflag:s29] =	ssyncset.done $0x0  }
0x11c: {  	[sflag:s29] =	ssyncadd.s32 $0xFFFFE000  }
0x11d: {  	v37 =	vld.idx.msk [tilespmem:v36+s19+$0x0], $0xffff  }
0x11e: {  	v13 =	vld.idx.msk [tilespmem:v36+s11+$0x0], $0xffff  }
0x11f: {  	v38 =	vbroadcast v10, $0x7;
	_ =	sdelay $0x1  }
0x120: {  	v39 =	vsub.f32 $1.000000000e+00, v38;
	s5 =	sor.u32 $0x380, s3  }
0x121: {  	v40 =	vor.u32 s5, v0  }
0x122: {  	v41 =	vor.u32 v3, v35;
	v15 =	vmul.f32 v37, v39;
	v13 =	vmul.f32 v13, v38;
	_ =	sdelay $0x1  }
0x123: {  	v13 =	vadd.f32 v13, v15;
	_ =	sdelay $0x1  }
0x124: {  	[tilespmem:v40+s21+$0x0] =	vst.idx.msk $0xffff, v13  }
0x125: {  	v13 =	vld.idx.msk [tilespmem:v41+s19+$0x0], $0xffff  }
0x126: {  	v42 =	vld.idx.msk [tilespmem:v41+s11+$0x0], $0xffff;
	_ =	sdelay $0x3  }
0x127: {  	v43 =	vor.u32 s5, v4  }
0x128: {  	v44 =	vor.u32 v5, v35;
	v13 =	vmul.f32 v13, v39;
	v15 =	vmul.f32 v42, v38;
	_ =	sdelay $0x1  }
0x129: {  	v13 =	vadd.f32 v15, v13;
	_ =	sdelay $0x1  }
0x12a: {  	[tilespmem:v43+s21+$0x0] =	vst.idx.msk $0xffff, v13  }
0x12b: {  	v13 =	vld.idx.msk [tilespmem:v44+s19+$0x0], $0xffff  }
0x12c: {  	v45 =	vld.idx.msk [tilespmem:v44+s11+$0x0], $0xffff;
	_ =	sdelay $0x3  }
0x12d: {  	v14 =	vor.u32 v7, v35;
	v46 =	vor.u32 s5, v6  }
0x12e: {  	(v2sf) =	vpush v12, $0xF;
	v13 =	vmul.f32 v13, v39;
	v15 =	vmul.f32 v45, v38;
	_ =	sdelay $0x1  }
0x12f: {  	v47 =	vadd.f32 v15, v13;
	_ =	sdelay $0x1  }
0x130: {  	[tilespmem:v46+s21+$0x0] =	vst.idx.msk $0xffff, v47  }
0x131: {  	v12 =	vld.idx.msk [tilespmem:v14+s19+$0x0], $0xffff  }
0x132: {  	v48 =	vld.idx.msk [tilespmem:v14+s11+$0x0], $0xffff;
	_ =	sdelay $0x3  }
0x133: {  	v49 =	vor.u32 s5, v8  }
0x134: {  	v12 =	vmul.f32 v12, v39;
	v13 =	vmul.f32 v48, v38;
	_ =	sdelay $0x1  }
0x135: {  	v50 =	vbroadcast v9, $0x8;
	v12 =	vadd.f32 v13, v12;
	_ =	sdelay $0x1  }
0x136: {  	v51 =	vor.u32 v1, v50;
	s5 =	spop (v2sf);
	[tilespmem:v49+s21+$0x0] =	vst.idx.msk $0xffff, v12  }
0x137: {  	[tilespmem:s19], [sflag:$0x8] =	stream.strided.gather [hbm4b:s5+s9], $0x2000, s10, s9, $0x38;
	[tilespmem:$0x1A200] =	vst v63  }
0x138: {  	_ =	swait.ge [sflag:s20], $0x2000  }
0x139: {  	[sflag:s20] =	ssyncset.done $0x0  }
0x13a: {  	[sflag:s20] =	ssyncadd.s32 $0xFFFFE000  }
0x13b: {  	v52 =	vld.idx.msk [tilespmem:v51+s12+$0x0], $0xffff  }
0x13c: {  	v12 =	vld.idx.msk [tilespmem:v51+s11+$0x0], $0xffff  }
0x13d: {  	v53 =	vbroadcast v10, $0x8;
	_ =	sdelay $0x1  }
0x13e: {  	v54 =	vsub.f32 $1.000000000e+00, v53;
	s5 =	sor.u32 $0x400, s3  }
0x13f: {  	v55 =	vor.u32 s5, v0  }
0x140: {  	v56 =	vor.u32 v3, v50;
	v14 =	vmul.f32 v52, v54;
	v12 =	vmul.f32 v12, v53;
	_ =	sdelay $0x1  }
0x141: {  	v12 =	vadd.f32 v12, v14;
	_ =	sdelay $0x1  }
0x142: {  	[tilespmem:v55+s21+$0x0] =	vst.idx.msk $0xffff, v12  }
0x143: {  	v12 =	vld.idx.msk [tilespmem:v56+s12+$0x0], $0xffff  }
0x144: {  	v57 =	vld.idx.msk [tilespmem:v56+s11+$0x0], $0xffff;
	_ =	sdelay $0x3  }
0x145: {  	v58 =	vor.u32 s5, v4  }
0x146: {  	v59 =	vor.u32 v5, v50;
	v12 =	vmul.f32 v12, v54;
	v14 =	vmul.f32 v57, v53;
	_ =	sdelay $0x1  }
0x147: {  	v12 =	vadd.f32 v14, v12;
	_ =	sdelay $0x1  }
0x148: {  	[tilespmem:v58+s21+$0x0] =	vst.idx.msk $0xffff, v12  }
0x149: {  	v12 =	vld.idx.msk [tilespmem:v59+s12+$0x0], $0xffff  }
0x14a: {  	v60 =	vld.idx.msk [tilespmem:v59+s11+$0x0], $0xffff  }
0x14b: {  	v11 =	vand.u32 $0xFFFFFF80, v11  }
0x14c: {  	vm15 =	vlt.s32 v11, $0xF4180  }
0x14d: {  	v11 =	vnsel vm15, $0xF4180, v11  }
0x14e: {  	v11 =	vadd.s32 s2, v11;
	v13 =	vor.u32 v7, v50;
	v61 =	vor.u32 s5, v6  }
0x14f: {  	(v2sf) =	vpush v11, $0x0;
	v12 =	vmul.f32 v12, v54;
	v14 =	vmul.f32 v60, v53;
	_ =	sdelay $0x1  }
0x150: {  	v12 =	vadd.f32 v14, v12;
	_ =	sdelay $0x1  }
0x151: {  	[tilespmem:v61+s21+$0x0] =	vst.idx.msk $0xffff, v12  }
0x152: {  	v12 =	vld.idx.msk [tilespmem:v13+s12+$0x0], $0xffff  }
0x153: {  	v13 =	vld.idx.msk [tilespmem:v13+s11+$0x0], $0xffff;
	_ =	sdelay $0x3  }
0x154: {  	v62 =	vor.u32 s5, v8  }
0x155: {  	v12 =	vmul.f32 v12, v54;
	v13 =	vmul.f32 v13, v53;
	_ =	sdelay $0x1  }
0x156: {  	v63 =	vbroadcast v9, $0x9;
	v12 =	vadd.f32 v13, v12;
	_ =	sdelay $0x1  }
0x157: {  	v21 =	vor.u32 v1, v63;
	s5 =	spop (v2sf);
	[tilespmem:v62+s21+$0x0] =	vst.idx.msk $0xffff, v12  }
0x158: {  	[tilespmem:s12], [sflag:$0x1] =	stream.strided.gather [hbm4b:s5+s9], $0x2000, s10, s9, $0x38;
	[tilespmem:$0x1A200] =	vst v63  }
0x159: {  	_ =	swait.ge [sflag:s22], $0x2000  }
0x15a: {  	[sflag:s22] =	ssyncset.done $0x0  }
0x15b: {  	[sflag:s22] =	ssyncadd.s32 $0xFFFFE000  }
0x15c: {  	v22 =	vld.idx.msk [tilespmem:v21+s13+$0x0], $0xffff  }
0x15d: {  	v12 =	vld.idx.msk [tilespmem:v21+s11+$0x0], $0xffff  }
0x15e: {  	v23 =	vbroadcast v10, $0x9;
	_ =	sdelay $0x1  }
0x15f: {  	v24 =	vsub.f32 $1.000000000e+00, v23;
	s5 =	sor.u32 $0x480, s3  }
0x160: {  	v25 =	vor.u32 s5, v0  }
0x161: {  	v26 =	vor.u32 v3, v63;
	v14 =	vmul.f32 v22, v24;
	v12 =	vmul.f32 v12, v23;
	_ =	sdelay $0x1  }
0x162: {  	v12 =	vadd.f32 v12, v14;
	_ =	sdelay $0x1  }
0x163: {  	[tilespmem:v25+s21+$0x0] =	vst.idx.msk $0xffff, v12  }
0x164: {  	v12 =	vld.idx.msk [tilespmem:v26+s13+$0x0], $0xffff  }
0x165: {  	v27 =	vld.idx.msk [tilespmem:v26+s11+$0x0], $0xffff;
	_ =	sdelay $0x3  }
0x166: {  	v28 =	vor.u32 s5, v4  }
0x167: {  	v29 =	vor.u32 v5, v63;
	v12 =	vmul.f32 v12, v24;
	v14 =	vmul.f32 v27, v23;
	_ =	sdelay $0x1  }
0x168: {  	v12 =	vadd.f32 v14, v12;
	_ =	sdelay $0x1  }
0x169: {  	[tilespmem:v28+s21+$0x0] =	vst.idx.msk $0xffff, v12  }
0x16a: {  	v12 =	vld.idx.msk [tilespmem:v29+s13+$0x0], $0xffff  }
0x16b: {  	v30 =	vld.idx.msk [tilespmem:v29+s11+$0x0], $0xffff;
	_ =	sdelay $0x3  }
0x16c: {  	v13 =	vor.u32 v7, v63;
	v31 =	vor.u32 s5, v6  }
0x16d: {  	(v2sf) =	vpush v11, $0x1;
	v12 =	vmul.f32 v12, v24;
	v14 =	vmul.f32 v30, v23;
	_ =	sdelay $0x1  }
0x16e: {  	v12 =	vadd.f32 v14, v12;
	_ =	sdelay $0x1  }
0x16f: {  	[tilespmem:v31+s21+$0x0] =	vst.idx.msk $0xffff, v12  }
0x170: {  	v12 =	vld.idx.msk [tilespmem:v13+s13+$0x0], $0xffff  }
0x171: {  	v13 =	vld.idx.msk [tilespmem:v13+s11+$0x0], $0xffff;
	_ =	sdelay $0x3  }
0x172: {  	v32 =	vor.u32 s5, v8  }
0x173: {  	v12 =	vmul.f32 v12, v24;
	v13 =	vmul.f32 v13, v23;
	_ =	sdelay $0x1  }
0x174: {  	v33 =	vbroadcast v9, $0xA;
	v12 =	vadd.f32 v13, v12;
	_ =	sdelay $0x1  }
0x175: {  	v34 =	vor.u32 v1, v33;
	s5 =	spop (v2sf);
	[tilespmem:v32+s21+$0x0] =	vst.idx.msk $0xffff, v12  }
0x176: {  	[tilespmem:s13], [sflag:$0x2] =	stream.strided.gather [hbm4b:s5+s9], $0x2000, s10, s9, $0x38;
	[tilespmem:$0x1A200] =	vst v63  }
0x177: {  	_ =	swait.ge [sflag:s23], $0x2000  }
0x178: {  	[sflag:s23] =	ssyncset.done $0x0  }
0x179: {  	[sflag:s23] =	ssyncadd.s32 $0xFFFFE000  }
0x17a: {  	v35 =	vld.idx.msk [tilespmem:v34+s14+$0x0], $0xffff  }
0x17b: {  	v12 =	vld.idx.msk [tilespmem:v34+s11+$0x0], $0xffff  }
0x17c: {  	v36 =	vbroadcast v10, $0xA;
	_ =	sdelay $0x1  }
0x17d: {  	v37 =	vsub.f32 $1.000000000e+00, v36;
	s5 =	sor.u32 $0x500, s3  }
0x17e: {  	v38 =	vor.u32 s5, v0  }
0x17f: {  	v39 =	vor.u32 v3, v33;
	v14 =	vmul.f32 v35, v37;
	v12 =	vmul.f32 v12, v36;
	_ =	sdelay $0x1  }
0x180: {  	v12 =	vadd.f32 v12, v14;
	_ =	sdelay $0x1  }
0x181: {  	[tilespmem:v38+s21+$0x0] =	vst.idx.msk $0xffff, v12  }
0x182: {  	v12 =	vld.idx.msk [tilespmem:v39+s14+$0x0], $0xffff  }
0x183: {  	v40 =	vld.idx.msk [tilespmem:v39+s11+$0x0], $0xffff;
	_ =	sdelay $0x3  }
0x184: {  	v41 =	vor.u32 s5, v4  }
0x185: {  	v42 =	vor.u32 v5, v33;
	v12 =	vmul.f32 v12, v37;
	v14 =	vmul.f32 v40, v36;
	_ =	sdelay $0x1  }
0x186: {  	v12 =	vadd.f32 v14, v12;
	_ =	sdelay $0x1  }
0x187: {  	[tilespmem:v41+s21+$0x0] =	vst.idx.msk $0xffff, v12  }
0x188: {  	v12 =	vld.idx.msk [tilespmem:v42+s14+$0x0], $0xffff  }
0x189: {  	v43 =	vld.idx.msk [tilespmem:v42+s11+$0x0], $0xffff;
	_ =	sdelay $0x3  }
0x18a: {  	v13 =	vor.u32 v7, v33;
	v44 =	vor.u32 s5, v6  }
0x18b: {  	(v2sf) =	vpush v11, $0x2;
	v12 =	vmul.f32 v12, v37;
	v14 =	vmul.f32 v43, v36;
	_ =	sdelay $0x1  }
0x18c: {  	v12 =	vadd.f32 v14, v12;
	_ =	sdelay $0x1  }
0x18d: {  	[tilespmem:v44+s21+$0x0] =	vst.idx.msk $0xffff, v12  }
0x18e: {  	v12 =	vld.idx.msk [tilespmem:v13+s14+$0x0], $0xffff  }
0x18f: {  	v13 =	vld.idx.msk [tilespmem:v13+s11+$0x0], $0xffff;
	_ =	sdelay $0x3  }
0x190: {  	v45 =	vor.u32 s5, v8  }
0x191: {  	v12 =	vmul.f32 v12, v37;
	v13 =	vmul.f32 v13, v36;
	_ =	sdelay $0x1  }
0x192: {  	v46 =	vbroadcast v9, $0xB;
	v12 =	vadd.f32 v13, v12;
	_ =	sdelay $0x1  }
0x193: {  	v47 =	vor.u32 v1, v46;
	s5 =	spop (v2sf);
	[tilespmem:v45+s21+$0x0] =	vst.idx.msk $0xffff, v12  }
0x194: {  	[tilespmem:s14], [sflag:$0x3] =	stream.strided.gather [hbm4b:s5+s9], $0x2000, s10, s9, $0x38;
	[tilespmem:$0x1A200] =	vst v63  }
0x195: {  	_ =	swait.ge [sflag:s24], $0x2000  }
0x196: {  	[sflag:s24] =	ssyncset.done $0x0  }
0x197: {  	[sflag:s24] =	ssyncadd.s32 $0xFFFFE000  }
0x198: {  	v48 =	vld.idx.msk [tilespmem:v47+s15+$0x0], $0xffff  }
0x199: {  	v12 =	vld.idx.msk [tilespmem:v47+s11+$0x0], $0xffff  }
0x19a: {  	v49 =	vbroadcast v10, $0xB;
	_ =	sdelay $0x1  }
0x19b: {  	v50 =	vsub.f32 $1.000000000e+00, v49;
	s5 =	sor.u32 $0x580, s3  }
0x19c: {  	v51 =	vor.u32 s5, v0  }
0x19d: {  	v52 =	vor.u32 v3, v46;
	v14 =	vmul.f32 v48, v50;
	v12 =	vmul.f32 v12, v49;
	_ =	sdelay $0x1  }
0x19e: {  	v12 =	vadd.f32 v12, v14;
	_ =	sdelay $0x1  }
0x19f: {  	[tilespmem:v51+s21+$0x0] =	vst.idx.msk $0xffff, v12  }
0x1a0: {  	v12 =	vld.idx.msk [tilespmem:v52+s15+$0x0], $0xffff  }
0x1a1: {  	v53 =	vld.idx.msk [tilespmem:v52+s11+$0x0], $0xffff;
	_ =	sdelay $0x3  }
0x1a2: {  	v54 =	vor.u32 s5, v4  }
0x1a3: {  	v55 =	vor.u32 v5, v46;
	v12 =	vmul.f32 v12, v50;
	v14 =	vmul.f32 v53, v49;
	_ =	sdelay $0x1  }
0x1a4: {  	v12 =	vadd.f32 v14, v12;
	_ =	sdelay $0x1  }
0x1a5: {  	[tilespmem:v54+s21+$0x0] =	vst.idx.msk $0xffff, v12  }
0x1a6: {  	v12 =	vld.idx.msk [tilespmem:v55+s15+$0x0], $0xffff  }
0x1a7: {  	v56 =	vld.idx.msk [tilespmem:v55+s11+$0x0], $0xffff;
	_ =	sdelay $0x3  }
0x1a8: {  	v13 =	vor.u32 v7, v46;
	v57 =	vor.u32 s5, v6  }
0x1a9: {  	(v2sf) =	vpush v11, $0x3;
	v12 =	vmul.f32 v12, v50;
	v14 =	vmul.f32 v56, v49;
	_ =	sdelay $0x1  }
0x1aa: {  	v12 =	vadd.f32 v14, v12;
	_ =	sdelay $0x1  }
0x1ab: {  	[tilespmem:v57+s21+$0x0] =	vst.idx.msk $0xffff, v12  }
0x1ac: {  	v12 =	vld.idx.msk [tilespmem:v13+s15+$0x0], $0xffff  }
0x1ad: {  	v13 =	vld.idx.msk [tilespmem:v13+s11+$0x0], $0xffff;
	_ =	sdelay $0x3  }
0x1ae: {  	v58 =	vor.u32 s5, v8  }
0x1af: {  	v12 =	vmul.f32 v12, v50;
	v13 =	vmul.f32 v13, v49;
	_ =	sdelay $0x1  }
0x1b0: {  	v59 =	vbroadcast v9, $0xC;
	v12 =	vadd.f32 v13, v12;
	_ =	sdelay $0x1  }
0x1b1: {  	v60 =	vor.u32 v1, v59;
	s5 =	spop (v2sf);
	[tilespmem:v58+s21+$0x0] =	vst.idx.msk $0xffff, v12  }
0x1b2: {  	[tilespmem:s15], [sflag:$0x4] =	stream.strided.gather [hbm4b:s5+s9], $0x2000, s10, s9, $0x38;
	[tilespmem:$0x1A200] =	vst v63  }
0x1b3: {  	_ =	swait.ge [sflag:s25], $0x2000  }
0x1b4: {  	[sflag:s25] =	ssyncset.done $0x0  }
0x1b5: {  	[sflag:s25] =	ssyncadd.s32 $0xFFFFE000  }
0x1b6: {  	v61 =	vld.idx.msk [tilespmem:v60+s16+$0x0], $0xffff  }
0x1b7: {  	v12 =	vld.idx.msk [tilespmem:v60+s11+$0x0], $0xffff  }
0x1b8: {  	v62 =	vbroadcast v10, $0xC;
	_ =	sdelay $0x1  }
0x1b9: {  	v63 =	vsub.f32 $1.000000000e+00, v62;
	s5 =	sor.u32 $0x600, s3  }
0x1ba: {  	v21 =	vor.u32 s5, v0  }
0x1bb: {  	v22 =	vor.u32 v3, v59;
	v14 =	vmul.f32 v61, v63;
	v12 =	vmul.f32 v12, v62;
	_ =	sdelay $0x1  }
0x1bc: {  	v12 =	vadd.f32 v12, v14;
	_ =	sdelay $0x1  }
0x1bd: {  	[tilespmem:v21+s21+$0x0] =	vst.idx.msk $0xffff, v12  }
0x1be: {  	v12 =	vld.idx.msk [tilespmem:v22+s16+$0x0], $0xffff  }
0x1bf: {  	v23 =	vld.idx.msk [tilespmem:v22+s11+$0x0], $0xffff;
	_ =	sdelay $0x3  }
0x1c0: {  	v24 =	vor.u32 s5, v4  }
0x1c1: {  	v25 =	vor.u32 v5, v59;
	v12 =	vmul.f32 v12, v63;
	v14 =	vmul.f32 v23, v62;
	_ =	sdelay $0x1  }
0x1c2: {  	v12 =	vadd.f32 v14, v12;
	_ =	sdelay $0x1  }
0x1c3: {  	[tilespmem:v24+s21+$0x0] =	vst.idx.msk $0xffff, v12  }
0x1c4: {  	v12 =	vld.idx.msk [tilespmem:v25+s16+$0x0], $0xffff  }
0x1c5: {  	v26 =	vld.idx.msk [tilespmem:v25+s11+$0x0], $0xffff;
	_ =	sdelay $0x3  }
0x1c6: {  	v13 =	vor.u32 v7, v59;
	v27 =	vor.u32 s5, v6  }
0x1c7: {  	(v2sf) =	vpush v11, $0x4;
	v12 =	vmul.f32 v12, v63;
	v14 =	vmul.f32 v26, v62;
	_ =	sdelay $0x1  }
0x1c8: {  	v12 =	vadd.f32 v14, v12;
	_ =	sdelay $0x1  }
0x1c9: {  	[tilespmem:v27+s21+$0x0] =	vst.idx.msk $0xffff, v12  }
0x1ca: {  	v12 =	vld.idx.msk [tilespmem:v13+s16+$0x0], $0xffff  }
0x1cb: {  	v13 =	vld.idx.msk [tilespmem:v13+s11+$0x0], $0xffff;
	_ =	sdelay $0x3  }
0x1cc: {  	v28 =	vor.u32 s5, v8  }
0x1cd: {  	v12 =	vmul.f32 v12, v63;
	v13 =	vmul.f32 v13, v62;
	_ =	sdelay $0x1  }
0x1ce: {  	v29 =	vbroadcast v9, $0xD;
	v12 =	vadd.f32 v13, v12;
	_ =	sdelay $0x1  }
0x1cf: {  	v30 =	vor.u32 v1, v29;
	s5 =	spop (v2sf);
	[tilespmem:v28+s21+$0x0] =	vst.idx.msk $0xffff, v12  }
0x1d0: {  	[tilespmem:s16], [sflag:$0x5] =	stream.strided.gather [hbm4b:s5+s9], $0x2000, s10, s9, $0x38;
	[tilespmem:$0x1A200] =	vst v63  }
0x1d1: {  	_ =	swait.ge [sflag:s26], $0x2000  }
0x1d2: {  	[sflag:s26] =	ssyncset.done $0x0  }
0x1d3: {  	[sflag:s26] =	ssyncadd.s32 $0xFFFFE000  }
0x1d4: {  	v31 =	vld.idx.msk [tilespmem:v30+s17+$0x0], $0xffff  }
0x1d5: {  	v12 =	vld.idx.msk [tilespmem:v30+s11+$0x0], $0xffff  }
0x1d6: {  	v32 =	vbroadcast v10, $0xD;
	_ =	sdelay $0x1  }
0x1d7: {  	v33 =	vsub.f32 $1.000000000e+00, v32;
	s5 =	sor.u32 $0x680, s3  }
0x1d8: {  	v34 =	vor.u32 s5, v0  }
0x1d9: {  	v35 =	vor.u32 v3, v29;
	v14 =	vmul.f32 v31, v33;
	v12 =	vmul.f32 v12, v32;
	_ =	sdelay $0x1  }
0x1da: {  	v12 =	vadd.f32 v12, v14;
	_ =	sdelay $0x1  }
0x1db: {  	[tilespmem:v34+s21+$0x0] =	vst.idx.msk $0xffff, v12  }
0x1dc: {  	v12 =	vld.idx.msk [tilespmem:v35+s17+$0x0], $0xffff  }
0x1dd: {  	v36 =	vld.idx.msk [tilespmem:v35+s11+$0x0], $0xffff;
	_ =	sdelay $0x3  }
0x1de: {  	v37 =	vor.u32 s5, v4  }
0x1df: {  	v38 =	vor.u32 v5, v29;
	v12 =	vmul.f32 v12, v33;
	v14 =	vmul.f32 v36, v32;
	_ =	sdelay $0x1  }
0x1e0: {  	v12 =	vadd.f32 v14, v12;
	_ =	sdelay $0x1  }
0x1e1: {  	[tilespmem:v37+s21+$0x0] =	vst.idx.msk $0xffff, v12  }
0x1e2: {  	v12 =	vld.idx.msk [tilespmem:v38+s17+$0x0], $0xffff  }
0x1e3: {  	v39 =	vld.idx.msk [tilespmem:v38+s11+$0x0], $0xffff;
	_ =	sdelay $0x3  }
0x1e4: {  	v13 =	vor.u32 v7, v29;
	v40 =	vor.u32 s5, v6  }
0x1e5: {  	(v2sf) =	vpush v11, $0x5;
	v12 =	vmul.f32 v12, v33;
	v14 =	vmul.f32 v39, v32;
	_ =	sdelay $0x1  }
0x1e6: {  	v12 =	vadd.f32 v14, v12;
	_ =	sdelay $0x1  }
0x1e7: {  	[tilespmem:v40+s21+$0x0] =	vst.idx.msk $0xffff, v12  }
0x1e8: {  	v12 =	vld.idx.msk [tilespmem:v13+s17+$0x0], $0xffff  }
0x1e9: {  	v13 =	vld.idx.msk [tilespmem:v13+s11+$0x0], $0xffff;
	_ =	sdelay $0x3  }
0x1ea: {  	v41 =	vor.u32 s5, v8  }
0x1eb: {  	v12 =	vmul.f32 v12, v33;
	v13 =	vmul.f32 v13, v32;
	_ =	sdelay $0x1  }
0x1ec: {  	v42 =	vbroadcast v9, $0xE;
	v12 =	vadd.f32 v13, v12;
	_ =	sdelay $0x1  }
0x1ed: {  	v43 =	vor.u32 v1, v42;
	s5 =	spop (v2sf);
	[tilespmem:v41+s21+$0x0] =	vst.idx.msk $0xffff, v12  }
0x1ee: {  	[tilespmem:s17], [sflag:$0x6] =	stream.strided.gather [hbm4b:s5+s9], $0x2000, s10, s9, $0x38;
	[tilespmem:$0x1A200] =	vst v63  }
0x1ef: {  	_ =	swait.ge [sflag:s28], $0x2000  }
0x1f0: {  	[sflag:s28] =	ssyncset.done $0x0  }
0x1f1: {  	[sflag:s28] =	ssyncadd.s32 $0xFFFFE000  }
0x1f2: {  	v44 =	vld.idx.msk [tilespmem:v43+s18+$0x0], $0xffff  }
0x1f3: {  	v12 =	vld.idx.msk [tilespmem:v43+s11+$0x0], $0xffff  }
0x1f4: {  	v10 =	vbroadcast v10, $0xE;
	_ =	sdelay $0x1  }
0x1f5: {  	v45 =	vsub.f32 $1.000000000e+00, v10;
	s5 =	sor.u32 $0x700, s3  }
0x1f6: {  	v46 =	vor.u32 s5, v0  }
0x1f7: {  	v47 =	vor.u32 v3, v42;
	v14 =	vmul.f32 v44, v45;
	v12 =	vmul.f32 v12, v10;
	_ =	sdelay $0x1  }
0x1f8: {  	v12 =	vadd.f32 v12, v14;
	_ =	sdelay $0x1  }
0x1f9: {  	[tilespmem:v46+s21+$0x0] =	vst.idx.msk $0xffff, v12  }
0x1fa: {  	v12 =	vld.idx.msk [tilespmem:v47+s18+$0x0], $0xffff  }
0x1fb: {  	v48 =	vld.idx.msk [tilespmem:v47+s11+$0x0], $0xffff;
	_ =	sdelay $0x3  }
0x1fc: {  	v49 =	vor.u32 s5, v4  }
0x1fd: {  	v50 =	vor.u32 v5, v42;
	v12 =	vmul.f32 v12, v45;
	v14 =	vmul.f32 v48, v10;
	_ =	sdelay $0x1  }
0x1fe: {  	v12 =	vadd.f32 v14, v12;
	_ =	sdelay $0x1  }
0x1ff: {  	[tilespmem:v49+s21+$0x0] =	vst.idx.msk $0xffff, v12  }
0x200: {  	v12 =	vld.idx.msk [tilespmem:v50+s18+$0x0], $0xffff  }
0x201: {  	v51 =	vld.idx.msk [tilespmem:v50+s11+$0x0], $0xffff;
	_ =	sdelay $0x3  }
0x202: {  	v13 =	vor.u32 v7, v42;
	v52 =	vor.u32 s5, v6  }
0x203: {  	(v2sf) =	vpush v11, $0x6;
	v12 =	vmul.f32 v12, v45;
	v14 =	vmul.f32 v51, v10;
	_ =	sdelay $0x1  }
0x204: {  	v12 =	vadd.f32 v14, v12;
	_ =	sdelay $0x1  }
0x205: {  	[tilespmem:v52+s21+$0x0] =	vst.idx.msk $0xffff, v12  }
0x206: {  	v12 =	vld.idx.msk [tilespmem:v13+s18+$0x0], $0xffff  }
0x207: {  	v13 =	vld.idx.msk [tilespmem:v13+s11+$0x0], $0xffff;
	_ =	sdelay $0x3  }
0x208: {  	v53 =	vor.u32 s5, v8  }
0x209: {  	v12 =	vmul.f32 v12, v45;
	v10 =	vmul.f32 v13, v10;
	_ =	sdelay $0x1  }
0x20a: {  	v10 =	vadd.f32 v10, v12;
	_ =	sdelay $0x1  }
0x20b: {  	s5 =	spop (v2sf);
	[tilespmem:v53+s21+$0x0] =	vst.idx.msk $0xffff, v10  }
0x20c: {  	[tilespmem:s18], [sflag:$0x7] =	stream.strided.gather [hbm4b:s5+s9], $0x2000, s10, s9, $0x38;
	[tilespmem:$0x1A200] =	vst v63  }
0x20d: {  	v10 =	vsel vm0, $0x1, v2;
	_ =	swait.ge [sflag:s29], $0x2000  }
0x20e: {  	(v2sf) =	vpush v10, $0xF;
	_ =	sdelay $0xb  }
0x20f: {  	v9 =	vbroadcast v9, $0xF;
	_ =	sdelay $0x1  }
0x210: {  	v10 =	vor.u32 v1, v9  }
0x211: {  	s5 =	spop (v2sf)  }
0x212: {  	s4 =	simm.s32 $0x1;
	p0 =	sne.s32 s5, $0x0  }
0x213: {  	[sflag:s29] =	ssyncset.done $0x0;
	s4 =	simm.s32 @!p0 $0x0  }
0x214: {  	[sflag:s29] =	ssyncadd.s32 $0xFFFFE000;
	v54 =	vmov s4  }
0x215: {  	v55 =	vld.idx.msk [tilespmem:v10+s19+$0x0], $0xffff;
	v12 =	vcvt.s32.f32 v54  }
0x216: {  	v10 =	vld.idx.msk [tilespmem:v10+s11+$0x0], $0xffff  }
0x217: {  	v12 =	vbroadcast v12, $0x0;
	_ =	sdelay $0x1  }
0x218: {  	s3 =	sor.u32 $0x780, s3;
	v56 =	vsub.f32 $1.000000000e+00, v12  }
0x219: {  	v57 =	vor.u32 s3, v0  }
0x21a: {  	v58 =	vor.u32 v3, v9;
	v10 =	vmul.f32 v10, v12;
	v13 =	vmul.f32 v55, v56;
	_ =	sdelay $0x1  }
0x21b: {  	v10 =	vadd.f32 v10, v13;
	_ =	sdelay $0x1  }
0x21c: {  	[tilespmem:v57+s21+$0x0] =	vst.idx.msk $0xffff, v10  }
0x21d: {  	v10 =	vld.idx.msk [tilespmem:v58+s19+$0x0], $0xffff  }
0x21e: {  	v59 =	vld.idx.msk [tilespmem:v58+s11+$0x0], $0xffff;
	_ =	sdelay $0x3  }
0x21f: {  	v60 =	vor.u32 s3, v4  }
0x220: {  	v61 =	vor.u32 v5, v9;
	v10 =	vmul.f32 v10, v56;
	v13 =	vmul.f32 v59, v12;
	_ =	sdelay $0x1  }
0x221: {  	v10 =	vadd.f32 v13, v10;
	_ =	sdelay $0x1  }
0x222: {  	[tilespmem:v60+s21+$0x0] =	vst.idx.msk $0xffff, v10  }
0x223: {  	v10 =	vld.idx.msk [tilespmem:v61+s19+$0x0], $0xffff  }
0x224: {  	v62 =	vld.idx.msk [tilespmem:v61+s11+$0x0], $0xffff;
	_ =	sdelay $0x3  }
0x225: {  	v63 =	vor.u32 s3, v6;
	v9 =	vor.u32 v7, v9  }
0x226: {  	(v2sf) =	vpush v11, $0x7;
	v10 =	vmul.f32 v10, v56;
	v13 =	vmul.f32 v62, v12;
	_ =	sdelay $0x1  }
0x227: {  	v10 =	vadd.f32 v13, v10;
	_ =	sdelay $0x1  }
0x228: {  	[tilespmem:v63+s21+$0x0] =	vst.idx.msk $0xffff, v10  }
0x229: {  	v10 =	vld.idx.msk [tilespmem:v9+s19+$0x0], $0xffff  }
0x22a: {  	v9 =	vld.idx.msk [tilespmem:v9+s11+$0x0], $0xffff;
	_ =	sdelay $0x3  }
0x22b: {  	s0 =	sadd.s32 $0x10, s0;
	v11 =	vor.u32 s3, v8  }
0x22c: {  	p0 =	sne.s32 s0, $0x200;
	v10 =	vmul.f32 v10, v56;
	v9 =	vmul.f32 v9, v12  }
.Ltmp0:
0x22d: {  	_ = 	snop;
	(pc) =	sbr.rel @p0 .LBB2_2-.Ltmp0, $3  }
0x22e: {  	v9 =	vadd.f32 v9, v10;
	_ =	sdelay $0x1  }
0x22f: {  	s1 =	sadd.s32 $0x1, s1;
	s31 =	sadd.s32 $0x10, s31;
	s5 =	spop (v2sf);
	[tilespmem:v11+s21+$0x0] =	vst.idx.msk $0xffff, v9  }
0x230: {  	[tilespmem:s19], [sflag:$0x8] =	stream.strided.gather [hbm4b:s5+s9], $0x2000, s10, s9, $0x38;
	[tilespmem:$0x1A200] =	vst v63  }
0x231: {  	_ =	swait.ge [sflag:s20], $0x2000  }
0x232: {  	[sflag:s20] =	ssyncset.done $0x0  }
0x233: {  	[sflag:s20] =	ssyncadd.s32 $0xFFFFE000  }
0x234: {  	_ =	swait.ge [sflag:s22], $0x2000  }
0x235: {  	[sflag:s22] =	ssyncset.done $0x0  }
0x236: {  	[sflag:s22] =	ssyncadd.s32 $0xFFFFE000  }
0x237: {  	_ =	swait.ge [sflag:s23], $0x2000  }
0x238: {  	[sflag:s23] =	ssyncset.done $0x0  }
0x239: {  	[sflag:s23] =	ssyncadd.s32 $0xFFFFE000  }
0x23a: {  	_ =	swait.ge [sflag:s24], $0x2000  }
0x23b: {  	[sflag:s24] =	ssyncset.done $0x0  }
0x23c: {  	[sflag:s24] =	ssyncadd.s32 $0xFFFFE000  }
0x23d: {  	_ =	swait.ge [sflag:s25], $0x2000  }
0x23e: {  	[sflag:s25] =	ssyncset.done $0x0  }
0x23f: {  	[sflag:s25] =	ssyncadd.s32 $0xFFFFE000  }
0x240: {  	_ =	swait.ge [sflag:s26], $0x2000  }
0x241: {  	[sflag:s26] =	ssyncset.done $0x0  }
0x242: {  	[sflag:s26] =	ssyncadd.s32 $0xFFFFE000  }
0x243: {  	_ =	swait.ge [sflag:s28], $0x2000  }
0x244: {  	[sflag:s28] =	ssyncset.done $0x0  }
0x245: {  	[sflag:s28] =	ssyncadd.s32 $0xFFFFE000  }
0x246: {  	s30 =	sadd.s32 $0x1, s30;
	_ =	swait.ge [sflag:s29], $0x2000  }
0x247: {  	p0 =	sne.s32 s30, s7;
	[sflag:s29] =	ssyncset.done $0x0  }
.Ltmp1:
0x248: {  	s31 =	simm.s32 $0x0;
	[sflag:s29] =	ssyncadd.s32 $0xFFFFE000;
	(pc) =	sbr.rel @p0 .LBB2_1-.Ltmp1, $4  }
0x249: {  	[hbm4b:s6+s31] =	stream.linear.scatter [tilespmem:s21], [sflag:$0x9], $0x8000, $0x38;
	[tilespmem:$0x1A200] =	vst v63  }
0x24a: {  	_ =	swait.ge [sflag:s8], $0x8000  }
0x24b: {  	[sflag:s8] =	ssyncset.done $0x0  }
0x24c: {  	[sflag:s8] =	ssyncadd.s32 $0xFFFF8000  }
0x24d: {  	_ =	sfence.sel $0x180000  }
0x24e: {  	[bflag:$0x0] =	sbarrier.arrive $0xFFFF  }
0x24f: {  	_ =	strace $0x90000047  }
0x250: {  	s0 =	stileid.u32;
	[bflag:$0x2] =	sbarrier.arrive $0xFFFF  }
0x251: {  	p0 =	sne.s32 s0, $0x0;
	s0 =	rddreg [dreg:$0x3]  }
0x252: {  	s0 =	sadd.s32 @!p0 $0x100000, s0  }
0x253: {  	[sflag:s0] =	ssyncadd.tile.s32 @!p0 $0x1;
	_ =	shalt  }
.Lfunc_end2:
_tile_overlayer_lowered:
.L_overlay_start_2:
0x254: {  	(tag) =	ssettag $0x2  }
0x255: {  	s0 =	rddreg [dreg:$0x0];
	s2 =	stileid.u32  }
0x256: {  	s1 =	rddreg [dreg:$0x1];
	p0 =	sne.s32 s2, $0x0  }
0x257: {  	s3 =	rddreg [dreg:$0x2];
	[bflag:$0x3] =	sbarrier.arrive $0xFFFF;
	s2 =	simm.s32 @!p0 $0x1C09  }
0x258: {  	[timem:s3], [sflag:s2] =	dma.local @!p0 [hbm:s0], s1  }
0x259: {  	s0 =	simm.s32 @!p0 $0x9  }
0x25a: {  	_ =	swait.ge @!p0 [sflag:s0], s1  }
0x25b: {  	s1 =	ssub.s32 @!p0 $0x0, s1;
	[sflag:s0] =	ssyncset.done @!p0 $0x0  }
0x25c: {  	[sflag:s0] =	ssyncadd.s32 @!p0 s1  }
0x25d: {  	[bflag:$0x3] =	sbarrier.arrive $0xFFFF  }
0x25e: {  	_ =	shalt  }

</sc_bundles>
